<compile_context>
chip_gen: v7x
topology: tpu7x:2x2x1
jax: 0.10.2.dev20260603
libtpu: 0.0.44.dev20260713+nightly
codegen_flags: <defaults>
</compile_context>

<pallas_src>
import functools

import jax
import jax.numpy as jnp
import numpy as np
from jax import lax
from jax.experimental import pallas as pl
from jax.experimental.pallas import tpu as pltpu
from jax.experimental.pallas import tpu_sc as plsc

N_NODES = 10000
D = 256
HALF = 128
N_GRAPHS = 5
N_EDGES = 160000
E_TOT = N_GRAPHS * N_EDGES
NSUB = 16
CHUNK = 40
N_CHUNKS = 1256
E_PAD = NSUB * N_CHUNKS * CHUNK
PK_ROWS = E_PAD // CHUNK
OUT_ROWS_PER_SUB = N_NODES // NSUB
IRING = 4

_PERM = np.arange(HALF)
_PERM = (_PERM // 32) * 32 + (_PERM % 32) // 2 + 16 * (_PERM % 2)


def _proj_body(x_ref, w_ref, o_ref):
    o_ref[...] = lax.dot_general(
        x_ref[...], w_ref[...], (((1,), (1,)), ((), ())),
        precision=lax.Precision.HIGHEST).astype(jnp.bfloat16)


def _project(x, W2):
    RB = 1000
    nblk = N_NODES // RB
    return pl.pallas_call(
        _proj_body,
        grid=(2, nblk),
        in_specs=[
            pl.BlockSpec((RB, D), lambda h, i: (i, 0)),
            pl.BlockSpec((HALF, D), lambda h, i: (h, 0)),
        ],
        out_specs=pl.BlockSpec((RB, HALF), lambda h, i: (h * nblk + i, 0)),
        out_shape=jax.ShapeDtypeStruct((2 * N_NODES, HALF), jnp.bfloat16),
    )(x, W2)


def _vals_body(v_ref, a_ref, o_ref):
    o_ref[...] = v_ref[...] * jax.nn.sigmoid(a_ref[...])


def _scale_vals(lap_val, alpha):
    return pl.pallas_call(
        _vals_body,
        in_specs=[
            pl.BlockSpec((N_GRAPHS, N_EDGES), lambda: (0, 0)),
            pl.BlockSpec((N_GRAPHS, 1), lambda: (0, 0)),
        ],
        out_specs=pl.BlockSpec((N_GRAPHS, N_EDGES), lambda: (0, 0)),
        out_shape=jax.ShapeDtypeStruct((N_GRAPHS, N_EDGES), jnp.float32),
    )(lap_val, alpha)


def _sc_body(pk_hbm, proj_hbm, z_hbm, out_hbm, idx_v, g_v, s_v, proj_sp, acc,
             sg0, sg1, ss0, si0, si1, si2, si3):
    c_ax = lax.axis_index("c")
    s_ax = lax.axis_index("s")
    sg = (sg0, sg1)
    si = (si0, si1, si2, si3)

    rows = pl.ds(s_ax * OUT_ROWS_PER_SUB, OUT_ROWS_PER_SUB)
    pltpu.sync_copy(
        proj_hbm.at[pl.ds(c_ax * N_NODES + s_ax * OUT_ROWS_PER_SUB,
                          OUT_ROWS_PER_SUB)],
        proj_sp.at[rows])
    pltpu.sync_copy(z_hbm.at[rows], acc.at[rows])
    plsc.subcore_barrier()

    base_row = s_ax * N_CHUNKS

    def fire_idx(c, q):
        return pltpu.async_copy(pk_hbm.at[base_row + c], idx_v.at[q], si[q])

    def fire_gather(c, b, q):
        del c
        return pltpu.async_copy(proj_sp.at[idx_v.at[q, 0]], g_v.at[b], sg[b])

    def scale(b, q):
        vals_row = idx_v.at[q, 2]

        @plsc.parallel_loop(0, CHUNK, unroll=8)
        def _edge(e):
            vf = plsc.bitcast(
                plsc.load_gather(vals_row, [jnp.full((16,), e, jnp.int32)]),
                jnp.float32)
            grow = g_v.at[b, e]
            srow = s_v.at[e]
            for t in range(4):
                w = grow[pl.ds(t * 32, 32)]
                a, bb = plsc.unpack(w, format=plsc.PackFormat.INTERLEAVED)
                srow[pl.ds(t * 32, 16)] = a * vf
                srow[pl.ds(t * 32 + 16, 16)] = bb * vf

    def fire_scatter(q):
        return pltpu.async_copy(s_v, acc.at[idx_v.at[q, 1]], ss0, add=True)

    cp = fire_idx(0, 0)
    fire_idx(1, 1)
    cp.wait()
    fire_gather(0, 0, 0)

    @pl.loop(0, N_CHUNKS // 4)
    def _block(k):
        c0 = k * 4
        for pp in range(4):
            c = c0 + pp
            b = pp % 2
            q = pp % IRING
            qn = (pp + 1) % IRING
            q2 = (pp + 2) % IRING

            pltpu.make_async_copy(proj_sp.at[idx_v.at[q, 0]], g_v.at[b],
                                  sg[b]).wait()

            @pl.when(c + 1 < N_CHUNKS)
            def _():
                pltpu.make_async_copy(pk_hbm.at[base_row + c + 1],
                                      idx_v.at[qn], si[qn]).wait()
                fire_gather(c + 1, 1 - b, qn)

            @pl.when(c >= 1)
            def _():
                pltpu.make_async_copy(s_v, acc.at[idx_v.at[q2, 1]],
                                      ss0).wait()

            scale(b, q)
            fire_scatter(q)

            @pl.when(c + 2 < N_CHUNKS)
            def _():
                fire_idx(c + 2, q2)

    q_last = (N_CHUNKS - 1) % IRING
    pltpu.make_async_copy(s_v, acc.at[idx_v.at[q_last, 1]], ss0).wait()

    plsc.subcore_barrier()
    pltpu.sync_copy(
        acc.at[rows],
        out_hbm.at[rows, pl.ds(c_ax * HALF, HALF)])


def _spmm(pk, proj_bf16, zeros):
    mesh = plsc.VectorSubcoreMesh(
        core_axis_name="c", subcore_axis_name="s", num_cores=2,
        num_subcores=NSUB)
    run = functools.partial(
        pl.kernel,
        out_type=jax.ShapeDtypeStruct((N_NODES, D), jnp.float32),
        mesh=mesh,
        scratch_types=[
            pltpu.VMEM((IRING, 3, CHUNK), jnp.int32),
            pltpu.VMEM((2, CHUNK, HALF), jnp.bfloat16),
            pltpu.VMEM((CHUNK, HALF), jnp.float32),
            pltpu.VMEM_SHARED((N_NODES, HALF), jnp.bfloat16),
            pltpu.VMEM_SHARED((N_NODES, HALF), jnp.float32),
        ] + [pltpu.SemaphoreType.DMA] * 7,
        compiler_params=pltpu.CompilerParams(
            use_tc_tiling_on_sc=False, needs_layout_passes=False),
    )(_sc_body)
    return run(pk, proj_bf16, zeros)


def kernel(company_emb, lap_idx, lap_val, W, alpha):
    row_order = jnp.asarray(
        np.concatenate([_PERM, HALF + _PERM]), dtype=jnp.int32)
    W2 = W[row_order]
    proj_cat = _project(company_emb, W2)
    vals2 = _scale_vals(lap_val, alpha)

    idx32 = lap_idx.astype(jnp.int32)
    dsts = idx32[:, 0, :].reshape(-1)
    cols = idx32[:, 1, :].reshape(-1)
    valsf = vals2.reshape(-1)
    pad = E_PAD - E_TOT
    d2 = jnp.pad(dsts, (0, pad)).reshape(PK_ROWS, CHUNK)
    c2 = jnp.pad(cols, (0, pad)).reshape(PK_ROWS, CHUNK)
    v2 = lax.bitcast_convert_type(
        jnp.pad(valsf, (0, pad)), jnp.int32).reshape(PK_ROWS, CHUNK)
    pk = jnp.stack([c2, d2, v2], axis=1)
    zeros = jnp.zeros((N_NODES, HALF), jnp.float32)
    return _spmm(pk, proj_cat, zeros)

# --- scband reference (transcript-rebuilt; emitter-appended) ---
"""Pipeline reference for scband-hyper-gnn-15393162788996 (READ-ONLY COPY).

The authoritative reference and input builder live on the scoring server;
editing this copy changes nothing except your own understanding.
"""

import jax, jax.numpy as jnp
import numpy as np

N_NODES = 10000
D = 256
N_GRAPHS = 5
N_EDGES = 160000

def setup_inputs(seed: int = 0) -> dict:
    key = jax.random.key(seed)
    k1, k2, k3, k4, k5 = jax.random.split(key, 5)
    company_emb = jax.random.normal(k1, (N_NODES, D), dtype=jnp.float32)
    lap_idx = jax.random.randint(k2, (N_GRAPHS, 2, N_EDGES), 0, N_NODES, dtype=jnp.int64)
    lap_val = jax.random.normal(k3, (N_GRAPHS, N_EDGES), dtype=jnp.float32)
    # Learned parameters: proj (Linear, no bias) weight [out, in], alpha [hyper_edge_num, 1]
    W = jax.random.normal(k4, (D, D), dtype=jnp.float32) * (1.0 / np.sqrt(D))
    # glorot init for alpha: std = sqrt(6/(fan_in+fan_out)) with shape (5,1)
    std = float(np.sqrt(6.0 / (N_GRAPHS + 1)))
    alpha = jax.random.uniform(k5, (N_GRAPHS, 1), dtype=jnp.float32, minval=-std, maxval=std)
    return {"company_emb": company_emb, "lap_idx": lap_idx, "lap_val": lap_val, "W": W, "alpha": alpha}

def reference(company_emb, lap_idx, lap_val, W, alpha):
    # proj = nn.Linear(input_dim, output_dim, bias=False): x @ W.T
    proj = company_emb @ W.T
    a = jax.nn.sigmoid(alpha)
    res = jnp.zeros_like(proj)
    for i in range(N_GRAPHS):
        rows = lap_idx[i, 0]
        cols = lap_idx[i, 1]
        vals = lap_val[i]
        # sparse Laplacian @ proj  (COO spmm: gather on cols, scale, scatter-add on rows)
        gathered = jnp.take(proj, cols, axis=0) * vals[:, None]
        com = jnp.zeros_like(proj).at[rows].add(gathered)
        res = res + com * a[i]
    return res

if __name__ == "__main__":
    import jax
    _d = setup_inputs()
    print(jax.jit(kernel)(*tuple(_d.values())))

</pallas_src>

<mosaic_0001>
#map = affine_map<(d0, d1) -> (0, 0, 0)>
#map1 = affine_map<(d0, d1) -> (0, 0)>
module attributes {stable_mosaic.version = 14 : i64} {
  func.func @_sc_body(%arg0: i32, %arg1: i32, %arg2: memref<20096x3x40xi32, #tpu.memory_space<hbm>>, %arg3: memref<20000x128xbf16, #tpu.memory_space<hbm>>, %arg4: memref<10000x128xf32, #tpu.memory_space<hbm>>, %arg5: memref<10000x256xf32, #tpu.memory_space<hbm>>, %arg6: memref<4x3x40xi32, #tpu.memory_space<vmem>>, %arg7: memref<2x40x128xbf16, #tpu.memory_space<vmem>>, %arg8: memref<40x128xf32, #tpu.memory_space<vmem>>, %arg9: memref<10000x128xbf16, #tpu.memory_space<vmem_shared>>, %arg10: memref<10000x128xf32, #tpu.memory_space<vmem_shared>>, %arg11: memref<!tpu.dma_semaphore, #tpu.memory_space<semaphore_mem>>, %arg12: memref<!tpu.dma_semaphore, #tpu.memory_space<semaphore_mem>>, %arg13: memref<!tpu.dma_semaphore, #tpu.memory_space<semaphore_mem>>, %arg14: memref<!tpu.dma_semaphore, #tpu.memory_space<semaphore_mem>>, %arg15: memref<!tpu.dma_semaphore, #tpu.memory_space<semaphore_mem>>, %arg16: memref<!tpu.dma_semaphore, #tpu.memory_space<semaphore_mem>>, %arg17: memref<!tpu.dma_semaphore, #tpu.memory_space<semaphore_mem>>) attributes {dimension_semantics = [#tpu.dimension_semantics<core_parallel>, #tpu.dimension_semantics<subcore_parallel>], iteration_bounds = array<i64: 2, 16>, scalar_prefetch = 0 : i64, scratch_operands = 12 : i64, tpu.core_type = #tpu.core_type<sc_vector_subcore>, window_params = [{transform_indices = #map}, {transform_indices = #map1}, {transform_indices = #map1}, {transform_indices = #map1}]} {
    %mul3A = arith.constant 625 : i32
    %mul3A_0 = arith.muli %arg1, %mul3A : i32
    %mul3A_1 = arith.constant 10000 : i32
    %mul3A_2 = arith.muli %arg0, %mul3A_1 : i32
    %mul3A_3 = arith.constant 625 : i32
    %mul3A_4 = arith.muli %arg1, %mul3A_3 : i32
    %add3A = arith.addi %mul3A_2, %mul3A_4 : i32
    "tpu.region"() ({
      %run_scoped3A = tpu.sem_alloc : memref<!tpu.dma_semaphore, #tpu.memory_space<semaphore_mem>>
      %dma_start3A_88 = arith.constant 0 : i32
      %dma_start3A_89 = tpu.memref_slice %arg9[%mul3A_0, %dma_start3A_88] : memref<10000x128xbf16, #tpu.memory_space<vmem_shared>> -> memref<625x128xbf16, #tpu.memory_space<vmem_shared>>
      %dma_start3A_90 = arith.constant 0 : i32
      %dma_start3A_91 = tpu.memref_slice %arg3[%add3A, %dma_start3A_90] : memref<20000x128xbf16, #tpu.memory_space<hbm>> -> memref<625x128xbf16, #tpu.memory_space<hbm>>
      tpu.enqueue_dma source(%dma_start3A_91 : memref<625x128xbf16, #tpu.memory_space<hbm>>) target(%dma_start3A_89 : memref<625x128xbf16, #tpu.memory_space<vmem_shared>>) target_semaphore(%run_scoped3A : memref<!tpu.dma_semaphore, #tpu.memory_space<semaphore_mem>>)
      %dma_wait3A_92 = arith.constant 0 : i32
      %dma_wait3A_93 = tpu.memref_slice %arg9[%mul3A_0, %dma_wait3A_92] : memref<10000x128xbf16, #tpu.memory_space<vmem_shared>> -> memref<625x128xbf16, #tpu.memory_space<vmem_shared>>
      %dma_wait3A_94 = arith.constant 0 : i32
      %dma_wait3A_95 = tpu.memref_slice %arg3[%add3A, %dma_wait3A_94] : memref<20000x128xbf16, #tpu.memory_space<hbm>> -> memref<625x128xbf16, #tpu.memory_space<hbm>>
      tpu.wait_dma2 semaphore(%run_scoped3A : memref<!tpu.dma_semaphore, #tpu.memory_space<semaphore_mem>>) src(%dma_wait3A_95 : memref<625x128xbf16, #tpu.memory_space<hbm>>) dst(%dma_wait3A_93 : memref<625x128xbf16, #tpu.memory_space<vmem_shared>>)
      tpu.yield
    }) : () -> ()
    "tpu.region"() ({
      %run_scoped3A = tpu.sem_alloc : memref<!tpu.dma_semaphore, #tpu.memory_space<semaphore_mem>>
      %dma_start3A_88 = arith.constant 0 : i32
      %dma_start3A_89 = tpu.memref_slice %arg10[%mul3A_0, %dma_start3A_88] : memref<10000x128xf32, #tpu.memory_space<vmem_shared>> -> memref<625x128xf32, #tpu.memory_space<vmem_shared>>
      %dma_start3A_90 = arith.constant 0 : i32
      %dma_start3A_91 = tpu.memref_slice %arg4[%mul3A_0, %dma_start3A_90] : memref<10000x128xf32, #tpu.memory_space<hbm>> -> memref<625x128xf32, #tpu.memory_space<hbm>>
      tpu.enqueue_dma source(%dma_start3A_91 : memref<625x128xf32, #tpu.memory_space<hbm>>) target(%dma_start3A_89 : memref<625x128xf32, #tpu.memory_space<vmem_shared>>) target_semaphore(%run_scoped3A : memref<!tpu.dma_semaphore, #tpu.memory_space<semaphore_mem>>)
      %dma_wait3A_92 = arith.constant 0 : i32
      %dma_wait3A_93 = tpu.memref_slice %arg10[%mul3A_0, %dma_wait3A_92] : memref<10000x128xf32, #tpu.memory_space<vmem_shared>> -> memref<625x128xf32, #tpu.memory_space<vmem_shared>>
      %dma_wait3A_94 = arith.constant 0 : i32
      %dma_wait3A_95 = tpu.memref_slice %arg4[%mul3A_0, %dma_wait3A_94] : memref<10000x128xf32, #tpu.memory_space<hbm>> -> memref<625x128xf32, #tpu.memory_space<hbm>>
      tpu.wait_dma2 semaphore(%run_scoped3A : memref<!tpu.dma_semaphore, #tpu.memory_space<semaphore_mem>>) src(%dma_wait3A_95 : memref<625x128xf32, #tpu.memory_space<hbm>>) dst(%dma_wait3A_93 : memref<625x128xf32, #tpu.memory_space<vmem_shared>>)
      tpu.yield
    }) : () -> ()
    %barrier3A = arith.constant 0 : index
    tpu.barrier barrier_id(%barrier3A)
    %mul3A_5 = arith.constant 1256 : i32
    %mul3A_6 = arith.muli %arg1, %mul3A_5 : i32
    %add3A_7 = arith.constant 0 : i32
    %add3A_8 = arith.addi %mul3A_6, %add3A_7 : i32
    %dma_start3A = arith.constant 0 : i32
    %dma_start3A_9 = arith.constant 0 : i32
    %dma_start3A_10 = arith.constant 0 : i32
    %dma_start3A_11 = tpu.memref_slice %arg6[%dma_start3A, %dma_start3A_9, %dma_start3A_10] : memref<4x3x40xi32, #tpu.memory_space<vmem>> -> memref<1x3x40xi32, #tpu.memory_space<vmem>>
    %dma_start3A_12 = tpu.memref_squeeze %dma_start3A_11 : memref<1x3x40xi32, #tpu.memory_space<vmem>> -> memref<3x40xi32, #tpu.memory_space<vmem>>
    %dma_start3A_13 = arith.constant 0 : i32
    %dma_start3A_14 = arith.constant 0 : i32
    %dma_start3A_15 = tpu.memref_slice %arg2[%add3A_8, %dma_start3A_13, %dma_start3A_14] : memref<20096x3x40xi32, #tpu.memory_space<hbm>> -> memref<1x3x40xi32, #tpu.memory_space<hbm>>
    %dma_start3A_16 = tpu.memref_squeeze %dma_start3A_15 : memref<1x3x40xi32, #tpu.memory_space<hbm>> -> memref<3x40xi32, #tpu.memory_space<hbm>>
    %dma_start3A_17 = arith.constant 0 : i32
    %dma_start3A_18 = arith.constant 0 : i32
    %dma_start3A_19 = tpu.memref_slice %arg6[%dma_start3A, %dma_start3A_17, %dma_start3A_18] : memref<4x3x40xi32, #tpu.memory_space<vmem>> -> memref<1x3x40xi32, #tpu.memory_space<vmem>>
    %dma_start3A_20 = tpu.memref_squeeze %dma_start3A_19 : memref<1x3x40xi32, #tpu.memory_space<vmem>> -> memref<3x40xi32, #tpu.memory_space<vmem>>
    %dma_start3A_21 = arith.constant 0 : i32
    %dma_start3A_22 = arith.constant 0 : i32
    %dma_start3A_23 = tpu.memref_slice %arg2[%add3A_8, %dma_start3A_21, %dma_start3A_22] : memref<20096x3x40xi32, #tpu.memory_space<hbm>> -> memref<1x3x40xi32, #tpu.memory_space<hbm>>
    %dma_start3A_24 = tpu.memref_squeeze %dma_start3A_23 : memref<1x3x40xi32, #tpu.memory_space<hbm>> -> memref<3x40xi32, #tpu.memory_space<hbm>>
    tpu.enqueue_dma source(%dma_start3A_24 : memref<3x40xi32, #tpu.memory_space<hbm>>) target(%dma_start3A_20 : memref<3x40xi32, #tpu.memory_space<vmem>>) target_semaphore(%arg14 : memref<!tpu.dma_semaphore, #tpu.memory_space<semaphore_mem>>)
    %add3A_25 = arith.constant 1 : i32
    %add3A_26 = arith.addi %mul3A_6, %add3A_25 : i32
    %dma_start3A_27 = arith.constant 1 : i32
    %dma_start3A_28 = arith.constant 0 : i32
    %dma_start3A_29 = arith.constant 0 : i32
    %dma_start3A_30 = tpu.memref_slice %arg6[%dma_start3A_27, %dma_start3A_28, %dma_start3A_29] : memref<4x3x40xi32, #tpu.memory_space<vmem>> -> memref<1x3x40xi32, #tpu.memory_space<vmem>>
    %dma_start3A_31 = tpu.memref_squeeze %dma_start3A_30 : memref<1x3x40xi32, #tpu.memory_space<vmem>> -> memref<3x40xi32, #tpu.memory_space<vmem>>
    %dma_start3A_32 = arith.constant 0 : i32
    %dma_start3A_33 = arith.constant 0 : i32
    %dma_start3A_34 = tpu.memref_slice %arg2[%add3A_26, %dma_start3A_32, %dma_start3A_33] : memref<20096x3x40xi32, #tpu.memory_space<hbm>> -> memref<1x3x40xi32, #tpu.memory_space<hbm>>
    %dma_start3A_35 = tpu.memref_squeeze %dma_start3A_34 : memref<1x3x40xi32, #tpu.memory_space<hbm>> -> memref<3x40xi32, #tpu.memory_space<hbm>>
    %dma_start3A_36 = arith.constant 0 : i32
    %dma_start3A_37 = arith.constant 0 : i32
    %dma_start3A_38 = tpu.memref_slice %arg6[%dma_start3A_27, %dma_start3A_36, %dma_start3A_37] : memref<4x3x40xi32, #tpu.memory_space<vmem>> -> memref<1x3x40xi32, #tpu.memory_space<vmem>>
    %dma_start3A_39 = tpu.memref_squeeze %dma_start3A_38 : memref<1x3x40xi32, #tpu.memory_space<vmem>> -> memref<3x40xi32, #tpu.memory_space<vmem>>
    %dma_start3A_40 = arith.constant 0 : i32
    %dma_start3A_41 = arith.constant 0 : i32
    %dma_start3A_42 = tpu.memref_slice %arg2[%add3A_26, %dma_start3A_40, %dma_start3A_41] : memref<20096x3x40xi32, #tpu.memory_space<hbm>> -> memref<1x3x40xi32, #tpu.memory_space<hbm>>
    %dma_start3A_43 = tpu.memref_squeeze %dma_start3A_42 : memref<1x3x40xi32, #tpu.memory_space<hbm>> -> memref<3x40xi32, #tpu.memory_space<hbm>>
    tpu.enqueue_dma source(%dma_start3A_43 : memref<3x40xi32, #tpu.memory_space<hbm>>) target(%dma_start3A_39 : memref<3x40xi32, #tpu.memory_space<vmem>>) target_semaphore(%arg15 : memref<!tpu.dma_semaphore, #tpu.memory_space<semaphore_mem>>)
    %dma_wait3A = arith.constant 0 : i32
    %dma_wait3A_44 = arith.constant 0 : i32
    %dma_wait3A_45 = arith.constant 0 : i32
    %dma_wait3A_46 = tpu.memref_slice %arg6[%dma_wait3A, %dma_wait3A_44, %dma_wait3A_45] : memref<4x3x40xi32, #tpu.memory_space<vmem>> -> memref<1x3x40xi32, #tpu.memory_space<vmem>>
    %dma_wait3A_47 = tpu.memref_squeeze %dma_wait3A_46 : memref<1x3x40xi32, #tpu.memory_space<vmem>> -> memref<3x40xi32, #tpu.memory_space<vmem>>
    %dma_wait3A_48 = arith.constant 0 : i32
    %dma_wait3A_49 = arith.constant 0 : i32
    %dma_wait3A_50 = tpu.memref_slice %arg2[%add3A_8, %dma_wait3A_48, %dma_wait3A_49] : memref<20096x3x40xi32, #tpu.memory_space<hbm>> -> memref<1x3x40xi32, #tpu.memory_space<hbm>>
    %dma_wait3A_51 = tpu.memref_squeeze %dma_wait3A_50 : memref<1x3x40xi32, #tpu.memory_space<hbm>> -> memref<3x40xi32, #tpu.memory_space<hbm>>
    %dma_wait3A_52 = arith.constant 0 : i32
    %dma_wait3A_53 = arith.constant 0 : i32
    %dma_wait3A_54 = tpu.memref_slice %arg6[%dma_wait3A, %dma_wait3A_52, %dma_wait3A_53] : memref<4x3x40xi32, #tpu.memory_space<vmem>> -> memref<1x3x40xi32, #tpu.memory_space<vmem>>
    %dma_wait3A_55 = tpu.memref_squeeze %dma_wait3A_54 : memref<1x3x40xi32, #tpu.memory_space<vmem>> -> memref<3x40xi32, #tpu.memory_space<vmem>>
    %dma_wait3A_56 = arith.constant 0 : i32
    %dma_wait3A_57 = arith.constant 0 : i32
    %dma_wait3A_58 = tpu.memref_slice %arg2[%add3A_8, %dma_wait3A_56, %dma_wait3A_57] : memref<20096x3x40xi32, #tpu.memory_space<hbm>> -> memref<1x3x40xi32, #tpu.memory_space<hbm>>
    %dma_wait3A_59 = tpu.memref_squeeze %dma_wait3A_58 : memref<1x3x40xi32, #tpu.memory_space<hbm>> -> memref<3x40xi32, #tpu.memory_space<hbm>>
    tpu.wait_dma2 semaphore(%arg14 : memref<!tpu.dma_semaphore, #tpu.memory_space<semaphore_mem>>) src(%dma_wait3A_59 : memref<3x40xi32, #tpu.memory_space<hbm>>) dst(%dma_wait3A_55 : memref<3x40xi32, #tpu.memory_space<vmem>>)
    %dma_start3A_60 = arith.constant 0 : i32
    %dma_start3A_61 = arith.constant 0 : i32
    %dma_start3A_62 = arith.constant 0 : i32
    %dma_start3A_63 = arith.constant 0 : i32
    %dma_start3A_64 = arith.constant 0 : i32
    %dma_start3A_65 = tpu.memref_slice %arg7[%dma_start3A_62, %dma_start3A_63, %dma_start3A_64] : memref<2x40x128xbf16, #tpu.memory_space<vmem>> -> memref<1x40x128xbf16, #tpu.memory_space<vmem>>
    %dma_start3A_66 = tpu.memref_squeeze %dma_start3A_65 : memref<1x40x128xbf16, #tpu.memory_space<vmem>> -> memref<40x128xbf16, #tpu.memory_space<vmem>>
    %dma_start3A_67 = arith.constant 0 : i32
    %dma_start3A_68 = tpu.memref_slice %arg6[%dma_start3A_60, %dma_start3A_61, %dma_start3A_67] : memref<4x3x40xi32, #tpu.memory_space<vmem>> -> memref<1x1x40xi32, #tpu.memory_space<vmem>>
    %dma_start3A_69 = tpu.memref_squeeze %dma_start3A_68 : memref<1x1x40xi32, #tpu.memory_space<vmem>> -> memref<40xi32, #tpu.memory_space<vmem>>
    %dma_start3A_70 = arith.constant 0 : i32
    %dma_start3A_71 = arith.constant 0 : i32
    %dma_start3A_72 = tpu.memref_slice %arg9[%dma_start3A_70, %dma_start3A_71] : memref<10000x128xbf16, #tpu.memory_space<vmem_shared>> -> memref<10000x128xbf16, #tpu.memory_space<vmem_shared>>
    tpu.enqueue_indirect_dma source(%dma_start3A_72 : memref<10000x128xbf16, #tpu.memory_space<vmem_shared>>) target(%dma_start3A_66 : memref<40x128xbf16, #tpu.memory_space<vmem>>) offsets(%dma_start3A_69 : memref<40xi32, #tpu.memory_space<vmem>>) semaphore(%arg11 : memref<!tpu.dma_semaphore, #tpu.memory_space<semaphore_mem>>)
    %scan3A = arith.constant 0 : i32
    %scan3A_73 = arith.constant 314 : i32
    %scan3A_74 = arith.addi %scan3A, %scan3A_73 : i32
    %scan3A_75 = arith.constant 1 : i32
    scf.for %scan3A_88 = %scan3A to %scan3A_74 step %scan3A_75  : i32 {
      %mul3A_89 = arith.constant 1 : i32
      %mul3A_90 = arith.muli %scan3A_88, %mul3A_89 : i32
      %add3A_91 = arith.constant 0 : i32
      %add3A_92 = arith.addi %add3A_91, %mul3A_90 : i32
      %mul3A_93 = arith.constant 4 : i32
      %mul3A_94 = arith.muli %add3A_92, %mul3A_93 : i32
      %add3A_95 = arith.constant 0 : i32
      %add3A_96 = arith.addi %mul3A_94, %add3A_95 : i32
      %dma_wait3A_97 = arith.constant 0 : i32
      %dma_wait3A_98 = arith.constant 0 : i32
      %dma_wait3A_99 = arith.constant 0 : i32
      %dma_wait3A_100 = arith.constant 0 : i32
      %dma_wait3A_101 = arith.constant 0 : i32
      %dma_wait3A_102 = tpu.memref_slice %arg7[%dma_wait3A_99, %dma_wait3A_100, %dma_wait3A_101] : memref<2x40x128xbf16, #tpu.memory_space<vmem>> -> memref<1x40x128xbf16, #tpu.memory_space<vmem>>
      %dma_wait3A_103 = tpu.memref_squeeze %dma_wait3A_102 : memref<1x40x128xbf16, #tpu.memory_space<vmem>> -> memref<40x128xbf16, #tpu.memory_space<vmem>>
      %dma_wait3A_104 = arith.constant 0 : i32
      %dma_wait3A_105 = tpu.memref_slice %arg6[%dma_wait3A_97, %dma_wait3A_98, %dma_wait3A_104] : memref<4x3x40xi32, #tpu.memory_space<vmem>> -> memref<1x1x40xi32, #tpu.memory_space<vmem>>
      %dma_wait3A_106 = tpu.memref_squeeze %dma_wait3A_105 : memref<1x1x40xi32, #tpu.memory_space<vmem>> -> memref<40xi32, #tpu.memory_space<vmem>>
      %dma_wait3A_107 = arith.constant 0 : i32
      %dma_wait3A_108 = arith.constant 0 : i32
      %dma_wait3A_109 = tpu.memref_slice %arg9[%dma_wait3A_107, %dma_wait3A_108] : memref<10000x128xbf16, #tpu.memory_space<vmem_shared>> -> memref<10000x128xbf16, #tpu.memory_space<vmem_shared>>
      tpu.wait_indirect_dma semaphore(%arg11 : memref<!tpu.dma_semaphore, #tpu.memory_space<semaphore_mem>>) src(%dma_wait3A_109 : memref<10000x128xbf16, #tpu.memory_space<vmem_shared>>) dst(%dma_wait3A_103 : memref<40x128xbf16, #tpu.memory_space<vmem>>)
      %add3A_110 = arith.constant 1 : i32
      %add3A_111 = arith.addi %add3A_96, %add3A_110 : i32
      %lt3A = arith.constant 1256 : i32
      %lt3A_112 = arith.cmpi slt, %add3A_111, %lt3A : i32
      %convert_element_type3A = arith.extui %lt3A_112 : i1 to i32
      %cond3A = arith.constant 0 : i32
      %cond3A_113 = arith.cmpi ne, %convert_element_type3A, %cond3A : i32
      scf.if %cond3A_113 {
        %add3A_278 = arith.addi %mul3A_6, %add3A_96 : i32
        %add3A_279 = arith.constant 1 : i32
        %add3A_280 = arith.addi %add3A_278, %add3A_279 : i32
        %dma_wait3A_281 = arith.constant 1 : i32
        %dma_wait3A_282 = arith.constant 0 : i32
        %dma_wait3A_283 = arith.constant 0 : i32
        %dma_wait3A_284 = tpu.memref_slice %arg6[%dma_wait3A_281, %dma_wait3A_282, %dma_wait3A_283] : memref<4x3x40xi32, #tpu.memory_space<vmem>> -> memref<1x3x40xi32, #tpu.memory_space<vmem>>
        %dma_wait3A_285 = tpu.memref_squeeze %dma_wait3A_284 : memref<1x3x40xi32, #tpu.memory_space<vmem>> -> memref<3x40xi32, #tpu.memory_space<vmem>>
        %dma_wait3A_286 = arith.constant 0 : i32
        %dma_wait3A_287 = arith.constant 0 : i32
        %dma_wait3A_288 = tpu.memref_slice %arg2[%add3A_280, %dma_wait3A_286, %dma_wait3A_287] : memref<20096x3x40xi32, #tpu.memory_space<hbm>> -> memref<1x3x40xi32, #tpu.memory_space<hbm>>
        %dma_wait3A_289 = tpu.memref_squeeze %dma_wait3A_288 : memref<1x3x40xi32, #tpu.memory_space<hbm>> -> memref<3x40xi32, #tpu.memory_space<hbm>>
        %dma_wait3A_290 = arith.constant 0 : i32
        %dma_wait3A_291 = arith.constant 0 : i32
        %dma_wait3A_292 = tpu.memref_slice %arg6[%dma_wait3A_281, %dma_wait3A_290, %dma_wait3A_291] : memref<4x3x40xi32, #tpu.memory_space<vmem>> -> memref<1x3x40xi32, #tpu.memory_space<vmem>>
        %dma_wait3A_293 = tpu.memref_squeeze %dma_wait3A_292 : memref<1x3x40xi32, #tpu.memory_space<vmem>> -> memref<3x40xi32, #tpu.memory_space<vmem>>
        %dma_wait3A_294 = arith.constant 0 : i32
        %dma_wait3A_295 = arith.constant 0 : i32
        %dma_wait3A_296 = tpu.memref_slice %arg2[%add3A_280, %dma_wait3A_294, %dma_wait3A_295] : memref<20096x3x40xi32, #tpu.memory_space<hbm>> -> memref<1x3x40xi32, #tpu.memory_space<hbm>>
        %dma_wait3A_297 = tpu.memref_squeeze %dma_wait3A_296 : memref<1x3x40xi32, #tpu.memory_space<hbm>> -> memref<3x40xi32, #tpu.memory_space<hbm>>
        tpu.wait_dma2 semaphore(%arg15 : memref<!tpu.dma_semaphore, #tpu.memory_space<semaphore_mem>>) src(%dma_wait3A_297 : memref<3x40xi32, #tpu.memory_space<hbm>>) dst(%dma_wait3A_293 : memref<3x40xi32, #tpu.memory_space<vmem>>)
        %add3A_298 = arith.constant 1 : i32
        %add3A_299 = arith.addi %add3A_96, %add3A_298 : i32
        %dma_start3A_300 = arith.constant 1 : i32
        %dma_start3A_301 = arith.constant 0 : i32
        %dma_start3A_302 = arith.constant 1 : i32
        %dma_start3A_303 = arith.constant 0 : i32
        %dma_start3A_304 = arith.constant 0 : i32
        %dma_start3A_305 = tpu.memref_slice %arg7[%dma_start3A_302, %dma_start3A_303, %dma_start3A_304] : memref<2x40x128xbf16, #tpu.memory_space<vmem>> -> memref<1x40x128xbf16, #tpu.memory_space<vmem>>
        %dma_start3A_306 = tpu.memref_squeeze %dma_start3A_305 : memref<1x40x128xbf16, #tpu.memory_space<vmem>> -> memref<40x128xbf16, #tpu.memory_space<vmem>>
        %dma_start3A_307 = arith.constant 0 : i32
        %dma_start3A_308 = tpu.memref_slice %arg6[%dma_start3A_300, %dma_start3A_301, %dma_start3A_307] : memref<4x3x40xi32, #tpu.memory_space<vmem>> -> memref<1x1x40xi32, #tpu.memory_space<vmem>>
        %dma_start3A_309 = tpu.memref_squeeze %dma_start3A_308 : memref<1x1x40xi32, #tpu.memory_space<vmem>> -> memref<40xi32, #tpu.memory_space<vmem>>
        %dma_start3A_310 = arith.constant 0 : i32
        %dma_start3A_311 = arith.constant 0 : i32
        %dma_start3A_312 = tpu.memref_slice %arg9[%dma_start3A_310, %dma_start3A_311] : memref<10000x128xbf16, #tpu.memory_space<vmem_shared>> -> memref<10000x128xbf16, #tpu.memory_space<vmem_shared>>
        tpu.enqueue_indirect_dma source(%dma_start3A_312 : memref<10000x128xbf16, #tpu.memory_space<vmem_shared>>) target(%dma_start3A_306 : memref<40x128xbf16, #tpu.memory_space<vmem>>) offsets(%dma_start3A_309 : memref<40xi32, #tpu.memory_space<vmem>>) semaphore(%arg12 : memref<!tpu.dma_semaphore, #tpu.memory_space<semaphore_mem>>)
      } else {
      }
      %ge3A = arith.constant 1 : i32
      %ge3A_114 = arith.cmpi sge, %add3A_96, %ge3A : i32
      %convert_element_type3A_115 = arith.extui %ge3A_114 : i1 to i32
      %cond3A_116 = arith.constant 0 : i32
      %cond3A_117 = arith.cmpi ne, %convert_element_type3A_115, %cond3A_116 : i32
      scf.if %cond3A_117 {
        %dma_wait3A_278 = arith.constant 2 : i32
        %dma_wait3A_279 = arith.constant 1 : i32
        %dma_wait3A_280 = arith.constant 0 : i32
        %dma_wait3A_281 = tpu.memref_slice %arg6[%dma_wait3A_278, %dma_wait3A_279, %dma_wait3A_280] : memref<4x3x40xi32, #tpu.memory_space<vmem>> -> memref<1x1x40xi32, #tpu.memory_space<vmem>>
        %dma_wait3A_282 = tpu.memref_squeeze %dma_wait3A_281 : memref<1x1x40xi32, #tpu.memory_space<vmem>> -> memref<40xi32, #tpu.memory_space<vmem>>
        %dma_wait3A_283 = arith.constant 0 : i32
        %dma_wait3A_284 = arith.constant 0 : i32
        %dma_wait3A_285 = tpu.memref_slice %arg10[%dma_wait3A_283, %dma_wait3A_284] : memref<10000x128xf32, #tpu.memory_space<vmem_shared>> -> memref<10000x128xf32, #tpu.memory_space<vmem_shared>>
        tpu.wait_indirect_dma semaphore(%arg13 : memref<!tpu.dma_semaphore, #tpu.memory_space<semaphore_mem>>) src(%arg8 : memref<40x128xf32, #tpu.memory_space<vmem>>) dst(%dma_wait3A_285 : memref<10000x128xf32, #tpu.memory_space<vmem_shared>>)
      } else {
      }
      %parallel_loop3A = arith.constant 0 : i32
      %parallel_loop3A_118 = arith.constant 40 : i32
      %parallel_loop3A_119 = arith.constant 1 : i32
      %parallel_loop3A_120 = arith.constant 0 : i32
      %parallel_loop3A_121 = arith.constant 2 : i32
      scf.for %parallel_loop3A_278 = %parallel_loop3A to %parallel_loop3A_118 step %parallel_loop3A_119  : i32 {
        %parallel_loop3A_279 = vector.broadcast %parallel_loop3A_278 : i32 to vector<16xi32>
        %parallel_loop3A_280 = arith.constant 0 : i32
        %parallel_loop3A_281 = tpu.memref_slice %arg6[%parallel_loop3A_120, %parallel_loop3A_121, %parallel_loop3A_280] : memref<4x3x40xi32, #tpu.memory_space<vmem>> -> memref<1x1x40xi32, #tpu.memory_space<vmem>>
        %parallel_loop3A_282 = tpu.memref_squeeze %parallel_loop3A_281 : memref<1x1x40xi32, #tpu.memory_space<vmem>> -> memref<40xi32, #tpu.memory_space<vmem>>
        %parallel_loop3A_283 = tpu.vector_load_idx %parallel_loop3A_282[%parallel_loop3A_279] : memref<40xi32, #tpu.memory_space<vmem>>[vector<16xi32>], vector<16xi32>,
        %parallel_loop3A_284 = vector.bitcast %parallel_loop3A_283 : vector<16xi32> to vector<16xf32>
        %parallel_loop3A_285 = arith.constant 0 : i32
        %parallel_loop3A_286 = arith.constant 0 : i32
        %parallel_loop3A_287 = tpu.memref_slice %arg7[%parallel_loop3A_285, %parallel_loop3A_278, %parallel_loop3A_286] : memref<2x40x128xbf16, #tpu.memory_space<vmem>> -> memref<1x1x128xbf16, #tpu.memory_space<vmem>>
        %parallel_loop3A_288 = tpu.memref_squeeze %parallel_loop3A_287 : memref<1x1x128xbf16, #tpu.memory_space<vmem>> -> memref<128xbf16, #tpu.memory_space<vmem>>
        %parallel_loop3A_289 = arith.constant 0 : index
        %parallel_loop3A_290 = tpu.vector_load %parallel_loop3A_288[%parallel_loop3A_289] {strides = array<i32>} : memref<128xbf16, #tpu.memory_space<vmem>>, vector<32xbf16>,
        %parallel_loop3A_291 = tpu.unpack_subelements %parallel_loop3A_290, 0 {pack_format = #tpu.pack_format<interleaved>} : vector<32xbf16> -> vector<16xf32>
        %parallel_loop3A_292 = tpu.unpack_subelements %parallel_loop3A_290, 1 {pack_format = #tpu.pack_format<interleaved>} : vector<32xbf16> -> vector<16xf32>
        %parallel_loop3A_293 = arith.mulf %parallel_loop3A_291, %parallel_loop3A_284 : vector<16xf32>
        %parallel_loop3A_294 = arith.constant 0 : i32
        %parallel_loop3A_295 = tpu.memref_slice %arg8[%parallel_loop3A_278, %parallel_loop3A_294] : memref<40x128xf32, #tpu.memory_space<vmem>> -> memref<1x128xf32, #tpu.memory_space<vmem>>
        %parallel_loop3A_296 = tpu.memref_squeeze %parallel_loop3A_295 : memref<1x128xf32, #tpu.memory_space<vmem>> -> memref<128xf32, #tpu.memory_space<vmem>>
        %parallel_loop3A_297 = arith.constant 0 : index
        %parallel_loop3A_298 = tpu.vector_load %parallel_loop3A_296[%parallel_loop3A_297] {strides = array<i32>} : memref<128xf32, #tpu.memory_space<vmem>>, vector<16xf32>,
        tpu.vector_store %parallel_loop3A_296[%parallel_loop3A_297], %parallel_loop3A_293 {strides = array<i32>} : memref<128xf32, #tpu.memory_space<vmem>>, vector<16xf32>,
        %parallel_loop3A_299 = arith.mulf %parallel_loop3A_292, %parallel_loop3A_284 : vector<16xf32>
        %parallel_loop3A_300 = arith.constant 0 : i32
        %parallel_loop3A_301 = tpu.memref_slice %arg8[%parallel_loop3A_278, %parallel_loop3A_300] : memref<40x128xf32, #tpu.memory_space<vmem>> -> memref<1x128xf32, #tpu.memory_space<vmem>>
        %parallel_loop3A_302 = tpu.memref_squeeze %parallel_loop3A_301 : memref<1x128xf32, #tpu.memory_space<vmem>> -> memref<128xf32, #tpu.memory_space<vmem>>
        %parallel_loop3A_303 = arith.constant 16 : index
        %parallel_loop3A_304 = tpu.vector_load %parallel_loop3A_302[%parallel_loop3A_303] {strides = array<i32>} : memref<128xf32, #tpu.memory_space<vmem>>, vector<16xf32>,
        tpu.vector_store %parallel_loop3A_302[%parallel_loop3A_303], %parallel_loop3A_299 {strides = array<i32>} : memref<128xf32, #tpu.memory_space<vmem>>, vector<16xf32>,
        %parallel_loop3A_305 = arith.constant 0 : i32
        %parallel_loop3A_306 = arith.constant 0 : i32
        %parallel_loop3A_307 = tpu.memref_slice %arg7[%parallel_loop3A_305, %parallel_loop3A_278, %parallel_loop3A_306] : memref<2x40x128xbf16, #tpu.memory_space<vmem>> -> memref<1x1x128xbf16, #tpu.memory_space<vmem>>
        %parallel_loop3A_308 = tpu.memref_squeeze %parallel_loop3A_307 : memref<1x1x128xbf16, #tpu.memory_space<vmem>> -> memref<128xbf16, #tpu.memory_space<vmem>>
        %parallel_loop3A_309 = arith.constant 32 : index
        %parallel_loop3A_310 = tpu.vector_load %parallel_loop3A_308[%parallel_loop3A_309] {strides = array<i32>} : memref<128xbf16, #tpu.memory_space<vmem>>, vector<32xbf16>,
        %parallel_loop3A_311 = tpu.unpack_subelements %parallel_loop3A_310, 0 {pack_format = #tpu.pack_format<interleaved>} : vector<32xbf16> -> vector<16xf32>
        %parallel_loop3A_312 = tpu.unpack_subelements %parallel_loop3A_310, 1 {pack_format = #tpu.pack_format<interleaved>} : vector<32xbf16> -> vector<16xf32>
        %parallel_loop3A_313 = arith.mulf %parallel_loop3A_311, %parallel_loop3A_284 : vector<16xf32>
        %parallel_loop3A_314 = arith.constant 0 : i32
        %parallel_loop3A_315 = tpu.memref_slice %arg8[%parallel_loop3A_278, %parallel_loop3A_314] : memref<40x128xf32, #tpu.memory_space<vmem>> -> memref<1x128xf32, #tpu.memory_space<vmem>>
        %parallel_loop3A_316 = tpu.memref_squeeze %parallel_loop3A_315 : memref<1x128xf32, #tpu.memory_space<vmem>> -> memref<128xf32, #tpu.memory_space<vmem>>
        %parallel_loop3A_317 = arith.constant 32 : index
        %parallel_loop3A_318 = tpu.vector_load %parallel_loop3A_316[%parallel_loop3A_317] {strides = array<i32>} : memref<128xf32, #tpu.memory_space<vmem>>, vector<16xf32>,
        tpu.vector_store %parallel_loop3A_316[%parallel_loop3A_317], %parallel_loop3A_313 {strides = array<i32>} : memref<128xf32, #tpu.memory_space<vmem>>, vector<16xf32>,
        %parallel_loop3A_319 = arith.mulf %parallel_loop3A_312, %parallel_loop3A_284 : vector<16xf32>
        %parallel_loop3A_320 = arith.constant 0 : i32
        %parallel_loop3A_321 = tpu.memref_slice %arg8[%parallel_loop3A_278, %parallel_loop3A_320] : memref<40x128xf32, #tpu.memory_space<vmem>> -> memref<1x128xf32, #tpu.memory_space<vmem>>
        %parallel_loop3A_322 = tpu.memref_squeeze %parallel_loop3A_321 : memref<1x128xf32, #tpu.memory_space<vmem>> -> memref<128xf32, #tpu.memory_space<vmem>>
        %parallel_loop3A_323 = arith.constant 48 : index
        %parallel_loop3A_324 = tpu.vector_load %parallel_loop3A_322[%parallel_loop3A_323] {strides = array<i32>} : memref<128xf32, #tpu.memory_space<vmem>>, vector<16xf32>,
        tpu.vector_store %parallel_loop3A_322[%parallel_loop3A_323], %parallel_loop3A_319 {strides = array<i32>} : memref<128xf32, #tpu.memory_space<vmem>>, vector<16xf32>,
        %parallel_loop3A_325 = arith.constant 0 : i32
        %parallel_loop3A_326 = arith.constant 0 : i32
        %parallel_loop3A_327 = tpu.memref_slice %arg7[%parallel_loop3A_325, %parallel_loop3A_278, %parallel_loop3A_326] : memref<2x40x128xbf16, #tpu.memory_space<vmem>> -> memref<1x1x128xbf16, #tpu.memory_space<vmem>>
        %parallel_loop3A_328 = tpu.memref_squeeze %parallel_loop3A_327 : memref<1x1x128xbf16, #tpu.memory_space<vmem>> -> memref<128xbf16, #tpu.memory_space<vmem>>
        %parallel_loop3A_329 = arith.constant 64 : index
        %parallel_loop3A_330 = tpu.vector_load %parallel_loop3A_328[%parallel_loop3A_329] {strides = array<i32>} : memref<128xbf16, #tpu.memory_space<vmem>>, vector<32xbf16>,
        %parallel_loop3A_331 = tpu.unpack_subelements %parallel_loop3A_330, 0 {pack_format = #tpu.pack_format<interleaved>} : vector<32xbf16> -> vector<16xf32>
        %parallel_loop3A_332 = tpu.unpack_subelements %parallel_loop3A_330, 1 {pack_format = #tpu.pack_format<interleaved>} : vector<32xbf16> -> vector<16xf32>
        %parallel_loop3A_333 = arith.mulf %parallel_loop3A_331, %parallel_loop3A_284 : vector<16xf32>
        %parallel_loop3A_334 = arith.constant 0 : i32
        %parallel_loop3A_335 = tpu.memref_slice %arg8[%parallel_loop3A_278, %parallel_loop3A_334] : memref<40x128xf32, #tpu.memory_space<vmem>> -> memref<1x128xf32, #tpu.memory_space<vmem>>
        %parallel_loop3A_336 = tpu.memref_squeeze %parallel_loop3A_335 : memref<1x128xf32, #tpu.memory_space<vmem>> -> memref<128xf32, #tpu.memory_space<vmem>>
        %parallel_loop3A_337 = arith.constant 64 : index
        %parallel_loop3A_338 = tpu.vector_load %parallel_loop3A_336[%parallel_loop3A_337] {strides = array<i32>} : memref<128xf32, #tpu.memory_space<vmem>>, vector<16xf32>,
        tpu.vector_store %parallel_loop3A_336[%parallel_loop3A_337], %parallel_loop3A_333 {strides = array<i32>} : memref<128xf32, #tpu.memory_space<vmem>>, vector<16xf32>,
        %parallel_loop3A_339 = arith.mulf %parallel_loop3A_332, %parallel_loop3A_284 : vector<16xf32>
        %parallel_loop3A_340 = arith.constant 0 : i32
        %parallel_loop3A_341 = tpu.memref_slice %arg8[%parallel_loop3A_278, %parallel_loop3A_340] : memref<40x128xf32, #tpu.memory_space<vmem>> -> memref<1x128xf32, #tpu.memory_space<vmem>>
        %parallel_loop3A_342 = tpu.memref_squeeze %parallel_loop3A_341 : memref<1x128xf32, #tpu.memory_space<vmem>> -> memref<128xf32, #tpu.memory_space<vmem>>
        %parallel_loop3A_343 = arith.constant 80 : index
        %parallel_loop3A_344 = tpu.vector_load %parallel_loop3A_342[%parallel_loop3A_343] {strides = array<i32>} : memref<128xf32, #tpu.memory_space<vmem>>, vector<16xf32>,
        tpu.vector_store %parallel_loop3A_342[%parallel_loop3A_343], %parallel_loop3A_339 {strides = array<i32>} : memref<128xf32, #tpu.memory_space<vmem>>, vector<16xf32>,
        %parallel_loop3A_345 = arith.constant 0 : i32
        %parallel_loop3A_346 = arith.constant 0 : i32
        %parallel_loop3A_347 = tpu.memref_slice %arg7[%parallel_loop3A_345, %parallel_loop3A_278, %parallel_loop3A_346] : memref<2x40x128xbf16, #tpu.memory_space<vmem>> -> memref<1x1x128xbf16, #tpu.memory_space<vmem>>
        %parallel_loop3A_348 = tpu.memref_squeeze %parallel_loop3A_347 : memref<1x1x128xbf16, #tpu.memory_space<vmem>> -> memref<128xbf16, #tpu.memory_space<vmem>>
        %parallel_loop3A_349 = arith.constant 96 : index
        %parallel_loop3A_350 = tpu.vector_load %parallel_loop3A_348[%parallel_loop3A_349] {strides = array<i32>} : memref<128xbf16, #tpu.memory_space<vmem>>, vector<32xbf16>,
        %parallel_loop3A_351 = tpu.unpack_subelements %parallel_loop3A_350, 0 {pack_format = #tpu.pack_format<interleaved>} : vector<32xbf16> -> vector<16xf32>
        %parallel_loop3A_352 = tpu.unpack_subelements %parallel_loop3A_350, 1 {pack_format = #tpu.pack_format<interleaved>} : vector<32xbf16> -> vector<16xf32>
        %parallel_loop3A_353 = arith.mulf %parallel_loop3A_351, %parallel_loop3A_284 : vector<16xf32>
        %parallel_loop3A_354 = arith.constant 0 : i32
        %parallel_loop3A_355 = tpu.memref_slice %arg8[%parallel_loop3A_278, %parallel_loop3A_354] : memref<40x128xf32, #tpu.memory_space<vmem>> -> memref<1x128xf32, #tpu.memory_space<vmem>>
        %parallel_loop3A_356 = tpu.memref_squeeze %parallel_loop3A_355 : memref<1x128xf32, #tpu.memory_space<vmem>> -> memref<128xf32, #tpu.memory_space<vmem>>
        %parallel_loop3A_357 = arith.constant 96 : index
        %parallel_loop3A_358 = tpu.vector_load %parallel_loop3A_356[%parallel_loop3A_357] {strides = array<i32>} : memref<128xf32, #tpu.memory_space<vmem>>, vector<16xf32>,
        tpu.vector_store %parallel_loop3A_356[%parallel_loop3A_357], %parallel_loop3A_353 {strides = array<i32>} : memref<128xf32, #tpu.memory_space<vmem>>, vector<16xf32>,
        %parallel_loop3A_359 = arith.mulf %parallel_loop3A_352, %parallel_loop3A_284 : vector<16xf32>
        %parallel_loop3A_360 = arith.constant 0 : i32
        %parallel_loop3A_361 = tpu.memref_slice %arg8[%parallel_loop3A_278, %parallel_loop3A_360] : memref<40x128xf32, #tpu.memory_space<vmem>> -> memref<1x128xf32, #tpu.memory_space<vmem>>
        %parallel_loop3A_362 = tpu.memref_squeeze %parallel_loop3A_361 : memref<1x128xf32, #tpu.memory_space<vmem>> -> memref<128xf32, #tpu.memory_space<vmem>>
        %parallel_loop3A_363 = arith.constant 112 : index
        %parallel_loop3A_364 = tpu.vector_load %parallel_loop3A_362[%parallel_loop3A_363] {strides = array<i32>} : memref<128xf32, #tpu.memory_space<vmem>>, vector<16xf32>,
        tpu.vector_store %parallel_loop3A_362[%parallel_loop3A_363], %parallel_loop3A_359 {strides = array<i32>} : memref<128xf32, #tpu.memory_space<vmem>>, vector<16xf32>,
      } {sc.loop_unroll_factor = 8 : i64, sc.parallel_access}
      %dma_start3A_122 = arith.constant 0 : i32
      %dma_start3A_123 = arith.constant 1 : i32
      %dma_start3A_124 = arith.constant 0 : i32
      %dma_start3A_125 = tpu.memref_slice %arg6[%dma_start3A_122, %dma_start3A_123, %dma_start3A_124] : memref<4x3x40xi32, #tpu.memory_space<vmem>> -> memref<1x1x40xi32, #tpu.memory_space<vmem>>
      %dma_start3A_126 = tpu.memref_squeeze %dma_start3A_125 : memref<1x1x40xi32, #tpu.memory_space<vmem>> -> memref<40xi32, #tpu.memory_space<vmem>>
      %dma_start3A_127 = arith.constant 0 : i32
      %dma_start3A_128 = arith.constant 0 : i32
      %dma_start3A_129 = tpu.memref_slice %arg10[%dma_start3A_127, %dma_start3A_128] : memref<10000x128xf32, #tpu.memory_space<vmem_shared>> -> memref<10000x128xf32, #tpu.memory_space<vmem_shared>>
      tpu.enqueue_indirect_dma source(%arg8 : memref<40x128xf32, #tpu.memory_space<vmem>>) target(%dma_start3A_129 : memref<10000x128xf32, #tpu.memory_space<vmem_shared>>) offsets(%dma_start3A_126 : memref<40xi32, #tpu.memory_space<vmem>>) semaphore(%arg13 : memref<!tpu.dma_semaphore, #tpu.memory_space<semaphore_mem>>) {add = true}
      %add3A_130 = arith.constant 2 : i32
      %add3A_131 = arith.addi %add3A_96, %add3A_130 : i32
      %lt3A_132 = arith.constant 1256 : i32
      %lt3A_133 = arith.cmpi slt, %add3A_131, %lt3A_132 : i32
      %convert_element_type3A_134 = arith.extui %lt3A_133 : i1 to i32
      %cond3A_135 = arith.constant 0 : i32
      %cond3A_136 = arith.cmpi ne, %convert_element_type3A_134, %cond3A_135 : i32
      scf.if %cond3A_136 {
        %add3A_278 = arith.constant 2 : i32
        %add3A_279 = arith.addi %add3A_96, %add3A_278 : i32
        %add3A_280 = arith.addi %mul3A_6, %add3A_279 : i32
        %dma_start3A_281 = arith.constant 2 : i32
        %dma_start3A_282 = arith.constant 0 : i32
        %dma_start3A_283 = arith.constant 0 : i32
        %dma_start3A_284 = tpu.memref_slice %arg6[%dma_start3A_281, %dma_start3A_282, %dma_start3A_283] : memref<4x3x40xi32, #tpu.memory_space<vmem>> -> memref<1x3x40xi32, #tpu.memory_space<vmem>>
        %dma_start3A_285 = tpu.memref_squeeze %dma_start3A_284 : memref<1x3x40xi32, #tpu.memory_space<vmem>> -> memref<3x40xi32, #tpu.memory_space<vmem>>
        %dma_start3A_286 = arith.constant 0 : i32
        %dma_start3A_287 = arith.constant 0 : i32
        %dma_start3A_288 = tpu.memref_slice %arg2[%add3A_280, %dma_start3A_286, %dma_start3A_287] : memref<20096x3x40xi32, #tpu.memory_space<hbm>> -> memref<1x3x40xi32, #tpu.memory_space<hbm>>
        %dma_start3A_289 = tpu.memref_squeeze %dma_start3A_288 : memref<1x3x40xi32, #tpu.memory_space<hbm>> -> memref<3x40xi32, #tpu.memory_space<hbm>>
        %dma_start3A_290 = arith.constant 0 : i32
        %dma_start3A_291 = arith.constant 0 : i32
        %dma_start3A_292 = tpu.memref_slice %arg6[%dma_start3A_281, %dma_start3A_290, %dma_start3A_291] : memref<4x3x40xi32, #tpu.memory_space<vmem>> -> memref<1x3x40xi32, #tpu.memory_space<vmem>>
        %dma_start3A_293 = tpu.memref_squeeze %dma_start3A_292 : memref<1x3x40xi32, #tpu.memory_space<vmem>> -> memref<3x40xi32, #tpu.memory_space<vmem>>
        %dma_start3A_294 = arith.constant 0 : i32
        %dma_start3A_295 = arith.constant 0 : i32
        %dma_start3A_296 = tpu.memref_slice %arg2[%add3A_280, %dma_start3A_294, %dma_start3A_295] : memref<20096x3x40xi32, #tpu.memory_space<hbm>> -> memref<1x3x40xi32, #tpu.memory_space<hbm>>
        %dma_start3A_297 = tpu.memref_squeeze %dma_start3A_296 : memref<1x3x40xi32, #tpu.memory_space<hbm>> -> memref<3x40xi32, #tpu.memory_space<hbm>>
        tpu.enqueue_dma source(%dma_start3A_297 : memref<3x40xi32, #tpu.memory_space<hbm>>) target(%dma_start3A_293 : memref<3x40xi32, #tpu.memory_space<vmem>>) target_semaphore(%arg16 : memref<!tpu.dma_semaphore, #tpu.memory_space<semaphore_mem>>)
      } else {
      }
      %add3A_137 = arith.constant 1 : i32
      %add3A_138 = arith.addi %mul3A_94, %add3A_137 : i32
      %dma_wait3A_139 = arith.constant 1 : i32
      %dma_wait3A_140 = arith.constant 0 : i32
      %dma_wait3A_141 = arith.constant 1 : i32
      %dma_wait3A_142 = arith.constant 0 : i32
      %dma_wait3A_143 = arith.constant 0 : i32
      %dma_wait3A_144 = tpu.memref_slice %arg7[%dma_wait3A_141, %dma_wait3A_142, %dma_wait3A_143] : memref<2x40x128xbf16, #tpu.memory_space<vmem>> -> memref<1x40x128xbf16, #tpu.memory_space<vmem>>
      %dma_wait3A_145 = tpu.memref_squeeze %dma_wait3A_144 : memref<1x40x128xbf16, #tpu.memory_space<vmem>> -> memref<40x128xbf16, #tpu.memory_space<vmem>>
      %dma_wait3A_146 = arith.constant 0 : i32
      %dma_wait3A_147 = tpu.memref_slice %arg6[%dma_wait3A_139, %dma_wait3A_140, %dma_wait3A_146] : memref<4x3x40xi32, #tpu.memory_space<vmem>> -> memref<1x1x40xi32, #tpu.memory_space<vmem>>
      %dma_wait3A_148 = tpu.memref_squeeze %dma_wait3A_147 : memref<1x1x40xi32, #tpu.memory_space<vmem>> -> memref<40xi32, #tpu.memory_space<vmem>>
      %dma_wait3A_149 = arith.constant 0 : i32
      %dma_wait3A_150 = arith.constant 0 : i32
      %dma_wait3A_151 = tpu.memref_slice %arg9[%dma_wait3A_149, %dma_wait3A_150] : memref<10000x128xbf16, #tpu.memory_space<vmem_shared>> -> memref<10000x128xbf16, #tpu.memory_space<vmem_shared>>
      tpu.wait_indirect_dma semaphore(%arg12 : memref<!tpu.dma_semaphore, #tpu.memory_space<semaphore_mem>>) src(%dma_wait3A_151 : memref<10000x128xbf16, #tpu.memory_space<vmem_shared>>) dst(%dma_wait3A_145 : memref<40x128xbf16, #tpu.memory_space<vmem>>)
      %add3A_152 = arith.constant 1 : i32
      %add3A_153 = arith.addi %add3A_138, %add3A_152 : i32
      %lt3A_154 = arith.constant 1256 : i32
      %lt3A_155 = arith.cmpi slt, %add3A_153, %lt3A_154 : i32
      %convert_element_type3A_156 = arith.extui %lt3A_155 : i1 to i32
      %cond3A_157 = arith.constant 0 : i32
      %cond3A_158 = arith.cmpi ne, %convert_element_type3A_156, %cond3A_157 : i32
      scf.if %cond3A_158 {
        %add3A_278 = arith.addi %mul3A_6, %add3A_138 : i32
        %add3A_279 = arith.constant 1 : i32
        %add3A_280 = arith.addi %add3A_278, %add3A_279 : i32
        %dma_wait3A_281 = arith.constant 2 : i32
        %dma_wait3A_282 = arith.constant 0 : i32
        %dma_wait3A_283 = arith.constant 0 : i32
        %dma_wait3A_284 = tpu.memref_slice %arg6[%dma_wait3A_281, %dma_wait3A_282, %dma_wait3A_283] : memref<4x3x40xi32, #tpu.memory_space<vmem>> -> memref<1x3x40xi32, #tpu.memory_space<vmem>>
        %dma_wait3A_285 = tpu.memref_squeeze %dma_wait3A_284 : memref<1x3x40xi32, #tpu.memory_space<vmem>> -> memref<3x40xi32, #tpu.memory_space<vmem>>
        %dma_wait3A_286 = arith.constant 0 : i32
        %dma_wait3A_287 = arith.constant 0 : i32
        %dma_wait3A_288 = tpu.memref_slice %arg2[%add3A_280, %dma_wait3A_286, %dma_wait3A_287] : memref<20096x3x40xi32, #tpu.memory_space<hbm>> -> memref<1x3x40xi32, #tpu.memory_space<hbm>>
        %dma_wait3A_289 = tpu.memref_squeeze %dma_wait3A_288 : memref<1x3x40xi32, #tpu.memory_space<hbm>> -> memref<3x40xi32, #tpu.memory_space<hbm>>
        %dma_wait3A_290 = arith.constant 0 : i32
        %dma_wait3A_291 = arith.constant 0 : i32
        %dma_wait3A_292 = tpu.memref_slice %arg6[%dma_wait3A_281, %dma_wait3A_290, %dma_wait3A_291] : memref<4x3x40xi32, #tpu.memory_space<vmem>> -> memref<1x3x40xi32, #tpu.memory_space<vmem>>
        %dma_wait3A_293 = tpu.memref_squeeze %dma_wait3A_292 : memref<1x3x40xi32, #tpu.memory_space<vmem>> -> memref<3x40xi32, #tpu.memory_space<vmem>>
        %dma_wait3A_294 = arith.constant 0 : i32
        %dma_wait3A_295 = arith.constant 0 : i32
        %dma_wait3A_296 = tpu.memref_slice %arg2[%add3A_280, %dma_wait3A_294, %dma_wait3A_295] : memref<20096x3x40xi32, #tpu.memory_space<hbm>> -> memref<1x3x40xi32, #tpu.memory_space<hbm>>
        %dma_wait3A_297 = tpu.memref_squeeze %dma_wait3A_296 : memref<1x3x40xi32, #tpu.memory_space<hbm>> -> memref<3x40xi32, #tpu.memory_space<hbm>>
        tpu.wait_dma2 semaphore(%arg16 : memref<!tpu.dma_semaphore, #tpu.memory_space<semaphore_mem>>) src(%dma_wait3A_297 : memref<3x40xi32, #tpu.memory_space<hbm>>) dst(%dma_wait3A_293 : memref<3x40xi32, #tpu.memory_space<vmem>>)
        %add3A_298 = arith.constant 1 : i32
        %add3A_299 = arith.addi %add3A_138, %add3A_298 : i32
        %dma_start3A_300 = arith.constant 2 : i32
        %dma_start3A_301 = arith.constant 0 : i32
        %dma_start3A_302 = arith.constant 0 : i32
        %dma_start3A_303 = arith.constant 0 : i32
        %dma_start3A_304 = arith.constant 0 : i32
        %dma_start3A_305 = tpu.memref_slice %arg7[%dma_start3A_302, %dma_start3A_303, %dma_start3A_304] : memref<2x40x128xbf16, #tpu.memory_space<vmem>> -> memref<1x40x128xbf16, #tpu.memory_space<vmem>>
        %dma_start3A_306 = tpu.memref_squeeze %dma_start3A_305 : memref<1x40x128xbf16, #tpu.memory_space<vmem>> -> memref<40x128xbf16, #tpu.memory_space<vmem>>
        %dma_start3A_307 = arith.constant 0 : i32
        %dma_start3A_308 = tpu.memref_slice %arg6[%dma_start3A_300, %dma_start3A_301, %dma_start3A_307] : memref<4x3x40xi32, #tpu.memory_space<vmem>> -> memref<1x1x40xi32, #tpu.memory_space<vmem>>
        %dma_start3A_309 = tpu.memref_squeeze %dma_start3A_308 : memref<1x1x40xi32, #tpu.memory_space<vmem>> -> memref<40xi32, #tpu.memory_space<vmem>>
        %dma_start3A_310 = arith.constant 0 : i32
        %dma_start3A_311 = arith.constant 0 : i32
        %dma_start3A_312 = tpu.memref_slice %arg9[%dma_start3A_310, %dma_start3A_311] : memref<10000x128xbf16, #tpu.memory_space<vmem_shared>> -> memref<10000x128xbf16, #tpu.memory_space<vmem_shared>>
        tpu.enqueue_indirect_dma source(%dma_start3A_312 : memref<10000x128xbf16, #tpu.memory_space<vmem_shared>>) target(%dma_start3A_306 : memref<40x128xbf16, #tpu.memory_space<vmem>>) offsets(%dma_start3A_309 : memref<40xi32, #tpu.memory_space<vmem>>) semaphore(%arg11 : memref<!tpu.dma_semaphore, #tpu.memory_space<semaphore_mem>>)
      } else {
      }
      %ge3A_159 = arith.constant 1 : i32
      %ge3A_160 = arith.cmpi sge, %add3A_138, %ge3A_159 : i32
      %convert_element_type3A_161 = arith.extui %ge3A_160 : i1 to i32
      %cond3A_162 = arith.constant 0 : i32
      %cond3A_163 = arith.cmpi ne, %convert_element_type3A_161, %cond3A_162 : i32
      scf.if %cond3A_163 {
        %dma_wait3A_278 = arith.constant 3 : i32
        %dma_wait3A_279 = arith.constant 1 : i32
        %dma_wait3A_280 = arith.constant 0 : i32
        %dma_wait3A_281 = tpu.memref_slice %arg6[%dma_wait3A_278, %dma_wait3A_279, %dma_wait3A_280] : memref<4x3x40xi32, #tpu.memory_space<vmem>> -> memref<1x1x40xi32, #tpu.memory_space<vmem>>
        %dma_wait3A_282 = tpu.memref_squeeze %dma_wait3A_281 : memref<1x1x40xi32, #tpu.memory_space<vmem>> -> memref<40xi32, #tpu.memory_space<vmem>>
        %dma_wait3A_283 = arith.constant 0 : i32
        %dma_wait3A_284 = arith.constant 0 : i32
        %dma_wait3A_285 = tpu.memref_slice %arg10[%dma_wait3A_283, %dma_wait3A_284] : memref<10000x128xf32, #tpu.memory_space<vmem_shared>> -> memref<10000x128xf32, #tpu.memory_space<vmem_shared>>
        tpu.wait_indirect_dma semaphore(%arg13 : memref<!tpu.dma_semaphore, #tpu.memory_space<semaphore_mem>>) src(%arg8 : memref<40x128xf32, #tpu.memory_space<vmem>>) dst(%dma_wait3A_285 : memref<10000x128xf32, #tpu.memory_space<vmem_shared>>)
      } else {
      }
      %parallel_loop3A_164 = arith.constant 0 : i32
      %parallel_loop3A_165 = arith.constant 40 : i32
      %parallel_loop3A_166 = arith.constant 1 : i32
      %parallel_loop3A_167 = arith.constant 1 : i32
      %parallel_loop3A_168 = arith.constant 2 : i32
      scf.for %parallel_loop3A_278 = %parallel_loop3A_164 to %parallel_loop3A_165 step %parallel_loop3A_166  : i32 {
        %parallel_loop3A_279 = vector.broadcast %parallel_loop3A_278 : i32 to vector<16xi32>
        %parallel_loop3A_280 = arith.constant 0 : i32
        %parallel_loop3A_281 = tpu.memref_slice %arg6[%parallel_loop3A_167, %parallel_loop3A_168, %parallel_loop3A_280] : memref<4x3x40xi32, #tpu.memory_space<vmem>> -> memref<1x1x40xi32, #tpu.memory_space<vmem>>
        %parallel_loop3A_282 = tpu.memref_squeeze %parallel_loop3A_281 : memref<1x1x40xi32, #tpu.memory_space<vmem>> -> memref<40xi32, #tpu.memory_space<vmem>>
        %parallel_loop3A_283 = tpu.vector_load_idx %parallel_loop3A_282[%parallel_loop3A_279] : memref<40xi32, #tpu.memory_space<vmem>>[vector<16xi32>], vector<16xi32>,
        %parallel_loop3A_284 = vector.bitcast %parallel_loop3A_283 : vector<16xi32> to vector<16xf32>
        %parallel_loop3A_285 = arith.constant 1 : i32
        %parallel_loop3A_286 = arith.constant 0 : i32
        %parallel_loop3A_287 = tpu.memref_slice %arg7[%parallel_loop3A_285, %parallel_loop3A_278, %parallel_loop3A_286] : memref<2x40x128xbf16, #tpu.memory_space<vmem>> -> memref<1x1x128xbf16, #tpu.memory_space<vmem>>
        %parallel_loop3A_288 = tpu.memref_squeeze %parallel_loop3A_287 : memref<1x1x128xbf16, #tpu.memory_space<vmem>> -> memref<128xbf16, #tpu.memory_space<vmem>>
        %parallel_loop3A_289 = arith.constant 0 : index
        %parallel_loop3A_290 = tpu.vector_load %parallel_loop3A_288[%parallel_loop3A_289] {strides = array<i32>} : memref<128xbf16, #tpu.memory_space<vmem>>, vector<32xbf16>,
        %parallel_loop3A_291 = tpu.unpack_subelements %parallel_loop3A_290, 0 {pack_format = #tpu.pack_format<interleaved>} : vector<32xbf16> -> vector<16xf32>
        %parallel_loop3A_292 = tpu.unpack_subelements %parallel_loop3A_290, 1 {pack_format = #tpu.pack_format<interleaved>} : vector<32xbf16> -> vector<16xf32>
        %parallel_loop3A_293 = arith.mulf %parallel_loop3A_291, %parallel_loop3A_284 : vector<16xf32>
        %parallel_loop3A_294 = arith.constant 0 : i32
        %parallel_loop3A_295 = tpu.memref_slice %arg8[%parallel_loop3A_278, %parallel_loop3A_294] : memref<40x128xf32, #tpu.memory_space<vmem>> -> memref<1x128xf32, #tpu.memory_space<vmem>>
        %parallel_loop3A_296 = tpu.memref_squeeze %parallel_loop3A_295 : memref<1x128xf32, #tpu.memory_space<vmem>> -> memref<128xf32, #tpu.memory_space<vmem>>
        %parallel_loop3A_297 = arith.constant 0 : index
        %parallel_loop3A_298 = tpu.vector_load %parallel_loop3A_296[%parallel_loop3A_297] {strides = array<i32>} : memref<128xf32, #tpu.memory_space<vmem>>, vector<16xf32>,
        tpu.vector_store %parallel_loop3A_296[%parallel_loop3A_297], %parallel_loop3A_293 {strides = array<i32>} : memref<128xf32, #tpu.memory_space<vmem>>, vector<16xf32>,
        %parallel_loop3A_299 = arith.mulf %parallel_loop3A_292, %parallel_loop3A_284 : vector<16xf32>
        %parallel_loop3A_300 = arith.constant 0 : i32
        %parallel_loop3A_301 = tpu.memref_slice %arg8[%parallel_loop3A_278, %parallel_loop3A_300] : memref<40x128xf32, #tpu.memory_space<vmem>> -> memref<1x128xf32, #tpu.memory_space<vmem>>
        %parallel_loop3A_302 = tpu.memref_squeeze %parallel_loop3A_301 : memref<1x128xf32, #tpu.memory_space<vmem>> -> memref<128xf32, #tpu.memory_space<vmem>>
        %parallel_loop3A_303 = arith.constant 16 : index
        %parallel_loop3A_304 = tpu.vector_load %parallel_loop3A_302[%parallel_loop3A_303] {strides = array<i32>} : memref<128xf32, #tpu.memory_space<vmem>>, vector<16xf32>,
        tpu.vector_store %parallel_loop3A_302[%parallel_loop3A_303], %parallel_loop3A_299 {strides = array<i32>} : memref<128xf32, #tpu.memory_space<vmem>>, vector<16xf32>,
        %parallel_loop3A_305 = arith.constant 1 : i32
        %parallel_loop3A_306 = arith.constant 0 : i32
        %parallel_loop3A_307 = tpu.memref_slice %arg7[%parallel_loop3A_305, %parallel_loop3A_278, %parallel_loop3A_306] : memref<2x40x128xbf16, #tpu.memory_space<vmem>> -> memref<1x1x128xbf16, #tpu.memory_space<vmem>>
        %parallel_loop3A_308 = tpu.memref_squeeze %parallel_loop3A_307 : memref<1x1x128xbf16, #tpu.memory_space<vmem>> -> memref<128xbf16, #tpu.memory_space<vmem>>
        %parallel_loop3A_309 = arith.constant 32 : index
        %parallel_loop3A_310 = tpu.vector_load %parallel_loop3A_308[%parallel_loop3A_309] {strides = array<i32>} : memref<128xbf16, #tpu.memory_space<vmem>>, vector<32xbf16>,
        %parallel_loop3A_311 = tpu.unpack_subelements %parallel_loop3A_310, 0 {pack_format = #tpu.pack_format<interleaved>} : vector<32xbf16> -> vector<16xf32>
        %parallel_loop3A_312 = tpu.unpack_subelements %parallel_loop3A_310, 1 {pack_format = #tpu.pack_format<interleaved>} : vector<32xbf16> -> vector<16xf32>
        %parallel_loop3A_313 = arith.mulf %parallel_loop3A_311, %parallel_loop3A_284 : vector<16xf32>
        %parallel_loop3A_314 = arith.constant 0 : i32
        %parallel_loop3A_315 = tpu.memref_slice %arg8[%parallel_loop3A_278, %parallel_loop3A_314] : memref<40x128xf32, #tpu.memory_space<vmem>> -> memref<1x128xf32, #tpu.memory_space<vmem>>
        %parallel_loop3A_316 = tpu.memref_squeeze %parallel_loop3A_315 : memref<1x128xf32, #tpu.memory_space<vmem>> -> memref<128xf32, #tpu.memory_space<vmem>>
        %parallel_loop3A_317 = arith.constant 32 : index
        %parallel_loop3A_318 = tpu.vector_load %parallel_loop3A_316[%parallel_loop3A_317] {strides = array<i32>} : memref<128xf32, #tpu.memory_space<vmem>>, vector<16xf32>,
        tpu.vector_store %parallel_loop3A_316[%parallel_loop3A_317], %parallel_loop3A_313 {strides = array<i32>} : memref<128xf32, #tpu.memory_space<vmem>>, vector<16xf32>,
        %parallel_loop3A_319 = arith.mulf %parallel_loop3A_312, %parallel_loop3A_284 : vector<16xf32>
        %parallel_loop3A_320 = arith.constant 0 : i32
        %parallel_loop3A_321 = tpu.memref_slice %arg8[%parallel_loop3A_278, %parallel_loop3A_320] : memref<40x128xf32, #tpu.memory_space<vmem>> -> memref<1x128xf32, #tpu.memory_space<vmem>>
        %parallel_loop3A_322 = tpu.memref_squeeze %parallel_loop3A_321 : memref<1x128xf32, #tpu.memory_space<vmem>> -> memref<128xf32, #tpu.memory_space<vmem>>
        %parallel_loop3A_323 = arith.constant 48 : index
        %parallel_loop3A_324 = tpu.vector_load %parallel_loop3A_322[%parallel_loop3A_323] {strides = array<i32>} : memref<128xf32, #tpu.memory_space<vmem>>, vector<16xf32>,
        tpu.vector_store %parallel_loop3A_322[%parallel_loop3A_323], %parallel_loop3A_319 {strides = array<i32>} : memref<128xf32, #tpu.memory_space<vmem>>, vector<16xf32>,
        %parallel_loop3A_325 = arith.constant 1 : i32
        %parallel_loop3A_326 = arith.constant 0 : i32
        %parallel_loop3A_327 = tpu.memref_slice %arg7[%parallel_loop3A_325, %parallel_loop3A_278, %parallel_loop3A_326] : memref<2x40x128xbf16, #tpu.memory_space<vmem>> -> memref<1x1x128xbf16, #tpu.memory_space<vmem>>
        %parallel_loop3A_328 = tpu.memref_squeeze %parallel_loop3A_327 : memref<1x1x128xbf16, #tpu.memory_space<vmem>> -> memref<128xbf16, #tpu.memory_space<vmem>>
        %parallel_loop3A_329 = arith.constant 64 : index
        %parallel_loop3A_330 = tpu.vector_load %parallel_loop3A_328[%parallel_loop3A_329] {strides = array<i32>} : memref<128xbf16, #tpu.memory_space<vmem>>, vector<32xbf16>,
        %parallel_loop3A_331 = tpu.unpack_subelements %parallel_loop3A_330, 0 {pack_format = #tpu.pack_format<interleaved>} : vector<32xbf16> -> vector<16xf32>
        %parallel_loop3A_332 = tpu.unpack_subelements %parallel_loop3A_330, 1 {pack_format = #tpu.pack_format<interleaved>} : vector<32xbf16> -> vector<16xf32>
        %parallel_loop3A_333 = arith.mulf %parallel_loop3A_331, %parallel_loop3A_284 : vector<16xf32>
        %parallel_loop3A_334 = arith.constant 0 : i32
        %parallel_loop3A_335 = tpu.memref_slice %arg8[%parallel_loop3A_278, %parallel_loop3A_334] : memref<40x128xf32, #tpu.memory_space<vmem>> -> memref<1x128xf32, #tpu.memory_space<vmem>>
        %parallel_loop3A_336 = tpu.memref_squeeze %parallel_loop3A_335 : memref<1x128xf32, #tpu.memory_space<vmem>> -> memref<128xf32, #tpu.memory_space<vmem>>
        %parallel_loop3A_337 = arith.constant 64 : index
        %parallel_loop3A_338 = tpu.vector_load %parallel_loop3A_336[%parallel_loop3A_337] {strides = array<i32>} : memref<128xf32, #tpu.memory_space<vmem>>, vector<16xf32>,
        tpu.vector_store %parallel_loop3A_336[%parallel_loop3A_337], %parallel_loop3A_333 {strides = array<i32>} : memref<128xf32, #tpu.memory_space<vmem>>, vector<16xf32>,
        %parallel_loop3A_339 = arith.mulf %parallel_loop3A_332, %parallel_loop3A_284 : vector<16xf32>
        %parallel_loop3A_340 = arith.constant 0 : i32
        %parallel_loop3A_341 = tpu.memref_slice %arg8[%parallel_loop3A_278, %parallel_loop3A_340] : memref<40x128xf32, #tpu.memory_space<vmem>> -> memref<1x128xf32, #tpu.memory_space<vmem>>
        %parallel_loop3A_342 = tpu.memref_squeeze %parallel_loop3A_341 : memref<1x128xf32, #tpu.memory_space<vmem>> -> memref<128xf32, #tpu.memory_space<vmem>>
        %parallel_loop3A_343 = arith.constant 80 : index
        %parallel_loop3A_344 = tpu.vector_load %parallel_loop3A_342[%parallel_loop3A_343] {strides = array<i32>} : memref<128xf32, #tpu.memory_space<vmem>>, vector<16xf32>,
        tpu.vector_store %parallel_loop3A_342[%parallel_loop3A_343], %parallel_loop3A_339 {strides = array<i32>} : memref<128xf32, #tpu.memory_space<vmem>>, vector<16xf32>,
        %parallel_loop3A_345 = arith.constant 1 : i32
        %parallel_loop3A_346 = arith.constant 0 : i32
        %parallel_loop3A_347 = tpu.memref_slice %arg7[%parallel_loop3A_345, %parallel_loop3A_278, %parallel_loop3A_346] : memref<2x40x128xbf16, #tpu.memory_space<vmem>> -> memref<1x1x128xbf16, #tpu.memory_space<vmem>>
        %parallel_loop3A_348 = tpu.memref_squeeze %parallel_loop3A_347 : memref<1x1x128xbf16, #tpu.memory_space<vmem>> -> memref<128xbf16, #tpu.memory_space<vmem>>
        %parallel_loop3A_349 = arith.constant 96 : index
        %parallel_loop3A_350 = tpu.vector_load %parallel_loop3A_348[%parallel_loop3A_349] {strides = array<i32>} : memref<128xbf16, #tpu.memory_space<vmem>>, vector<32xbf16>,
        %parallel_loop3A_351 = tpu.unpack_subelements %parallel_loop3A_350, 0 {pack_format = #tpu.pack_format<interleaved>} : vector<32xbf16> -> vector<16xf32>
        %parallel_loop3A_352 = tpu.unpack_subelements %parallel_loop3A_350, 1 {pack_format = #tpu.pack_format<interleaved>} : vector<32xbf16> -> vector<16xf32>
        %parallel_loop3A_353 = arith.mulf %parallel_loop3A_351, %parallel_loop3A_284 : vector<16xf32>
        %parallel_loop3A_354 = arith.constant 0 : i32
        %parallel_loop3A_355 = tpu.memref_slice %arg8[%parallel_loop3A_278, %parallel_loop3A_354] : memref<40x128xf32, #tpu.memory_space<vmem>> -> memref<1x128xf32, #tpu.memory_space<vmem>>
        %parallel_loop3A_356 = tpu.memref_squeeze %parallel_loop3A_355 : memref<1x128xf32, #tpu.memory_space<vmem>> -> memref<128xf32, #tpu.memory_space<vmem>>
        %parallel_loop3A_357 = arith.constant 96 : index
        %parallel_loop3A_358 = tpu.vector_load %parallel_loop3A_356[%parallel_loop3A_357] {strides = array<i32>} : memref<128xf32, #tpu.memory_space<vmem>>, vector<16xf32>,
        tpu.vector_store %parallel_loop3A_356[%parallel_loop3A_357], %parallel_loop3A_353 {strides = array<i32>} : memref<128xf32, #tpu.memory_space<vmem>>, vector<16xf32>,
        %parallel_loop3A_359 = arith.mulf %parallel_loop3A_352, %parallel_loop3A_284 : vector<16xf32>
        %parallel_loop3A_360 = arith.constant 0 : i32
        %parallel_loop3A_361 = tpu.memref_slice %arg8[%parallel_loop3A_278, %parallel_loop3A_360] : memref<40x128xf32, #tpu.memory_space<vmem>> -> memref<1x128xf32, #tpu.memory_space<vmem>>
        %parallel_loop3A_362 = tpu.memref_squeeze %parallel_loop3A_361 : memref<1x128xf32, #tpu.memory_space<vmem>> -> memref<128xf32, #tpu.memory_space<vmem>>
        %parallel_loop3A_363 = arith.constant 112 : index
        %parallel_loop3A_364 = tpu.vector_load %parallel_loop3A_362[%parallel_loop3A_363] {strides = array<i32>} : memref<128xf32, #tpu.memory_space<vmem>>, vector<16xf32>,
        tpu.vector_store %parallel_loop3A_362[%parallel_loop3A_363], %parallel_loop3A_359 {strides = array<i32>} : memref<128xf32, #tpu.memory_space<vmem>>, vector<16xf32>,
      } {sc.loop_unroll_factor = 8 : i64, sc.parallel_access}
      %dma_start3A_169 = arith.constant 1 : i32
      %dma_start3A_170 = arith.constant 1 : i32
      %dma_start3A_171 = arith.constant 0 : i32
      %dma_start3A_172 = tpu.memref_slice %arg6[%dma_start3A_169, %dma_start3A_170, %dma_start3A_171] : memref<4x3x40xi32, #tpu.memory_space<vmem>> -> memref<1x1x40xi32, #tpu.memory_space<vmem>>
      %dma_start3A_173 = tpu.memref_squeeze %dma_start3A_172 : memref<1x1x40xi32, #tpu.memory_space<vmem>> -> memref<40xi32, #tpu.memory_space<vmem>>
      %dma_start3A_174 = arith.constant 0 : i32
      %dma_start3A_175 = arith.constant 0 : i32
      %dma_start3A_176 = tpu.memref_slice %arg10[%dma_start3A_174, %dma_start3A_175] : memref<10000x128xf32, #tpu.memory_space<vmem_shared>> -> memref<10000x128xf32, #tpu.memory_space<vmem_shared>>
      tpu.enqueue_indirect_dma source(%arg8 : memref<40x128xf32, #tpu.memory_space<vmem>>) target(%dma_start3A_176 : memref<10000x128xf32, #tpu.memory_space<vmem_shared>>) offsets(%dma_start3A_173 : memref<40xi32, #tpu.memory_space<vmem>>) semaphore(%arg13 : memref<!tpu.dma_semaphore, #tpu.memory_space<semaphore_mem>>) {add = true}
      %add3A_177 = arith.constant 2 : i32
      %add3A_178 = arith.addi %add3A_138, %add3A_177 : i32
      %lt3A_179 = arith.constant 1256 : i32
      %lt3A_180 = arith.cmpi slt, %add3A_178, %lt3A_179 : i32
      %convert_element_type3A_181 = arith.extui %lt3A_180 : i1 to i32
      %cond3A_182 = arith.constant 0 : i32
      %cond3A_183 = arith.cmpi ne, %convert_element_type3A_181, %cond3A_182 : i32
      scf.if %cond3A_183 {
        %add3A_278 = arith.constant 2 : i32
        %add3A_279 = arith.addi %add3A_138, %add3A_278 : i32
        %add3A_280 = arith.addi %mul3A_6, %add3A_279 : i32
        %dma_start3A_281 = arith.constant 3 : i32
        %dma_start3A_282 = arith.constant 0 : i32
        %dma_start3A_283 = arith.constant 0 : i32
        %dma_start3A_284 = tpu.memref_slice %arg6[%dma_start3A_281, %dma_start3A_282, %dma_start3A_283] : memref<4x3x40xi32, #tpu.memory_space<vmem>> -> memref<1x3x40xi32, #tpu.memory_space<vmem>>
        %dma_start3A_285 = tpu.memref_squeeze %dma_start3A_284 : memref<1x3x40xi32, #tpu.memory_space<vmem>> -> memref<3x40xi32, #tpu.memory_space<vmem>>
        %dma_start3A_286 = arith.constant 0 : i32
        %dma_start3A_287 = arith.constant 0 : i32
        %dma_start3A_288 = tpu.memref_slice %arg2[%add3A_280, %dma_start3A_286, %dma_start3A_287] : memref<20096x3x40xi32, #tpu.memory_space<hbm>> -> memref<1x3x40xi32, #tpu.memory_space<hbm>>
        %dma_start3A_289 = tpu.memref_squeeze %dma_start3A_288 : memref<1x3x40xi32, #tpu.memory_space<hbm>> -> memref<3x40xi32, #tpu.memory_space<hbm>>
        %dma_start3A_290 = arith.constant 0 : i32
        %dma_start3A_291 = arith.constant 0 : i32
        %dma_start3A_292 = tpu.memref_slice %arg6[%dma_start3A_281, %dma_start3A_290, %dma_start3A_291] : memref<4x3x40xi32, #tpu.memory_space<vmem>> -> memref<1x3x40xi32, #tpu.memory_space<vmem>>
        %dma_start3A_293 = tpu.memref_squeeze %dma_start3A_292 : memref<1x3x40xi32, #tpu.memory_space<vmem>> -> memref<3x40xi32, #tpu.memory_space<vmem>>
        %dma_start3A_294 = arith.constant 0 : i32
        %dma_start3A_295 = arith.constant 0 : i32
        %dma_start3A_296 = tpu.memref_slice %arg2[%add3A_280, %dma_start3A_294, %dma_start3A_295] : memref<20096x3x40xi32, #tpu.memory_space<hbm>> -> memref<1x3x40xi32, #tpu.memory_space<hbm>>
        %dma_start3A_297 = tpu.memref_squeeze %dma_start3A_296 : memref<1x3x40xi32, #tpu.memory_space<hbm>> -> memref<3x40xi32, #tpu.memory_space<hbm>>
        tpu.enqueue_dma source(%dma_start3A_297 : memref<3x40xi32, #tpu.memory_space<hbm>>) target(%dma_start3A_293 : memref<3x40xi32, #tpu.memory_space<vmem>>) target_semaphore(%arg17 : memref<!tpu.dma_semaphore, #tpu.memory_space<semaphore_mem>>)
      } else {
      }
      %add3A_184 = arith.constant 2 : i32
      %add3A_185 = arith.addi %mul3A_94, %add3A_184 : i32
      %dma_wait3A_186 = arith.constant 2 : i32
      %dma_wait3A_187 = arith.constant 0 : i32
      %dma_wait3A_188 = arith.constant 0 : i32
      %dma_wait3A_189 = arith.constant 0 : i32
      %dma_wait3A_190 = arith.constant 0 : i32
      %dma_wait3A_191 = tpu.memref_slice %arg7[%dma_wait3A_188, %dma_wait3A_189, %dma_wait3A_190] : memref<2x40x128xbf16, #tpu.memory_space<vmem>> -> memref<1x40x128xbf16, #tpu.memory_space<vmem>>
      %dma_wait3A_192 = tpu.memref_squeeze %dma_wait3A_191 : memref<1x40x128xbf16, #tpu.memory_space<vmem>> -> memref<40x128xbf16, #tpu.memory_space<vmem>>
      %dma_wait3A_193 = arith.constant 0 : i32
      %dma_wait3A_194 = tpu.memref_slice %arg6[%dma_wait3A_186, %dma_wait3A_187, %dma_wait3A_193] : memref<4x3x40xi32, #tpu.memory_space<vmem>> -> memref<1x1x40xi32, #tpu.memory_space<vmem>>
      %dma_wait3A_195 = tpu.memref_squeeze %dma_wait3A_194 : memref<1x1x40xi32, #tpu.memory_space<vmem>> -> memref<40xi32, #tpu.memory_space<vmem>>
      %dma_wait3A_196 = arith.constant 0 : i32
      %dma_wait3A_197 = arith.constant 0 : i32
      %dma_wait3A_198 = tpu.memref_slice %arg9[%dma_wait3A_196, %dma_wait3A_197] : memref<10000x128xbf16, #tpu.memory_space<vmem_shared>> -> memref<10000x128xbf16, #tpu.memory_space<vmem_shared>>
      tpu.wait_indirect_dma semaphore(%arg11 : memref<!tpu.dma_semaphore, #tpu.memory_space<semaphore_mem>>) src(%dma_wait3A_198 : memref<10000x128xbf16, #tpu.memory_space<vmem_shared>>) dst(%dma_wait3A_192 : memref<40x128xbf16, #tpu.memory_space<vmem>>)
      %add3A_199 = arith.constant 1 : i32
      %add3A_200 = arith.addi %add3A_185, %add3A_199 : i32
      %lt3A_201 = arith.constant 1256 : i32
      %lt3A_202 = arith.cmpi slt, %add3A_200, %lt3A_201 : i32
      %convert_element_type3A_203 = arith.extui %lt3A_202 : i1 to i32
      %cond3A_204 = arith.constant 0 : i32
      %cond3A_205 = arith.cmpi ne, %convert_element_type3A_203, %cond3A_204 : i32
      scf.if %cond3A_205 {
        %add3A_278 = arith.addi %mul3A_6, %add3A_185 : i32
        %add3A_279 = arith.constant 1 : i32
        %add3A_280 = arith.addi %add3A_278, %add3A_279 : i32
        %dma_wait3A_281 = arith.constant 3 : i32
        %dma_wait3A_282 = arith.constant 0 : i32
        %dma_wait3A_283 = arith.constant 0 : i32
        %dma_wait3A_284 = tpu.memref_slice %arg6[%dma_wait3A_281, %dma_wait3A_282, %dma_wait3A_283] : memref<4x3x40xi32, #tpu.memory_space<vmem>> -> memref<1x3x40xi32, #tpu.memory_space<vmem>>
        %dma_wait3A_285 = tpu.memref_squeeze %dma_wait3A_284 : memref<1x3x40xi32, #tpu.memory_space<vmem>> -> memref<3x40xi32, #tpu.memory_space<vmem>>
        %dma_wait3A_286 = arith.constant 0 : i32
        %dma_wait3A_287 = arith.constant 0 : i32
        %dma_wait3A_288 = tpu.memref_slice %arg2[%add3A_280, %dma_wait3A_286, %dma_wait3A_287] : memref<20096x3x40xi32, #tpu.memory_space<hbm>> -> memref<1x3x40xi32, #tpu.memory_space<hbm>>
        %dma_wait3A_289 = tpu.memref_squeeze %dma_wait3A_288 : memref<1x3x40xi32, #tpu.memory_space<hbm>> -> memref<3x40xi32, #tpu.memory_space<hbm>>
        %dma_wait3A_290 = arith.constant 0 : i32
        %dma_wait3A_291 = arith.constant 0 : i32
        %dma_wait3A_292 = tpu.memref_slice %arg6[%dma_wait3A_281, %dma_wait3A_290, %dma_wait3A_291] : memref<4x3x40xi32, #tpu.memory_space<vmem>> -> memref<1x3x40xi32, #tpu.memory_space<vmem>>
        %dma_wait3A_293 = tpu.memref_squeeze %dma_wait3A_292 : memref<1x3x40xi32, #tpu.memory_space<vmem>> -> memref<3x40xi32, #tpu.memory_space<vmem>>
        %dma_wait3A_294 = arith.constant 0 : i32
        %dma_wait3A_295 = arith.constant 0 : i32
        %dma_wait3A_296 = tpu.memref_slice %arg2[%add3A_280, %dma_wait3A_294, %dma_wait3A_295] : memref<20096x3x40xi32, #tpu.memory_space<hbm>> -> memref<1x3x40xi32, #tpu.memory_space<hbm>>
        %dma_wait3A_297 = tpu.memref_squeeze %dma_wait3A_296 : memref<1x3x40xi32, #tpu.memory_space<hbm>> -> memref<3x40xi32, #tpu.memory_space<hbm>>
        tpu.wait_dma2 semaphore(%arg17 : memref<!tpu.dma_semaphore, #tpu.memory_space<semaphore_mem>>) src(%dma_wait3A_297 : memref<3x40xi32, #tpu.memory_space<hbm>>) dst(%dma_wait3A_293 : memref<3x40xi32, #tpu.memory_space<vmem>>)
        %add3A_298 = arith.constant 1 : i32
        %add3A_299 = arith.addi %add3A_185, %add3A_298 : i32
        %dma_start3A_300 = arith.constant 3 : i32
        %dma_start3A_301 = arith.constant 0 : i32
        %dma_start3A_302 = arith.constant 1 : i32
        %dma_start3A_303 = arith.constant 0 : i32
        %dma_start3A_304 = arith.constant 0 : i32
        %dma_start3A_305 = tpu.memref_slice %arg7[%dma_start3A_302, %dma_start3A_303, %dma_start3A_304] : memref<2x40x128xbf16, #tpu.memory_space<vmem>> -> memref<1x40x128xbf16, #tpu.memory_space<vmem>>
        %dma_start3A_306 = tpu.memref_squeeze %dma_start3A_305 : memref<1x40x128xbf16, #tpu.memory_space<vmem>> -> memref<40x128xbf16, #tpu.memory_space<vmem>>
        %dma_start3A_307 = arith.constant 0 : i32
        %dma_start3A_308 = tpu.memref_slice %arg6[%dma_start3A_300, %dma_start3A_301, %dma_start3A_307] : memref<4x3x40xi32, #tpu.memory_space<vmem>> -> memref<1x1x40xi32, #tpu.memory_space<vmem>>
        %dma_start3A_309 = tpu.memref_squeeze %dma_start3A_308 : memref<1x1x40xi32, #tpu.memory_space<vmem>> -> memref<40xi32, #tpu.memory_space<vmem>>
        %dma_start3A_310 = arith.constant 0 : i32
        %dma_start3A_311 = arith.constant 0 : i32
        %dma_start3A_312 = tpu.memref_slice %arg9[%dma_start3A_310, %dma_start3A_311] : memref<10000x128xbf16, #tpu.memory_space<vmem_shared>> -> memref<10000x128xbf16, #tpu.memory_space<vmem_shared>>
        tpu.enqueue_indirect_dma source(%dma_start3A_312 : memref<10000x128xbf16, #tpu.memory_space<vmem_shared>>) target(%dma_start3A_306 : memref<40x128xbf16, #tpu.memory_space<vmem>>) offsets(%dma_start3A_309 : memref<40xi32, #tpu.memory_space<vmem>>) semaphore(%arg12 : memref<!tpu.dma_semaphore, #tpu.memory_space<semaphore_mem>>)
      } else {
      }
      %ge3A_206 = arith.constant 1 : i32
      %ge3A_207 = arith.cmpi sge, %add3A_185, %ge3A_206 : i32
      %convert_element_type3A_208 = arith.extui %ge3A_207 : i1 to i32
      %cond3A_209 = arith.constant 0 : i32
      %cond3A_210 = arith.cmpi ne, %convert_element_type3A_208, %cond3A_209 : i32
      scf.if %cond3A_210 {
        %dma_wait3A_278 = arith.constant 0 : i32
        %dma_wait3A_279 = arith.constant 1 : i32
        %dma_wait3A_280 = arith.constant 0 : i32
        %dma_wait3A_281 = tpu.memref_slice %arg6[%dma_wait3A_278, %dma_wait3A_279, %dma_wait3A_280] : memref<4x3x40xi32, #tpu.memory_space<vmem>> -> memref<1x1x40xi32, #tpu.memory_space<vmem>>
        %dma_wait3A_282 = tpu.memref_squeeze %dma_wait3A_281 : memref<1x1x40xi32, #tpu.memory_space<vmem>> -> memref<40xi32, #tpu.memory_space<vmem>>
        %dma_wait3A_283 = arith.constant 0 : i32
        %dma_wait3A_284 = arith.constant 0 : i32
        %dma_wait3A_285 = tpu.memref_slice %arg10[%dma_wait3A_283, %dma_wait3A_284] : memref<10000x128xf32, #tpu.memory_space<vmem_shared>> -> memref<10000x128xf32, #tpu.memory_space<vmem_shared>>
        tpu.wait_indirect_dma semaphore(%arg13 : memref<!tpu.dma_semaphore, #tpu.memory_space<semaphore_mem>>) src(%arg8 : memref<40x128xf32, #tpu.memory_space<vmem>>) dst(%dma_wait3A_285 : memref<10000x128xf32, #tpu.memory_space<vmem_shared>>)
      } else {
      }
      %parallel_loop3A_211 = arith.constant 0 : i32
      %parallel_loop3A_212 = arith.constant 40 : i32
      %parallel_loop3A_213 = arith.constant 1 : i32
      %parallel_loop3A_214 = arith.constant 2 : i32
      %parallel_loop3A_215 = arith.constant 2 : i32
      scf.for %parallel_loop3A_278 = %parallel_loop3A_211 to %parallel_loop3A_212 step %parallel_loop3A_213  : i32 {
        %parallel_loop3A_279 = vector.broadcast %parallel_loop3A_278 : i32 to vector<16xi32>
        %parallel_loop3A_280 = arith.constant 0 : i32
        %parallel_loop3A_281 = tpu.memref_slice %arg6[%parallel_loop3A_214, %parallel_loop3A_215, %parallel_loop3A_280] : memref<4x3x40xi32, #tpu.memory_space<vmem>> -> memref<1x1x40xi32, #tpu.memory_space<vmem>>
        %parallel_loop3A_282 = tpu.memref_squeeze %parallel_loop3A_281 : memref<1x1x40xi32, #tpu.memory_space<vmem>> -> memref<40xi32, #tpu.memory_space<vmem>>
        %parallel_loop3A_283 = tpu.vector_load_idx %parallel_loop3A_282[%parallel_loop3A_279] : memref<40xi32, #tpu.memory_space<vmem>>[vector<16xi32>], vector<16xi32>,
        %parallel_loop3A_284 = vector.bitcast %parallel_loop3A_283 : vector<16xi32> to vector<16xf32>
        %parallel_loop3A_285 = arith.constant 0 : i32
        %parallel_loop3A_286 = arith.constant 0 : i32
        %parallel_loop3A_287 = tpu.memref_slice %arg7[%parallel_loop3A_285, %parallel_loop3A_278, %parallel_loop3A_286] : memref<2x40x128xbf16, #tpu.memory_space<vmem>> -> memref<1x1x128xbf16, #tpu.memory_space<vmem>>
        %parallel_loop3A_288 = tpu.memref_squeeze %parallel_loop3A_287 : memref<1x1x128xbf16, #tpu.memory_space<vmem>> -> memref<128xbf16, #tpu.memory_space<vmem>>
        %parallel_loop3A_289 = arith.constant 0 : index
        %parallel_loop3A_290 = tpu.vector_load %parallel_loop3A_288[%parallel_loop3A_289] {strides = array<i32>} : memref<128xbf16, #tpu.memory_space<vmem>>, vector<32xbf16>,
        %parallel_loop3A_291 = tpu.unpack_subelements %parallel_loop3A_290, 0 {pack_format = #tpu.pack_format<interleaved>} : vector<32xbf16> -> vector<16xf32>
        %parallel_loop3A_292 = tpu.unpack_subelements %parallel_loop3A_290, 1 {pack_format = #tpu.pack_format<interleaved>} : vector<32xbf16> -> vector<16xf32>
        %parallel_loop3A_293 = arith.mulf %parallel_loop3A_291, %parallel_loop3A_284 : vector<16xf32>
        %parallel_loop3A_294 = arith.constant 0 : i32
        %parallel_loop3A_295 = tpu.memref_slice %arg8[%parallel_loop3A_278, %parallel_loop3A_294] : memref<40x128xf32, #tpu.memory_space<vmem>> -> memref<1x128xf32, #tpu.memory_space<vmem>>
        %parallel_loop3A_296 = tpu.memref_squeeze %parallel_loop3A_295 : memref<1x128xf32, #tpu.memory_space<vmem>> -> memref<128xf32, #tpu.memory_space<vmem>>
        %parallel_loop3A_297 = arith.constant 0 : index
        %parallel_loop3A_298 = tpu.vector_load %parallel_loop3A_296[%parallel_loop3A_297] {strides = array<i32>} : memref<128xf32, #tpu.memory_space<vmem>>, vector<16xf32>,
        tpu.vector_store %parallel_loop3A_296[%parallel_loop3A_297], %parallel_loop3A_293 {strides = array<i32>} : memref<128xf32, #tpu.memory_space<vmem>>, vector<16xf32>,
        %parallel_loop3A_299 = arith.mulf %parallel_loop3A_292, %parallel_loop3A_284 : vector<16xf32>
        %parallel_loop3A_300 = arith.constant 0 : i32
        %parallel_loop3A_301 = tpu.memref_slice %arg8[%parallel_loop3A_278, %parallel_loop3A_300] : memref<40x128xf32, #tpu.memory_space<vmem>> -> memref<1x128xf32, #tpu.memory_space<vmem>>
        %parallel_loop3A_302 = tpu.memref_squeeze %parallel_loop3A_301 : memref<1x128xf32, #tpu.memory_space<vmem>> -> memref<128xf32, #tpu.memory_space<vmem>>
        %parallel_loop3A_303 = arith.constant 16 : index
        %parallel_loop3A_304 = tpu.vector_load %parallel_loop3A_302[%parallel_loop3A_303] {strides = array<i32>} : memref<128xf32, #tpu.memory_space<vmem>>, vector<16xf32>,
        tpu.vector_store %parallel_loop3A_302[%parallel_loop3A_303], %parallel_loop3A_299 {strides = array<i32>} : memref<128xf32, #tpu.memory_space<vmem>>, vector<16xf32>,
        %parallel_loop3A_305 = arith.constant 0 : i32
        %parallel_loop3A_306 = arith.constant 0 : i32
        %parallel_loop3A_307 = tpu.memref_slice %arg7[%parallel_loop3A_305, %parallel_loop3A_278, %parallel_loop3A_306] : memref<2x40x128xbf16, #tpu.memory_space<vmem>> -> memref<1x1x128xbf16, #tpu.memory_space<vmem>>
        %parallel_loop3A_308 = tpu.memref_squeeze %parallel_loop3A_307 : memref<1x1x128xbf16, #tpu.memory_space<vmem>> -> memref<128xbf16, #tpu.memory_space<vmem>>
        %parallel_loop3A_309 = arith.constant 32 : index
        %parallel_loop3A_310 = tpu.vector_load %parallel_loop3A_308[%parallel_loop3A_309] {strides = array<i32>} : memref<128xbf16, #tpu.memory_space<vmem>>, vector<32xbf16>,
        %parallel_loop3A_311 = tpu.unpack_subelements %parallel_loop3A_310, 0 {pack_format = #tpu.pack_format<interleaved>} : vector<32xbf16> -> vector<16xf32>
        %parallel_loop3A_312 = tpu.unpack_subelements %parallel_loop3A_310, 1 {pack_format = #tpu.pack_format<interleaved>} : vector<32xbf16> -> vector<16xf32>
        %parallel_loop3A_313 = arith.mulf %parallel_loop3A_311, %parallel_loop3A_284 : vector<16xf32>
        %parallel_loop3A_314 = arith.constant 0 : i32
        %parallel_loop3A_315 = tpu.memref_slice %arg8[%parallel_loop3A_278, %parallel_loop3A_314] : memref<40x128xf32, #tpu.memory_space<vmem>> -> memref<1x128xf32, #tpu.memory_space<vmem>>
        %parallel_loop3A_316 = tpu.memref_squeeze %parallel_loop3A_315 : memref<1x128xf32, #tpu.memory_space<vmem>> -> memref<128xf32, #tpu.memory_space<vmem>>
        %parallel_loop3A_317 = arith.constant 32 : index
        %parallel_loop3A_318 = tpu.vector_load %parallel_loop3A_316[%parallel_loop3A_317] {strides = array<i32>} : memref<128xf32, #tpu.memory_space<vmem>>, vector<16xf32>,
        tpu.vector_store %parallel_loop3A_316[%parallel_loop3A_317], %parallel_loop3A_313 {strides = array<i32>} : memref<128xf32, #tpu.memory_space<vmem>>, vector<16xf32>,
        %parallel_loop3A_319 = arith.mulf %parallel_loop3A_312, %parallel_loop3A_284 : vector<16xf32>
        %parallel_loop3A_320 = arith.constant 0 : i32
        %parallel_loop3A_321 = tpu.memref_slice %arg8[%parallel_loop3A_278, %parallel_loop3A_320] : memref<40x128xf32, #tpu.memory_space<vmem>> -> memref<1x128xf32, #tpu.memory_space<vmem>>
        %parallel_loop3A_322 = tpu.memref_squeeze %parallel_loop3A_321 : memref<1x128xf32, #tpu.memory_space<vmem>> -> memref<128xf32, #tpu.memory_space<vmem>>
        %parallel_loop3A_323 = arith.constant 48 : index
        %parallel_loop3A_324 = tpu.vector_load %parallel_loop3A_322[%parallel_loop3A_323] {strides = array<i32>} : memref<128xf32, #tpu.memory_space<vmem>>, vector<16xf32>,
        tpu.vector_store %parallel_loop3A_322[%parallel_loop3A_323], %parallel_loop3A_319 {strides = array<i32>} : memref<128xf32, #tpu.memory_space<vmem>>, vector<16xf32>,
        %parallel_loop3A_325 = arith.constant 0 : i32
        %parallel_loop3A_326 = arith.constant 0 : i32
        %parallel_loop3A_327 = tpu.memref_slice %arg7[%parallel_loop3A_325, %parallel_loop3A_278, %parallel_loop3A_326] : memref<2x40x128xbf16, #tpu.memory_space<vmem>> -> memref<1x1x128xbf16, #tpu.memory_space<vmem>>
        %parallel_loop3A_328 = tpu.memref_squeeze %parallel_loop3A_327 : memref<1x1x128xbf16, #tpu.memory_space<vmem>> -> memref<128xbf16, #tpu.memory_space<vmem>>
        %parallel_loop3A_329 = arith.constant 64 : index
        %parallel_loop3A_330 = tpu.vector_load %parallel_loop3A_328[%parallel_loop3A_329] {strides = array<i32>} : memref<128xbf16, #tpu.memory_space<vmem>>, vector<32xbf16>,
        %parallel_loop3A_331 = tpu.unpack_subelements %parallel_loop3A_330, 0 {pack_format = #tpu.pack_format<interleaved>} : vector<32xbf16> -> vector<16xf32>
        %parallel_loop3A_332 = tpu.unpack_subelements %parallel_loop3A_330, 1 {pack_format = #tpu.pack_format<interleaved>} : vector<32xbf16> -> vector<16xf32>
        %parallel_loop3A_333 = arith.mulf %parallel_loop3A_331, %parallel_loop3A_284 : vector<16xf32>
        %parallel_loop3A_334 = arith.constant 0 : i32
        %parallel_loop3A_335 = tpu.memref_slice %arg8[%parallel_loop3A_278, %parallel_loop3A_334] : memref<40x128xf32, #tpu.memory_space<vmem>> -> memref<1x128xf32, #tpu.memory_space<vmem>>
        %parallel_loop3A_336 = tpu.memref_squeeze %parallel_loop3A_335 : memref<1x128xf32, #tpu.memory_space<vmem>> -> memref<128xf32, #tpu.memory_space<vmem>>
        %parallel_loop3A_337 = arith.constant 64 : index
        %parallel_loop3A_338 = tpu.vector_load %parallel_loop3A_336[%parallel_loop3A_337] {strides = array<i32>} : memref<128xf32, #tpu.memory_space<vmem>>, vector<16xf32>,
        tpu.vector_store %parallel_loop3A_336[%parallel_loop3A_337], %parallel_loop3A_333 {strides = array<i32>} : memref<128xf32, #tpu.memory_space<vmem>>, vector<16xf32>,
        %parallel_loop3A_339 = arith.mulf %parallel_loop3A_332, %parallel_loop3A_284 : vector<16xf32>
        %parallel_loop3A_340 = arith.constant 0 : i32
        %parallel_loop3A_341 = tpu.memref_slice %arg8[%parallel_loop3A_278, %parallel_loop3A_340] : memref<40x128xf32, #tpu.memory_space<vmem>> -> memref<1x128xf32, #tpu.memory_space<vmem>>
        %parallel_loop3A_342 = tpu.memref_squeeze %parallel_loop3A_341 : memref<1x128xf32, #tpu.memory_space<vmem>> -> memref<128xf32, #tpu.memory_space<vmem>>
        %parallel_loop3A_343 = arith.constant 80 : index
        %parallel_loop3A_344 = tpu.vector_load %parallel_loop3A_342[%parallel_loop3A_343] {strides = array<i32>} : memref<128xf32, #tpu.memory_space<vmem>>, vector<16xf32>,
        tpu.vector_store %parallel_loop3A_342[%parallel_loop3A_343], %parallel_loop3A_339 {strides = array<i32>} : memref<128xf32, #tpu.memory_space<vmem>>, vector<16xf32>,
        %parallel_loop3A_345 = arith.constant 0 : i32
        %parallel_loop3A_346 = arith.constant 0 : i32
        %parallel_loop3A_347 = tpu.memref_slice %arg7[%parallel_loop3A_345, %parallel_loop3A_278, %parallel_loop3A_346] : memref<2x40x128xbf16, #tpu.memory_space<vmem>> -> memref<1x1x128xbf16, #tpu.memory_space<vmem>>
        %parallel_loop3A_348 = tpu.memref_squeeze %parallel_loop3A_347 : memref<1x1x128xbf16, #tpu.memory_space<vmem>> -> memref<128xbf16, #tpu.memory_space<vmem>>
        %parallel_loop3A_349 = arith.constant 96 : index
        %parallel_loop3A_350 = tpu.vector_load %parallel_loop3A_348[%parallel_loop3A_349] {strides = array<i32>} : memref<128xbf16, #tpu.memory_space<vmem>>, vector<32xbf16>,
        %parallel_loop3A_351 = tpu.unpack_subelements %parallel_loop3A_350, 0 {pack_format = #tpu.pack_format<interleaved>} : vector<32xbf16> -> vector<16xf32>
        %parallel_loop3A_352 = tpu.unpack_subelements %parallel_loop3A_350, 1 {pack_format = #tpu.pack_format<interleaved>} : vector<32xbf16> -> vector<16xf32>
        %parallel_loop3A_353 = arith.mulf %parallel_loop3A_351, %parallel_loop3A_284 : vector<16xf32>
        %parallel_loop3A_354 = arith.constant 0 : i32
        %parallel_loop3A_355 = tpu.memref_slice %arg8[%parallel_loop3A_278, %parallel_loop3A_354] : memref<40x128xf32, #tpu.memory_space<vmem>> -> memref<1x128xf32, #tpu.memory_space<vmem>>
        %parallel_loop3A_356 = tpu.memref_squeeze %parallel_loop3A_355 : memref<1x128xf32, #tpu.memory_space<vmem>> -> memref<128xf32, #tpu.memory_space<vmem>>
        %parallel_loop3A_357 = arith.constant 96 : index
        %parallel_loop3A_358 = tpu.vector_load %parallel_loop3A_356[%parallel_loop3A_357] {strides = array<i32>} : memref<128xf32, #tpu.memory_space<vmem>>, vector<16xf32>,
        tpu.vector_store %parallel_loop3A_356[%parallel_loop3A_357], %parallel_loop3A_353 {strides = array<i32>} : memref<128xf32, #tpu.memory_space<vmem>>, vector<16xf32>,
        %parallel_loop3A_359 = arith.mulf %parallel_loop3A_352, %parallel_loop3A_284 : vector<16xf32>
        %parallel_loop3A_360 = arith.constant 0 : i32
        %parallel_loop3A_361 = tpu.memref_slice %arg8[%parallel_loop3A_278, %parallel_loop3A_360] : memref<40x128xf32, #tpu.memory_space<vmem>> -> memref<1x128xf32, #tpu.memory_space<vmem>>
        %parallel_loop3A_362 = tpu.memref_squeeze %parallel_loop3A_361 : memref<1x128xf32, #tpu.memory_space<vmem>> -> memref<128xf32, #tpu.memory_space<vmem>>
        %parallel_loop3A_363 = arith.constant 112 : index
        %parallel_loop3A_364 = tpu.vector_load %parallel_loop3A_362[%parallel_loop3A_363] {strides = array<i32>} : memref<128xf32, #tpu.memory_space<vmem>>, vector<16xf32>,
        tpu.vector_store %parallel_loop3A_362[%parallel_loop3A_363], %parallel_loop3A_359 {strides = array<i32>} : memref<128xf32, #tpu.memory_space<vmem>>, vector<16xf32>,
      } {sc.loop_unroll_factor = 8 : i64, sc.parallel_access}
      %dma_start3A_216 = arith.constant 2 : i32
      %dma_start3A_217 = arith.constant 1 : i32
      %dma_start3A_218 = arith.constant 0 : i32
      %dma_start3A_219 = tpu.memref_slice %arg6[%dma_start3A_216, %dma_start3A_217, %dma_start3A_218] : memref<4x3x40xi32, #tpu.memory_space<vmem>> -> memref<1x1x40xi32, #tpu.memory_space<vmem>>
      %dma_start3A_220 = tpu.memref_squeeze %dma_start3A_219 : memref<1x1x40xi32, #tpu.memory_space<vmem>> -> memref<40xi32, #tpu.memory_space<vmem>>
      %dma_start3A_221 = arith.constant 0 : i32
      %dma_start3A_222 = arith.constant 0 : i32
      %dma_start3A_223 = tpu.memref_slice %arg10[%dma_start3A_221, %dma_start3A_222] : memref<10000x128xf32, #tpu.memory_space<vmem_shared>> -> memref<10000x128xf32, #tpu.memory_space<vmem_shared>>
      tpu.enqueue_indirect_dma source(%arg8 : memref<40x128xf32, #tpu.memory_space<vmem>>) target(%dma_start3A_223 : memref<10000x128xf32, #tpu.memory_space<vmem_shared>>) offsets(%dma_start3A_220 : memref<40xi32, #tpu.memory_space<vmem>>) semaphore(%arg13 : memref<!tpu.dma_semaphore, #tpu.memory_space<semaphore_mem>>) {add = true}
      %add3A_224 = arith.constant 2 : i32
      %add3A_225 = arith.addi %add3A_185, %add3A_224 : i32
      %lt3A_226 = arith.constant 1256 : i32
      %lt3A_227 = arith.cmpi slt, %add3A_225, %lt3A_226 : i32
      %convert_element_type3A_228 = arith.extui %lt3A_227 : i1 to i32
      %cond3A_229 = arith.constant 0 : i32
      %cond3A_230 = arith.cmpi ne, %convert_element_type3A_228, %cond3A_229 : i32
      scf.if %cond3A_230 {
        %add3A_278 = arith.constant 2 : i32
        %add3A_279 = arith.addi %add3A_185, %add3A_278 : i32
        %add3A_280 = arith.addi %mul3A_6, %add3A_279 : i32
        %dma_start3A_281 = arith.constant 0 : i32
        %dma_start3A_282 = arith.constant 0 : i32
        %dma_start3A_283 = arith.constant 0 : i32
        %dma_start3A_284 = tpu.memref_slice %arg6[%dma_start3A_281, %dma_start3A_282, %dma_start3A_283] : memref<4x3x40xi32, #tpu.memory_space<vmem>> -> memref<1x3x40xi32, #tpu.memory_space<vmem>>
        %dma_start3A_285 = tpu.memref_squeeze %dma_start3A_284 : memref<1x3x40xi32, #tpu.memory_space<vmem>> -> memref<3x40xi32, #tpu.memory_space<vmem>>
        %dma_start3A_286 = arith.constant 0 : i32
        %dma_start3A_287 = arith.constant 0 : i32
        %dma_start3A_288 = tpu.memref_slice %arg2[%add3A_280, %dma_start3A_286, %dma_start3A_287] : memref<20096x3x40xi32, #tpu.memory_space<hbm>> -> memref<1x3x40xi32, #tpu.memory_space<hbm>>
        %dma_start3A_289 = tpu.memref_squeeze %dma_start3A_288 : memref<1x3x40xi32, #tpu.memory_space<hbm>> -> memref<3x40xi32, #tpu.memory_space<hbm>>
        %dma_start3A_290 = arith.constant 0 : i32
        %dma_start3A_291 = arith.constant 0 : i32
        %dma_start3A_292 = tpu.memref_slice %arg6[%dma_start3A_281, %dma_start3A_290, %dma_start3A_291] : memref<4x3x40xi32, #tpu.memory_space<vmem>> -> memref<1x3x40xi32, #tpu.memory_space<vmem>>
        %dma_start3A_293 = tpu.memref_squeeze %dma_start3A_292 : memref<1x3x40xi32, #tpu.memory_space<vmem>> -> memref<3x40xi32, #tpu.memory_space<vmem>>
        %dma_start3A_294 = arith.constant 0 : i32
        %dma_start3A_295 = arith.constant 0 : i32
        %dma_start3A_296 = tpu.memref_slice %arg2[%add3A_280, %dma_start3A_294, %dma_start3A_295] : memref<20096x3x40xi32, #tpu.memory_space<hbm>> -> memref<1x3x40xi32, #tpu.memory_space<hbm>>
        %dma_start3A_297 = tpu.memref_squeeze %dma_start3A_296 : memref<1x3x40xi32, #tpu.memory_space<hbm>> -> memref<3x40xi32, #tpu.memory_space<hbm>>
        tpu.enqueue_dma source(%dma_start3A_297 : memref<3x40xi32, #tpu.memory_space<hbm>>) target(%dma_start3A_293 : memref<3x40xi32, #tpu.memory_space<vmem>>) target_semaphore(%arg14 : memref<!tpu.dma_semaphore, #tpu.memory_space<semaphore_mem>>)
      } else {
      }
      %add3A_231 = arith.constant 3 : i32
      %add3A_232 = arith.addi %mul3A_94, %add3A_231 : i32
      %dma_wait3A_233 = arith.constant 3 : i32
      %dma_wait3A_234 = arith.constant 0 : i32
      %dma_wait3A_235 = arith.constant 1 : i32
      %dma_wait3A_236 = arith.constant 0 : i32
      %dma_wait3A_237 = arith.constant 0 : i32
      %dma_wait3A_238 = tpu.memref_slice %arg7[%dma_wait3A_235, %dma_wait3A_236, %dma_wait3A_237] : memref<2x40x128xbf16, #tpu.memory_space<vmem>> -> memref<1x40x128xbf16, #tpu.memory_space<vmem>>
      %dma_wait3A_239 = tpu.memref_squeeze %dma_wait3A_238 : memref<1x40x128xbf16, #tpu.memory_space<vmem>> -> memref<40x128xbf16, #tpu.memory_space<vmem>>
      %dma_wait3A_240 = arith.constant 0 : i32
      %dma_wait3A_241 = tpu.memref_slice %arg6[%dma_wait3A_233, %dma_wait3A_234, %dma_wait3A_240] : memref<4x3x40xi32, #tpu.memory_space<vmem>> -> memref<1x1x40xi32, #tpu.memory_space<vmem>>
      %dma_wait3A_242 = tpu.memref_squeeze %dma_wait3A_241 : memref<1x1x40xi32, #tpu.memory_space<vmem>> -> memref<40xi32, #tpu.memory_space<vmem>>
      %dma_wait3A_243 = arith.constant 0 : i32
      %dma_wait3A_244 = arith.constant 0 : i32
      %dma_wait3A_245 = tpu.memref_slice %arg9[%dma_wait3A_243, %dma_wait3A_244] : memref<10000x128xbf16, #tpu.memory_space<vmem_shared>> -> memref<10000x128xbf16, #tpu.memory_space<vmem_shared>>
      tpu.wait_indirect_dma semaphore(%arg12 : memref<!tpu.dma_semaphore, #tpu.memory_space<semaphore_mem>>) src(%dma_wait3A_245 : memref<10000x128xbf16, #tpu.memory_space<vmem_shared>>) dst(%dma_wait3A_239 : memref<40x128xbf16, #tpu.memory_space<vmem>>)
      %add3A_246 = arith.constant 1 : i32
      %add3A_247 = arith.addi %add3A_232, %add3A_246 : i32
      %lt3A_248 = arith.constant 1256 : i32
      %lt3A_249 = arith.cmpi slt, %add3A_247, %lt3A_248 : i32
      %convert_element_type3A_250 = arith.extui %lt3A_249 : i1 to i32
      %cond3A_251 = arith.constant 0 : i32
      %cond3A_252 = arith.cmpi ne, %convert_element_type3A_250, %cond3A_251 : i32
      scf.if %cond3A_252 {
        %add3A_278 = arith.addi %mul3A_6, %add3A_232 : i32
        %add3A_279 = arith.constant 1 : i32
        %add3A_280 = arith.addi %add3A_278, %add3A_279 : i32
        %dma_wait3A_281 = arith.constant 0 : i32
        %dma_wait3A_282 = arith.constant 0 : i32
        %dma_wait3A_283 = arith.constant 0 : i32
        %dma_wait3A_284 = tpu.memref_slice %arg6[%dma_wait3A_281, %dma_wait3A_282, %dma_wait3A_283] : memref<4x3x40xi32, #tpu.memory_space<vmem>> -> memref<1x3x40xi32, #tpu.memory_space<vmem>>
        %dma_wait3A_285 = tpu.memref_squeeze %dma_wait3A_284 : memref<1x3x40xi32, #tpu.memory_space<vmem>> -> memref<3x40xi32, #tpu.memory_space<vmem>>
        %dma_wait3A_286 = arith.constant 0 : i32
        %dma_wait3A_287 = arith.constant 0 : i32
        %dma_wait3A_288 = tpu.memref_slice %arg2[%add3A_280, %dma_wait3A_286, %dma_wait3A_287] : memref<20096x3x40xi32, #tpu.memory_space<hbm>> -> memref<1x3x40xi32, #tpu.memory_space<hbm>>
        %dma_wait3A_289 = tpu.memref_squeeze %dma_wait3A_288 : memref<1x3x40xi32, #tpu.memory_space<hbm>> -> memref<3x40xi32, #tpu.memory_space<hbm>>
        %dma_wait3A_290 = arith.constant 0 : i32
        %dma_wait3A_291 = arith.constant 0 : i32
        %dma_wait3A_292 = tpu.memref_slice %arg6[%dma_wait3A_281, %dma_wait3A_290, %dma_wait3A_291] : memref<4x3x40xi32, #tpu.memory_space<vmem>> -> memref<1x3x40xi32, #tpu.memory_space<vmem>>
        %dma_wait3A_293 = tpu.memref_squeeze %dma_wait3A_292 : memref<1x3x40xi32, #tpu.memory_space<vmem>> -> memref<3x40xi32, #tpu.memory_space<vmem>>
        %dma_wait3A_294 = arith.constant 0 : i32
        %dma_wait3A_295 = arith.constant 0 : i32
        %dma_wait3A_296 = tpu.memref_slice %arg2[%add3A_280, %dma_wait3A_294, %dma_wait3A_295] : memref<20096x3x40xi32, #tpu.memory_space<hbm>> -> memref<1x3x40xi32, #tpu.memory_space<hbm>>
        %dma_wait3A_297 = tpu.memref_squeeze %dma_wait3A_296 : memref<1x3x40xi32, #tpu.memory_space<hbm>> -> memref<3x40xi32, #tpu.memory_space<hbm>>
        tpu.wait_dma2 semaphore(%arg14 : memref<!tpu.dma_semaphore, #tpu.memory_space<semaphore_mem>>) src(%dma_wait3A_297 : memref<3x40xi32, #tpu.memory_space<hbm>>) dst(%dma_wait3A_293 : memref<3x40xi32, #tpu.memory_space<vmem>>)
        %add3A_298 = arith.constant 1 : i32
        %add3A_299 = arith.addi %add3A_232, %add3A_298 : i32
        %dma_start3A_300 = arith.constant 0 : i32
        %dma_start3A_301 = arith.constant 0 : i32
        %dma_start3A_302 = arith.constant 0 : i32
        %dma_start3A_303 = arith.constant 0 : i32
        %dma_start3A_304 = arith.constant 0 : i32
        %dma_start3A_305 = tpu.memref_slice %arg7[%dma_start3A_302, %dma_start3A_303, %dma_start3A_304] : memref<2x40x128xbf16, #tpu.memory_space<vmem>> -> memref<1x40x128xbf16, #tpu.memory_space<vmem>>
        %dma_start3A_306 = tpu.memref_squeeze %dma_start3A_305 : memref<1x40x128xbf16, #tpu.memory_space<vmem>> -> memref<40x128xbf16, #tpu.memory_space<vmem>>
        %dma_start3A_307 = arith.constant 0 : i32
        %dma_start3A_308 = tpu.memref_slice %arg6[%dma_start3A_300, %dma_start3A_301, %dma_start3A_307] : memref<4x3x40xi32, #tpu.memory_space<vmem>> -> memref<1x1x40xi32, #tpu.memory_space<vmem>>
        %dma_start3A_309 = tpu.memref_squeeze %dma_start3A_308 : memref<1x1x40xi32, #tpu.memory_space<vmem>> -> memref<40xi32, #tpu.memory_space<vmem>>
        %dma_start3A_310 = arith.constant 0 : i32
        %dma_start3A_311 = arith.constant 0 : i32
        %dma_start3A_312 = tpu.memref_slice %arg9[%dma_start3A_310, %dma_start3A_311] : memref<10000x128xbf16, #tpu.memory_space<vmem_shared>> -> memref<10000x128xbf16, #tpu.memory_space<vmem_shared>>
        tpu.enqueue_indirect_dma source(%dma_start3A_312 : memref<10000x128xbf16, #tpu.memory_space<vmem_shared>>) target(%dma_start3A_306 : memref<40x128xbf16, #tpu.memory_space<vmem>>) offsets(%dma_start3A_309 : memref<40xi32, #tpu.memory_space<vmem>>) semaphore(%arg11 : memref<!tpu.dma_semaphore, #tpu.memory_space<semaphore_mem>>)
      } else {
      }
      %ge3A_253 = arith.constant 1 : i32
      %ge3A_254 = arith.cmpi sge, %add3A_232, %ge3A_253 : i32
      %convert_element_type3A_255 = arith.extui %ge3A_254 : i1 to i32
      %cond3A_256 = arith.constant 0 : i32
      %cond3A_257 = arith.cmpi ne, %convert_element_type3A_255, %cond3A_256 : i32
      scf.if %cond3A_257 {
        %dma_wait3A_278 = arith.constant 1 : i32
        %dma_wait3A_279 = arith.constant 1 : i32
        %dma_wait3A_280 = arith.constant 0 : i32
        %dma_wait3A_281 = tpu.memref_slice %arg6[%dma_wait3A_278, %dma_wait3A_279, %dma_wait3A_280] : memref<4x3x40xi32, #tpu.memory_space<vmem>> -> memref<1x1x40xi32, #tpu.memory_space<vmem>>
        %dma_wait3A_282 = tpu.memref_squeeze %dma_wait3A_281 : memref<1x1x40xi32, #tpu.memory_space<vmem>> -> memref<40xi32, #tpu.memory_space<vmem>>
        %dma_wait3A_283 = arith.constant 0 : i32
        %dma_wait3A_284 = arith.constant 0 : i32
        %dma_wait3A_285 = tpu.memref_slice %arg10[%dma_wait3A_283, %dma_wait3A_284] : memref<10000x128xf32, #tpu.memory_space<vmem_shared>> -> memref<10000x128xf32, #tpu.memory_space<vmem_shared>>
        tpu.wait_indirect_dma semaphore(%arg13 : memref<!tpu.dma_semaphore, #tpu.memory_space<semaphore_mem>>) src(%arg8 : memref<40x128xf32, #tpu.memory_space<vmem>>) dst(%dma_wait3A_285 : memref<10000x128xf32, #tpu.memory_space<vmem_shared>>)
      } else {
      }
      %parallel_loop3A_258 = arith.constant 0 : i32
      %parallel_loop3A_259 = arith.constant 40 : i32
      %parallel_loop3A_260 = arith.constant 1 : i32
      %parallel_loop3A_261 = arith.constant 3 : i32
      %parallel_loop3A_262 = arith.constant 2 : i32
      scf.for %parallel_loop3A_278 = %parallel_loop3A_258 to %parallel_loop3A_259 step %parallel_loop3A_260  : i32 {
        %parallel_loop3A_279 = vector.broadcast %parallel_loop3A_278 : i32 to vector<16xi32>
        %parallel_loop3A_280 = arith.constant 0 : i32
        %parallel_loop3A_281 = tpu.memref_slice %arg6[%parallel_loop3A_261, %parallel_loop3A_262, %parallel_loop3A_280] : memref<4x3x40xi32, #tpu.memory_space<vmem>> -> memref<1x1x40xi32, #tpu.memory_space<vmem>>
        %parallel_loop3A_282 = tpu.memref_squeeze %parallel_loop3A_281 : memref<1x1x40xi32, #tpu.memory_space<vmem>> -> memref<40xi32, #tpu.memory_space<vmem>>
        %parallel_loop3A_283 = tpu.vector_load_idx %parallel_loop3A_282[%parallel_loop3A_279] : memref<40xi32, #tpu.memory_space<vmem>>[vector<16xi32>], vector<16xi32>,
        %parallel_loop3A_284 = vector.bitcast %parallel_loop3A_283 : vector<16xi32> to vector<16xf32>
        %parallel_loop3A_285 = arith.constant 1 : i32
        %parallel_loop3A_286 = arith.constant 0 : i32
        %parallel_loop3A_287 = tpu.memref_slice %arg7[%parallel_loop3A_285, %parallel_loop3A_278, %parallel_loop3A_286] : memref<2x40x128xbf16, #tpu.memory_space<vmem>> -> memref<1x1x128xbf16, #tpu.memory_space<vmem>>
        %parallel_loop3A_288 = tpu.memref_squeeze %parallel_loop3A_287 : memref<1x1x128xbf16, #tpu.memory_space<vmem>> -> memref<128xbf16, #tpu.memory_space<vmem>>
        %parallel_loop3A_289 = arith.constant 0 : index
        %parallel_loop3A_290 = tpu.vector_load %parallel_loop3A_288[%parallel_loop3A_289] {strides = array<i32>} : memref<128xbf16, #tpu.memory_space<vmem>>, vector<32xbf16>,
        %parallel_loop3A_291 = tpu.unpack_subelements %parallel_loop3A_290, 0 {pack_format = #tpu.pack_format<interleaved>} : vector<32xbf16> -> vector<16xf32>
        %parallel_loop3A_292 = tpu.unpack_subelements %parallel_loop3A_290, 1 {pack_format = #tpu.pack_format<interleaved>} : vector<32xbf16> -> vector<16xf32>
        %parallel_loop3A_293 = arith.mulf %parallel_loop3A_291, %parallel_loop3A_284 : vector<16xf32>
        %parallel_loop3A_294 = arith.constant 0 : i32
        %parallel_loop3A_295 = tpu.memref_slice %arg8[%parallel_loop3A_278, %parallel_loop3A_294] : memref<40x128xf32, #tpu.memory_space<vmem>> -> memref<1x128xf32, #tpu.memory_space<vmem>>
        %parallel_loop3A_296 = tpu.memref_squeeze %parallel_loop3A_295 : memref<1x128xf32, #tpu.memory_space<vmem>> -> memref<128xf32, #tpu.memory_space<vmem>>
        %parallel_loop3A_297 = arith.constant 0 : index
        %parallel_loop3A_298 = tpu.vector_load %parallel_loop3A_296[%parallel_loop3A_297] {strides = array<i32>} : memref<128xf32, #tpu.memory_space<vmem>>, vector<16xf32>,
        tpu.vector_store %parallel_loop3A_296[%parallel_loop3A_297], %parallel_loop3A_293 {strides = array<i32>} : memref<128xf32, #tpu.memory_space<vmem>>, vector<16xf32>,
        %parallel_loop3A_299 = arith.mulf %parallel_loop3A_292, %parallel_loop3A_284 : vector<16xf32>
        %parallel_loop3A_300 = arith.constant 0 : i32
        %parallel_loop3A_301 = tpu.memref_slice %arg8[%parallel_loop3A_278, %parallel_loop3A_300] : memref<40x128xf32, #tpu.memory_space<vmem>> -> memref<1x128xf32, #tpu.memory_space<vmem>>
        %parallel_loop3A_302 = tpu.memref_squeeze %parallel_loop3A_301 : memref<1x128xf32, #tpu.memory_space<vmem>> -> memref<128xf32, #tpu.memory_space<vmem>>
        %parallel_loop3A_303 = arith.constant 16 : index
        %parallel_loop3A_304 = tpu.vector_load %parallel_loop3A_302[%parallel_loop3A_303] {strides = array<i32>} : memref<128xf32, #tpu.memory_space<vmem>>, vector<16xf32>,
        tpu.vector_store %parallel_loop3A_302[%parallel_loop3A_303], %parallel_loop3A_299 {strides = array<i32>} : memref<128xf32, #tpu.memory_space<vmem>>, vector<16xf32>,
        %parallel_loop3A_305 = arith.constant 1 : i32
        %parallel_loop3A_306 = arith.constant 0 : i32
        %parallel_loop3A_307 = tpu.memref_slice %arg7[%parallel_loop3A_305, %parallel_loop3A_278, %parallel_loop3A_306] : memref<2x40x128xbf16, #tpu.memory_space<vmem>> -> memref<1x1x128xbf16, #tpu.memory_space<vmem>>
        %parallel_loop3A_308 = tpu.memref_squeeze %parallel_loop3A_307 : memref<1x1x128xbf16, #tpu.memory_space<vmem>> -> memref<128xbf16, #tpu.memory_space<vmem>>
        %parallel_loop3A_309 = arith.constant 32 : index
        %parallel_loop3A_310 = tpu.vector_load %parallel_loop3A_308[%parallel_loop3A_309] {strides = array<i32>} : memref<128xbf16, #tpu.memory_space<vmem>>, vector<32xbf16>,
        %parallel_loop3A_311 = tpu.unpack_subelements %parallel_loop3A_310, 0 {pack_format = #tpu.pack_format<interleaved>} : vector<32xbf16> -> vector<16xf32>
        %parallel_loop3A_312 = tpu.unpack_subelements %parallel_loop3A_310, 1 {pack_format = #tpu.pack_format<interleaved>} : vector<32xbf16> -> vector<16xf32>
        %parallel_loop3A_313 = arith.mulf %parallel_loop3A_311, %parallel_loop3A_284 : vector<16xf32>
        %parallel_loop3A_314 = arith.constant 0 : i32
        %parallel_loop3A_315 = tpu.memref_slice %arg8[%parallel_loop3A_278, %parallel_loop3A_314] : memref<40x128xf32, #tpu.memory_space<vmem>> -> memref<1x128xf32, #tpu.memory_space<vmem>>
        %parallel_loop3A_316 = tpu.memref_squeeze %parallel_loop3A_315 : memref<1x128xf32, #tpu.memory_space<vmem>> -> memref<128xf32, #tpu.memory_space<vmem>>
        %parallel_loop3A_317 = arith.constant 32 : index
        %parallel_loop3A_318 = tpu.vector_load %parallel_loop3A_316[%parallel_loop3A_317] {strides = array<i32>} : memref<128xf32, #tpu.memory_space<vmem>>, vector<16xf32>,
        tpu.vector_store %parallel_loop3A_316[%parallel_loop3A_317], %parallel_loop3A_313 {strides = array<i32>} : memref<128xf32, #tpu.memory_space<vmem>>, vector<16xf32>,
        %parallel_loop3A_319 = arith.mulf %parallel_loop3A_312, %parallel_loop3A_284 : vector<16xf32>
        %parallel_loop3A_320 = arith.constant 0 : i32
        %parallel_loop3A_321 = tpu.memref_slice %arg8[%parallel_loop3A_278, %parallel_loop3A_320] : memref<40x128xf32, #tpu.memory_space<vmem>> -> memref<1x128xf32, #tpu.memory_space<vmem>>
        %parallel_loop3A_322 = tpu.memref_squeeze %parallel_loop3A_321 : memref<1x128xf32, #tpu.memory_space<vmem>> -> memref<128xf32, #tpu.memory_space<vmem>>
        %parallel_loop3A_323 = arith.constant 48 : index
        %parallel_loop3A_324 = tpu.vector_load %parallel_loop3A_322[%parallel_loop3A_323] {strides = array<i32>} : memref<128xf32, #tpu.memory_space<vmem>>, vector<16xf32>,
        tpu.vector_store %parallel_loop3A_322[%parallel_loop3A_323], %parallel_loop3A_319 {strides = array<i32>} : memref<128xf32, #tpu.memory_space<vmem>>, vector<16xf32>,
        %parallel_loop3A_325 = arith.constant 1 : i32
        %parallel_loop3A_326 = arith.constant 0 : i32
        %parallel_loop3A_327 = tpu.memref_slice %arg7[%parallel_loop3A_325, %parallel_loop3A_278, %parallel_loop3A_326] : memref<2x40x128xbf16, #tpu.memory_space<vmem>> -> memref<1x1x128xbf16, #tpu.memory_space<vmem>>
        %parallel_loop3A_328 = tpu.memref_squeeze %parallel_loop3A_327 : memref<1x1x128xbf16, #tpu.memory_space<vmem>> -> memref<128xbf16, #tpu.memory_space<vmem>>
        %parallel_loop3A_329 = arith.constant 64 : index
        %parallel_loop3A_330 = tpu.vector_load %parallel_loop3A_328[%parallel_loop3A_329] {strides = array<i32>} : memref<128xbf16, #tpu.memory_space<vmem>>, vector<32xbf16>,
        %parallel_loop3A_331 = tpu.unpack_subelements %parallel_loop3A_330, 0 {pack_format = #tpu.pack_format<interleaved>} : vector<32xbf16> -> vector<16xf32>
        %parallel_loop3A_332 = tpu.unpack_subelements %parallel_loop3A_330, 1 {pack_format = #tpu.pack_format<interleaved>} : vector<32xbf16> -> vector<16xf32>
        %parallel_loop3A_333 = arith.mulf %parallel_loop3A_331, %parallel_loop3A_284 : vector<16xf32>
        %parallel_loop3A_334 = arith.constant 0 : i32
        %parallel_loop3A_335 = tpu.memref_slice %arg8[%parallel_loop3A_278, %parallel_loop3A_334] : memref<40x128xf32, #tpu.memory_space<vmem>> -> memref<1x128xf32, #tpu.memory_space<vmem>>
        %parallel_loop3A_336 = tpu.memref_squeeze %parallel_loop3A_335 : memref<1x128xf32, #tpu.memory_space<vmem>> -> memref<128xf32, #tpu.memory_space<vmem>>
        %parallel_loop3A_337 = arith.constant 64 : index
        %parallel_loop3A_338 = tpu.vector_load %parallel_loop3A_336[%parallel_loop3A_337] {strides = array<i32>} : memref<128xf32, #tpu.memory_space<vmem>>, vector<16xf32>,
        tpu.vector_store %parallel_loop3A_336[%parallel_loop3A_337], %parallel_loop3A_333 {strides = array<i32>} : memref<128xf32, #tpu.memory_space<vmem>>, vector<16xf32>,
        %parallel_loop3A_339 = arith.mulf %parallel_loop3A_332, %parallel_loop3A_284 : vector<16xf32>
        %parallel_loop3A_340 = arith.constant 0 : i32
        %parallel_loop3A_341 = tpu.memref_slice %arg8[%parallel_loop3A_278, %parallel_loop3A_340] : memref<40x128xf32, #tpu.memory_space<vmem>> -> memref<1x128xf32, #tpu.memory_space<vmem>>
        %parallel_loop3A_342 = tpu.memref_squeeze %parallel_loop3A_341 : memref<1x128xf32, #tpu.memory_space<vmem>> -> memref<128xf32, #tpu.memory_space<vmem>>
        %parallel_loop3A_343 = arith.constant 80 : index
        %parallel_loop3A_344 = tpu.vector_load %parallel_loop3A_342[%parallel_loop3A_343] {strides = array<i32>} : memref<128xf32, #tpu.memory_space<vmem>>, vector<16xf32>,
        tpu.vector_store %parallel_loop3A_342[%parallel_loop3A_343], %parallel_loop3A_339 {strides = array<i32>} : memref<128xf32, #tpu.memory_space<vmem>>, vector<16xf32>,
        %parallel_loop3A_345 = arith.constant 1 : i32
        %parallel_loop3A_346 = arith.constant 0 : i32
        %parallel_loop3A_347 = tpu.memref_slice %arg7[%parallel_loop3A_345, %parallel_loop3A_278, %parallel_loop3A_346] : memref<2x40x128xbf16, #tpu.memory_space<vmem>> -> memref<1x1x128xbf16, #tpu.memory_space<vmem>>
        %parallel_loop3A_348 = tpu.memref_squeeze %parallel_loop3A_347 : memref<1x1x128xbf16, #tpu.memory_space<vmem>> -> memref<128xbf16, #tpu.memory_space<vmem>>
        %parallel_loop3A_349 = arith.constant 96 : index
        %parallel_loop3A_350 = tpu.vector_load %parallel_loop3A_348[%parallel_loop3A_349] {strides = array<i32>} : memref<128xbf16, #tpu.memory_space<vmem>>, vector<32xbf16>,
        %parallel_loop3A_351 = tpu.unpack_subelements %parallel_loop3A_350, 0 {pack_format = #tpu.pack_format<interleaved>} : vector<32xbf16> -> vector<16xf32>
        %parallel_loop3A_352 = tpu.unpack_subelements %parallel_loop3A_350, 1 {pack_format = #tpu.pack_format<interleaved>} : vector<32xbf16> -> vector<16xf32>
        %parallel_loop3A_353 = arith.mulf %parallel_loop3A_351, %parallel_loop3A_284 : vector<16xf32>
        %parallel_loop3A_354 = arith.constant 0 : i32
        %parallel_loop3A_355 = tpu.memref_slice %arg8[%parallel_loop3A_278, %parallel_loop3A_354] : memref<40x128xf32, #tpu.memory_space<vmem>> -> memref<1x128xf32, #tpu.memory_space<vmem>>
        %parallel_loop3A_356 = tpu.memref_squeeze %parallel_loop3A_355 : memref<1x128xf32, #tpu.memory_space<vmem>> -> memref<128xf32, #tpu.memory_space<vmem>>
        %parallel_loop3A_357 = arith.constant 96 : index
        %parallel_loop3A_358 = tpu.vector_load %parallel_loop3A_356[%parallel_loop3A_357] {strides = array<i32>} : memref<128xf32, #tpu.memory_space<vmem>>, vector<16xf32>,
        tpu.vector_store %parallel_loop3A_356[%parallel_loop3A_357], %parallel_loop3A_353 {strides = array<i32>} : memref<128xf32, #tpu.memory_space<vmem>>, vector<16xf32>,
        %parallel_loop3A_359 = arith.mulf %parallel_loop3A_352, %parallel_loop3A_284 : vector<16xf32>
        %parallel_loop3A_360 = arith.constant 0 : i32
        %parallel_loop3A_361 = tpu.memref_slice %arg8[%parallel_loop3A_278, %parallel_loop3A_360] : memref<40x128xf32, #tpu.memory_space<vmem>> -> memref<1x128xf32, #tpu.memory_space<vmem>>
        %parallel_loop3A_362 = tpu.memref_squeeze %parallel_loop3A_361 : memref<1x128xf32, #tpu.memory_space<vmem>> -> memref<128xf32, #tpu.memory_space<vmem>>
        %parallel_loop3A_363 = arith.constant 112 : index
        %parallel_loop3A_364 = tpu.vector_load %parallel_loop3A_362[%parallel_loop3A_363] {strides = array<i32>} : memref<128xf32, #tpu.memory_space<vmem>>, vector<16xf32>,
        tpu.vector_store %parallel_loop3A_362[%parallel_loop3A_363], %parallel_loop3A_359 {strides = array<i32>} : memref<128xf32, #tpu.memory_space<vmem>>, vector<16xf32>,
      } {sc.loop_unroll_factor = 8 : i64, sc.parallel_access}
      %dma_start3A_263 = arith.constant 3 : i32
      %dma_start3A_264 = arith.constant 1 : i32
      %dma_start3A_265 = arith.constant 0 : i32
      %dma_start3A_266 = tpu.memref_slice %arg6[%dma_start3A_263, %dma_start3A_264, %dma_start3A_265] : memref<4x3x40xi32, #tpu.memory_space<vmem>> -> memref<1x1x40xi32, #tpu.memory_space<vmem>>
      %dma_start3A_267 = tpu.memref_squeeze %dma_start3A_266 : memref<1x1x40xi32, #tpu.memory_space<vmem>> -> memref<40xi32, #tpu.memory_space<vmem>>
      %dma_start3A_268 = arith.constant 0 : i32
      %dma_start3A_269 = arith.constant 0 : i32
      %dma_start3A_270 = tpu.memref_slice %arg10[%dma_start3A_268, %dma_start3A_269] : memref<10000x128xf32, #tpu.memory_space<vmem_shared>> -> memref<10000x128xf32, #tpu.memory_space<vmem_shared>>
      tpu.enqueue_indirect_dma source(%arg8 : memref<40x128xf32, #tpu.memory_space<vmem>>) target(%dma_start3A_270 : memref<10000x128xf32, #tpu.memory_space<vmem_shared>>) offsets(%dma_start3A_267 : memref<40xi32, #tpu.memory_space<vmem>>) semaphore(%arg13 : memref<!tpu.dma_semaphore, #tpu.memory_space<semaphore_mem>>) {add = true}
      %add3A_271 = arith.constant 2 : i32
      %add3A_272 = arith.addi %add3A_232, %add3A_271 : i32
      %lt3A_273 = arith.constant 1256 : i32
      %lt3A_274 = arith.cmpi slt, %add3A_272, %lt3A_273 : i32
      %convert_element_type3A_275 = arith.extui %lt3A_274 : i1 to i32
      %cond3A_276 = arith.constant 0 : i32
      %cond3A_277 = arith.cmpi ne, %convert_element_type3A_275, %cond3A_276 : i32
      scf.if %cond3A_277 {
        %add3A_278 = arith.constant 2 : i32
        %add3A_279 = arith.addi %add3A_232, %add3A_278 : i32
        %add3A_280 = arith.addi %mul3A_6, %add3A_279 : i32
        %dma_start3A_281 = arith.constant 1 : i32
        %dma_start3A_282 = arith.constant 0 : i32
        %dma_start3A_283 = arith.constant 0 : i32
        %dma_start3A_284 = tpu.memref_slice %arg6[%dma_start3A_281, %dma_start3A_282, %dma_start3A_283] : memref<4x3x40xi32, #tpu.memory_space<vmem>> -> memref<1x3x40xi32, #tpu.memory_space<vmem>>
        %dma_start3A_285 = tpu.memref_squeeze %dma_start3A_284 : memref<1x3x40xi32, #tpu.memory_space<vmem>> -> memref<3x40xi32, #tpu.memory_space<vmem>>
        %dma_start3A_286 = arith.constant 0 : i32
        %dma_start3A_287 = arith.constant 0 : i32
        %dma_start3A_288 = tpu.memref_slice %arg2[%add3A_280, %dma_start3A_286, %dma_start3A_287] : memref<20096x3x40xi32, #tpu.memory_space<hbm>> -> memref<1x3x40xi32, #tpu.memory_space<hbm>>
        %dma_start3A_289 = tpu.memref_squeeze %dma_start3A_288 : memref<1x3x40xi32, #tpu.memory_space<hbm>> -> memref<3x40xi32, #tpu.memory_space<hbm>>
        %dma_start3A_290 = arith.constant 0 : i32
        %dma_start3A_291 = arith.constant 0 : i32
        %dma_start3A_292 = tpu.memref_slice %arg6[%dma_start3A_281, %dma_start3A_290, %dma_start3A_291] : memref<4x3x40xi32, #tpu.memory_space<vmem>> -> memref<1x3x40xi32, #tpu.memory_space<vmem>>
        %dma_start3A_293 = tpu.memref_squeeze %dma_start3A_292 : memref<1x3x40xi32, #tpu.memory_space<vmem>> -> memref<3x40xi32, #tpu.memory_space<vmem>>
        %dma_start3A_294 = arith.constant 0 : i32
        %dma_start3A_295 = arith.constant 0 : i32
        %dma_start3A_296 = tpu.memref_slice %arg2[%add3A_280, %dma_start3A_294, %dma_start3A_295] : memref<20096x3x40xi32, #tpu.memory_space<hbm>> -> memref<1x3x40xi32, #tpu.memory_space<hbm>>
        %dma_start3A_297 = tpu.memref_squeeze %dma_start3A_296 : memref<1x3x40xi32, #tpu.memory_space<hbm>> -> memref<3x40xi32, #tpu.memory_space<hbm>>
        tpu.enqueue_dma source(%dma_start3A_297 : memref<3x40xi32, #tpu.memory_space<hbm>>) target(%dma_start3A_293 : memref<3x40xi32, #tpu.memory_space<vmem>>) target_semaphore(%arg15 : memref<!tpu.dma_semaphore, #tpu.memory_space<semaphore_mem>>)
      } else {
      }
    }
    %scan3A_76 = arith.constant 314 : i32
    %dma_wait3A_77 = arith.constant 3 : i32
    %dma_wait3A_78 = arith.constant 1 : i32
    %dma_wait3A_79 = arith.constant 0 : i32
    %dma_wait3A_80 = tpu.memref_slice %arg6[%dma_wait3A_77, %dma_wait3A_78, %dma_wait3A_79] : memref<4x3x40xi32, #tpu.memory_space<vmem>> -> memref<1x1x40xi32, #tpu.memory_space<vmem>>
    %dma_wait3A_81 = tpu.memref_squeeze %dma_wait3A_80 : memref<1x1x40xi32, #tpu.memory_space<vmem>> -> memref<40xi32, #tpu.memory_space<vmem>>
    %dma_wait3A_82 = arith.constant 0 : i32
    %dma_wait3A_83 = arith.constant 0 : i32
    %dma_wait3A_84 = tpu.memref_slice %arg10[%dma_wait3A_82, %dma_wait3A_83] : memref<10000x128xf32, #tpu.memory_space<vmem_shared>> -> memref<10000x128xf32, #tpu.memory_space<vmem_shared>>
    tpu.wait_indirect_dma semaphore(%arg13 : memref<!tpu.dma_semaphore, #tpu.memory_space<semaphore_mem>>) src(%arg8 : memref<40x128xf32, #tpu.memory_space<vmem>>) dst(%dma_wait3A_84 : memref<10000x128xf32, #tpu.memory_space<vmem_shared>>)
    %barrier3A_85 = arith.constant 0 : index
    tpu.barrier barrier_id(%barrier3A_85)
    %mul3A_86 = arith.constant 128 : i32
    %mul3A_87 = arith.muli %arg0, %mul3A_86 : i32
    "tpu.region"() ({
      %run_scoped3A = tpu.sem_alloc : memref<!tpu.dma_semaphore, #tpu.memory_space<semaphore_mem>>
      %dma_start3A_88 = tpu.memref_slice %arg5[%mul3A_0, %mul3A_87] : memref<10000x256xf32, #tpu.memory_space<hbm>> -> memref<625x128xf32, #tpu.memory_space<hbm>>
      %dma_start3A_89 = arith.constant 0 : i32
      %dma_start3A_90 = tpu.memref_slice %arg10[%mul3A_0, %dma_start3A_89] : memref<10000x128xf32, #tpu.memory_space<vmem_shared>> -> memref<625x128xf32, #tpu.memory_space<vmem_shared>>
      tpu.enqueue_dma source(%dma_start3A_90 : memref<625x128xf32, #tpu.memory_space<vmem_shared>>) target(%dma_start3A_88 : memref<625x128xf32, #tpu.memory_space<hbm>>) target_semaphore(%run_scoped3A : memref<!tpu.dma_semaphore, #tpu.memory_space<semaphore_mem>>)
      %dma_wait3A_91 = tpu.memref_slice %arg5[%mul3A_0, %mul3A_87] : memref<10000x256xf32, #tpu.memory_space<hbm>> -> memref<625x128xf32, #tpu.memory_space<hbm>>
      %dma_wait3A_92 = arith.constant 0 : i32
      %dma_wait3A_93 = tpu.memref_slice %arg10[%mul3A_0, %dma_wait3A_92] : memref<10000x128xf32, #tpu.memory_space<vmem_shared>> -> memref<625x128xf32, #tpu.memory_space<vmem_shared>>
      tpu.wait_dma2 semaphore(%run_scoped3A : memref<!tpu.dma_semaphore, #tpu.memory_space<semaphore_mem>>) src(%dma_wait3A_93 : memref<625x128xf32, #tpu.memory_space<vmem_shared>>) dst(%dma_wait3A_91 : memref<625x128xf32, #tpu.memory_space<hbm>>)
      tpu.yield
    }) : () -> ()
    return
  }
}

module attributes {stable_mosaic.version = 14 : i64} {
  func.func @_vals_body(%arg0: memref<5x160000xf32, #tpu.memory_space<vmem>>, %arg1: memref<5x1xf32, #tpu.memory_space<vmem>>, %arg2: memref<5x160000xf32, #tpu.memory_space<vmem>>) attributes {dimension_semantics = [], scalar_prefetch = 0 : i64, scratch_operands = 0 : i64, tpu.core_type = #tpu.core_type<tc>} {
    %get3A = arith.constant 0 : index
    %get3A_0 = arith.constant 0 : index
    %get3A_1 = vector.load %arg0[%get3A, %get3A_0] : memref<5x160000xf32, #tpu.memory_space<vmem>>, vector<5x160000xf32>
    %get3A_2 = arith.constant 0 : index
    %get3A_3 = arith.constant 0 : index
    %get3A_4 = vector.load %arg1[%get3A_2, %get3A_3] : memref<5x1xf32, #tpu.memory_space<vmem>>, vector<5x1xf32>
    %logistic3A = arith.negf %get3A_4 : vector<5x1xf32>
    %logistic3A_5 = math.exp %logistic3A : vector<5x1xf32>
    %logistic3A_6 = arith.constant 1.000000e+00 : f32
    %logistic3A_7 = vector.broadcast %logistic3A_6 : f32 to vector<5x1xf32>
    %logistic3A_8 = arith.addf %logistic3A_7, %logistic3A_5 : vector<5x1xf32>
    %logistic3A_9 = arith.divf %logistic3A_7, %logistic3A_8 : vector<5x1xf32>
    %mul3A = vector.broadcast %logistic3A_9 : vector<5x1xf32> to vector<5x160000xf32>
    %mul3A_10 = arith.mulf %get3A_1, %mul3A : vector<5x160000xf32>
    %swap3A = arith.constant 0 : index
    %swap3A_11 = arith.constant 0 : index
    %swap3A_12 = vector.load %arg2[%swap3A, %swap3A_11] : memref<5x160000xf32, #tpu.memory_space<vmem>>, vector<5x160000xf32>
    tpu.vector_store %arg2[%swap3A, %swap3A_11], %mul3A_10 {strides = array<i32>} : memref<5x160000xf32, #tpu.memory_space<vmem>>, vector<5x160000xf32>,
    return
  }
}

module attributes {stable_mosaic.version = 14 : i64} {
  func.func @_proj_body(%arg0: i32, %arg1: i32, %arg2: memref<1000x256xf32, #tpu.memory_space<vmem>>, %arg3: memref<128x256xf32, #tpu.memory_space<vmem>>, %arg4: memref<1000x128xbf16, #tpu.memory_space<vmem>>) attributes {dimension_semantics = [#tpu.dimension_semantics<arbitrary>, #tpu.dimension_semantics<arbitrary>], iteration_bounds = array<i64: 2, 10>, scalar_prefetch = 0 : i64, scratch_operands = 0 : i64, tpu.core_type = #tpu.core_type<tc>, window_params = [{transform_indices = @transform_0, window_bounds = array<i64: 1000, 256>}, {transform_indices = @transform_1, window_bounds = array<i64: 128, 256>}, {transform_indices = @transform_2, window_bounds = array<i64: 1000, 128>}]} {
    %get3A = arith.constant 0 : index
    %get3A_0 = arith.constant 0 : index
    %get3A_1 = vector.load %arg2[%get3A, %get3A_0] : memref<1000x256xf32, #tpu.memory_space<vmem>>, vector<1000x256xf32>
    %get3A_2 = arith.constant 0 : index
    %get3A_3 = arith.constant 0 : index
    %get3A_4 = vector.load %arg3[%get3A_2, %get3A_3] : memref<128x256xf32, #tpu.memory_space<vmem>>, vector<128x256xf32>
    %dot_general3A = arith.constant dense<0.000000e+00> : vector<1000x128xf32>
    %dot_general3A_5 = tpu.matmul %get3A_1, %get3A_4, %dot_general3A {dimension_numbers = #tpu.dot_dimension_numbers<[1], [1], [0], [0], [0, 0, 1, 0], [], []>, precision = #tpu.contract_precision<fp32>, transpose_lhs_hint = false} : vector<1000x256xf32>, vector<128x256xf32>, vector<1000x128xf32> -> vector<1000x128xf32>
    %convert_element_type3A = arith.truncf %dot_general3A_5 : vector<1000x128xf32> to vector<1000x128xbf16>
    %swap3A = arith.constant 0 : index
    %swap3A_6 = arith.constant 0 : index
    %swap3A_7 = vector.load %arg4[%swap3A, %swap3A_6] : memref<1000x128xbf16, #tpu.memory_space<vmem>>, vector<1000x128xbf16>
    tpu.vector_store %arg4[%swap3A, %swap3A_6], %convert_element_type3A {strides = array<i32>} : memref<1000x128xbf16, #tpu.memory_space<vmem>>, vector<1000x128xbf16>,
    return
  }
  func.func @transform_0(%arg0: i32, %arg1: i32) -> (i32, i32) {
    %c0_i32 = arith.constant 0 : i32
    %c0_i32_0 = arith.constant 0 : i32
    return %arg1, %c0_i32 : i32, i32
  }
  func.func @transform_1(%arg0: i32, %arg1: i32) -> (i32, i32) {
    %c0_i32 = arith.constant 0 : i32
    %c0_i32_0 = arith.constant 0 : i32
    return %arg0, %c0_i32 : i32, i32
  }
  func.func @transform_2(%arg0: i32, %arg1: i32) -> (i32, i32) {
    %mul3A = arith.constant 10 : i32
    %mul3A_0 = arith.muli %arg0, %mul3A : i32
    %add3A = arith.addi %mul3A_0, %arg1 : i32
    %c0_i32 = arith.constant 0 : i32
    %c0_i32_1 = arith.constant 0 : i32
    return %add3A, %c0_i32 : i32, i32
  }
}

</mosaic_0001>

<sc_bundles>
// kernel: kernel.5.cloned.1.call-start
scs
__scs_entry_jumppad:
0x0: {  	(pc) =	sbr.rel $0x88, $3  }
0x1: {  	(tag) =	ssettag $0x0;
	lr =	simm.s32 $0x1  }
0x2: {  	[smem:$0x3F9C] =	sst lr;
	_ =	strace $0xD0000000  }
0x3: {  	_ = 	snop  }
0x4: {  	_ = 	snop  }
0x5: {  	_ = 	snop  }
0x6: {  	_ = 	snop  }
0x7: {  	_ = 	snop  }
__scs_overlays_trampoline_lowered:
0x8: {  	[smem:$0x3FAB] =	sst s0  }
0x9: {  	[smem:$0x3FAC] =	sst s1  }
0xa: {  	[smem:$0x3FAD] =	sst s2  }
0xb: {  	[smem:$0x3FAE] =	sst s3  }
0xc: {  	[smem:$0x3FAF] =	sst s4  }
0xd: {  	[smem:$0x3FB0] =	sst s5  }
0xe: {  	[smem:$0x3FB1] =	sst s6  }
0xf: {  	[smem:$0x3FB2] =	sst s7  }
0x10: {  	[smem:$0x3FB3] =	sst s8  }
0x11: {  	[smem:$0x3FB4] =	sst s9;
	s0 =	simm.s32 @!p0 $0x0  }
0x12: {  	s1 =	sld [smem:$0x3F9A];
	s0 =	simm.s32 @p0 $0x1  }
0x13: {  	[smem:$0x3FB5] =	sst s0;
	s0 =	simm.s32 @!p1 $0x0  }
0x14: {  	s2 =	sld [smem:$0x3F99];
	s0 =	simm.s32 @p1 $0x1  }
0x15: {  	[smem:$0x3FB6] =	sst s0;
	s0 =	simm.s32 @!p2 $0x0  }
0x16: {  	s3 =	sld [smem:$0x3FDB];
	s0 =	simm.s32 @p2 $0x1  }
0x17: {  	s4 =	simm.s32 $0x1BF5;
	[smem:$0x3FB8] =	sst s0  }
0x18: {  	s0 =	sld [smem:$0x3F9B];
	_ =	swait.ge [sflag:s4], $0x0  }
0x19: {  	s7 =	sld [smem:$0x3F9C]  }
0x1a: {  	s8 =	sadd.s32 $0xFFFFE003, lr  }
0x1b: {  	s9 =	sadd.s32 $0xFFFFFEF7, lr;
	s5 =	simm.s32 $0xFFFFFFFF;
	p2 =	slt.u32 s8, $0xFFFFF086  }
0x1c: {  	p1 =	slt.u32 s9, $0xF7A;
	s5 =	simm.s32 @!p2 $0x0  }
0x1d: {  	s5 =	simm.s32 @p1 $0x1;
	p0 =	seq.s32 s7, s2  }
0x1e: {  	s7 =	smul.u32 @!p0 $0xF7A, s2;
	p2 =	seq.s32 @!p0 s5, $0x0  }
0x1f: {  	s9 =	smul.u32 $0xF7A, s1;
	s8 =	simm.s32 @!p0 $0x1BF5;
	p2 =	por !p2, p0  }
0x20: {  	[sflag:s8] =	ssyncset.s32 @!p0 $0xFFFFF086;
	s6 =	sadd.s32 @!p0 s3, s7;
	s7 =	simm.s32 @!p0 $0x108  }
0x21: {  	s3 =	sadd.s32 s3, s9;
	s6 =	sadd.s32 @!p0 $0x88, s6;
	s7 =	simm.s32 @p2 $0x1082  }
0x22: {  	[simem:s7], [sflag:s8] =	dma.local @!p0 [hbm:s6], $0xF7A  }
0x23: {  	s9 =	sor.u32 $0xD0000000, s2;
	s6 =	simm.s32 $0x108;
	_ =	swait.ge @!p0 [sflag:s8], $0x0  }
0x24: {  	s3 =	sadd.s32 $0x88, s3;
	s6 =	simm.s32 @!p1 $0x1082;
	[sflag:s4] =	ssyncset.s32 $0xFFFFF086  }
0x25: {  	[simem:s6], [sflag:s4] =	dma.local [hbm:s3], $0xF7A  }
0x26: {  	[smem:$0x3F9C] =	sst s1;
	(tag) =	ssettag s2;
	_ =	strace s9  }
0x27: {  	s1 =	sld [smem:$0x3FAC]  }
0x28: {  	s2 =	sld [smem:$0x3FAD]  }
0x29: {  	s4 =	sld [smem:$0x3FAF]  }
0x2a: {  	p0 =	seq.s32 s5, $0x0;
	s5 =	sld [smem:$0x3FB0]  }
0x2b: {  	s6 =	sld [smem:$0x3FB1]  }
0x2c: {  	s7 =	sld [smem:$0x3FB2]  }
0x2d: {  	s3 =	simm.s32 $0x108;
	s8 =	sld [smem:$0x3FB3]  }
0x2e: {  	s3 =	simm.s32 @!p0 $0x1082;
	s9 =	sld [smem:$0x3FB4]  }
0x2f: {  	lr =	sadd.s32 s0, s3;
	s0 =	sld [smem:$0x3FAB]  }
0x30: {  	s3 =	sld [smem:$0x3FAE]  }
0x31: {  	[smem:$0x3FB7] =	sst s10  }
0x32: {  	s10 =	sld [smem:$0x3FB5];
	_ =	sdelay $0x3  }
0x33: {  	p0 =	seq.s32 s10, $0x1;
	s10 =	sld [smem:$0x3FB7];
	_ =	sdelay $0x3  }
0x34: {  	[smem:$0x3FB7] =	sst s10  }
0x35: {  	s10 =	sld [smem:$0x3FB6];
	_ =	sdelay $0x3  }
0x36: {  	p1 =	seq.s32 s10, $0x1;
	s10 =	sld [smem:$0x3FB7];
	_ =	sdelay $0x3  }
0x37: {  	[smem:$0x3FB7] =	sst s10  }
0x38: {  	s10 =	sld [smem:$0x3FB8]  }
0x39: {  	_ = 	snop;
	(pc) =	sbr.ind lr, $3  }
0x3a: {  	_ = 	snop  }
0x3b: {  	_ = 	snop  }
0x3c: {  	p2 =	seq.s32 s10, $0x1;
	s10 =	sld [smem:$0x3FB7]  }
0x3d: {  	_ =	shalt  }
0x3e: {  	_ =	shalt  }
0x3f: {  	_ =	shalt  }
0x40: {  	_ =	shalt  }
0x41: {  	_ =	shalt  }
0x42: {  	_ =	shalt  }
0x43: {  	_ =	shalt  }
0x44: {  	_ =	shalt  }
0x45: {  	_ =	shalt  }
0x46: {  	_ =	shalt  }
0x47: {  	_ =	shalt  }
0x48: {  	_ =	shalt  }
0x49: {  	_ =	shalt  }
0x4a: {  	_ =	shalt  }
0x4b: {  	_ =	shalt  }
0x4c: {  	_ =	shalt  }
0x4d: {  	_ =	shalt  }
0x4e: {  	_ =	shalt  }
0x4f: {  	_ =	shalt  }
0x50: {  	_ =	shalt  }
0x51: {  	_ =	shalt  }
0x52: {  	_ =	shalt  }
0x53: {  	_ =	shalt  }
0x54: {  	_ =	shalt  }
0x55: {  	_ =	shalt  }
0x56: {  	_ =	shalt  }
0x57: {  	_ =	shalt  }
0x58: {  	_ =	shalt  }
0x59: {  	_ =	shalt  }
0x5a: {  	_ =	shalt  }
0x5b: {  	_ =	shalt  }
0x5c: {  	_ =	shalt  }
0x5d: {  	_ =	shalt  }
0x5e: {  	_ =	shalt  }
0x5f: {  	_ =	shalt  }
0x60: {  	_ =	shalt  }
0x61: {  	_ =	shalt  }
0x62: {  	_ =	shalt  }
0x63: {  	_ =	shalt  }
0x64: {  	_ =	shalt  }
0x65: {  	_ =	shalt  }
0x66: {  	_ =	shalt  }
0x67: {  	_ =	shalt  }
0x68: {  	_ =	shalt  }
0x69: {  	_ =	shalt  }
0x6a: {  	_ =	shalt  }
0x6b: {  	_ =	shalt  }
0x6c: {  	_ =	shalt  }
0x6d: {  	_ =	shalt  }
0x6e: {  	_ =	shalt  }
0x6f: {  	_ =	shalt  }
0x70: {  	_ =	shalt  }
0x71: {  	_ =	shalt  }
0x72: {  	_ =	shalt  }
0x73: {  	_ =	shalt  }
0x74: {  	_ =	shalt  }
0x75: {  	_ =	shalt  }
0x76: {  	_ =	shalt  }
0x77: {  	_ =	shalt  }
0x78: {  	_ =	shalt  }
0x79: {  	_ =	shalt  }
0x7a: {  	_ =	shalt  }
0x7b: {  	_ =	shalt  }
0x7c: {  	_ =	shalt  }
0x7d: {  	_ =	shalt  }
0x7e: {  	_ =	shalt  }
0x7f: {  	_ =	shalt  }
0x80: {  	_ =	shalt  }
0x81: {  	_ =	shalt  }
0x82: {  	_ =	shalt  }
0x83: {  	_ =	shalt  }
0x84: {  	_ =	shalt  }
0x85: {  	_ =	shalt  }
0x86: {  	_ =	shalt  }
0x87: {  	_ =	shalt  }
.Lfunc_end0:
.L_simem_size_0:
called_computation_lowered:
.L_overlay_start_0:
0x88: {  	s2 =	sld [smem:$0x3FD9]  }
0x89: {  	s3 =	sld [smem:$0x3FFE];
	_ =	sdelay $0x1  }
0x8a: {  	s1 =	srdreg.scid  }
0x8b: {  	s0 =	sand.u32 $0x1, s1  }
0x8c: {  	s17 =	sshll.u32 s0, $0xA;
	s2 =	sadd.s32 s3, s2  }
0x8d: {  	s2 =	sadd.s32 s2, s17  }
0x8e: {  	[smem:$0x3FC3] =	sst s2  }
0x8f: {  	_ = 	snop  }
0x90: {  	s2 =	sld [smem:$0x3FD0];
	(tm) =	ssettm $0x1  }
0x91: {  	s18 =	sld [smem:$0x3FFB];
	_ =	sdelay $0x3  }
0x92: {  	_ =	strace s18  }
0x93: {  	s3 =	sld [smem:$0x3FFC];
	_ =	sdelay $0x3  }
0x94: {  	_ =	strace s3  }
0x95: {  	s3 =	sld [smem:$0x3FFD];
	_ =	sdelay $0x3  }
0x96: {  	_ =	strace s3  }
0x97: {  	_ =	strace $0x8FFFFFFF  }
0x98: {  	s19 =	sld [smem:$0x3FDB];
	_ =	sdelay $0x1  }
0x99: {  	s4 =	simm.s32 $_scs_section_size  }
0x9a: {  	s5 =	simm.s32 $_size__tile_overlayer_lowered;
	s6 =	simm.s32 $_tile_overlayer_lowered  }
0x9b: {  	s22 =	simm.s32 $0x1BFF;
	s21 =	sshll.u32 s6, $0x1;
	s3 =	sadd.s32 s4, s19  }
0x9c: {  	s7 =	simm.s32 $0x0;
	s20 =	sshll.u32 s5, $0x1;
	s5 =	sadd.s32 s21, s3  }
0x9d: {  	[timem:s7], [sflag:s22] =	dma.local [hbm:s5], s20  }
0x9e: {  	_ =	swait.ge [sflag:s22], s20  }
0x9f: {  	s4 =	ssub.s32 $0x0, s20;
	[sflag:s22] =	ssyncset.done $0x0  }
0xa0: {  	[sflag:s22] =	ssyncadd.s32 s4;
	_ =	sdelay $0x1  }
0xa1: {  	s23 =	simm.s32 $0x1B8B  }
0xa2: {  	_ =	swait.ge [sflag:s23], $0x1  }
0xa3: {  	[sflag:s23] =	ssyncset.done $0x0  }
0xa4: {  	s25 =	simm.s32 $0x1B8E;
	s24 =	sld [smem:$0x3FFE];
	[sflag:s23] =	ssyncadd.s32 $0xFFFFFFFF  }
0xa5: {  	s26 =	simm.s32 $execute0_lowered;
	[smem:$0x3FD2] =	sst s25  }
0xa6: {  	s5 =	sshll.u32 s26, $0x1;
	_ =	strace $0x80000046;
	[dreg:$0x1] =	wrdreg $0xFFFFFFFF  }
0xa7: {  	s28 =	simm.s32 $_size_execute0_lowered;
	s3 =	sadd.s32 s3, s5;
	[dreg:$0x0] =	wrdreg $0x0  }
0xa8: {  	s5 =	sshll.u32 s28, $0x1;
	[dreg:$0x2] =	wrdreg s3  }
0xa9: {  	[dreg:$0x3] =	wrdreg s5  }
0xaa: {  	[dreg:$0x4] =	wrdreg $0xC0  }
0xab: {  	_ =	task [dreg:s7], $0x5FFFF  }
0xac: {  	[dreg:$0x1] =	wrdreg $0xFFFFFFFF  }
0xad: {  	[dreg:$0x0] =	wrdreg $0x60  }
0xae: {  	[dreg:$0x2] =	wrdreg s2  }
0xaf: {  	[dreg:$0x3] =	wrdreg s24  }
0xb0: {  	[dreg:$0x4] =	wrdreg $0x29E00  }
0xb1: {  	[dreg:$0x5] =	wrdreg $0xC6200  }
0xb2: {  	[dreg:$0x6] =	wrdreg $0x9  }
0xb3: {  	_ =	task.clear_ibuf [dreg:s7], $0x7FFFF;
	_ =	strace $0x90000046  }
0xb4: {  	s29 =	simm.s32 $0x9;
	_ =	strace $0x80000048  }
0xb5: {  	_ =	swait.ge [sflag:s29], $0x1  }
0xb6: {  	[sflag:s29] =	ssyncadd.s32 $0xFFFFFFFF  }
0xb7: {  	_ =	strace $0x90000048  }
0xb8: {  	_ =	sfence  }
0xb9: {  	s30 =	sld [smem:$0x0];
	_ =	sdelay $0x2  }
0xba: {  	s31 =	sshll.u32 s1, $0xD;
	s1 =	sshrl.u32 s1, $0x2  }
0xbb: {  	s3 =	sand.u32 $0x4000, s31;
	s1 =	sadd.s32 s1, s30  }
0xbc: {  	s0 =	sor.u32 s3, s0;
	s1 =	sshll.u32 s1, $0x11  }
0xbd: {  	s0 =	sor.u32 s1, s0  }
0xbe: {  	s0 =	sadd.s32 $0x8F2B, s0  }
0xbf: {  	[sflag:s0] =	ssyncadd.remote.s32 $0x1  }
0xc0: {  	_ =	sfence.sel $0xFFFF  }
0xc1: {  	[dreg:$0x0] =	wrdreg $0xFFFFFFFF;
	(pc) =	sbr.abs _section_cstart, $3  }
0xc2: {  	[dreg:$0x1] =	wrdreg $0xFFFFFFFF  }
0xc3: {  	_ =	task.clear_ibuf [dreg:s7], $0x2FFFF;
	_ =	strace $0x9FFFFFFF  }
0xc4: {  	(tm) =	ssettm $0x7FFFFFFF  }
0xc5: {  	_ =	shalt  }
tec
execute0_lowered:
.L_overlay_start_1:
0x0: {  	(tag) =	ssettag $0x1  }
0x1: {  	s0 =	rddreg [dreg:$0x0]  }
0x2: {  	s1 =	rddreg [dreg:$0x1]  }
0x3: {  	s3 =	rddreg [dreg:$0x2];
	s5 =	stileid.u32  }
0x4: {  	s2 =	srdreg.scid;
	s7 =	smul.u32 $0x1388, s5  }
0x5: {  	s4 =	rddreg [dreg:$0x3];
	s8 =	simm.s32 $0x0;
	s14 =	smul.u32 $0x27100, s5  }
0x6: {  	s28 =	simm.s32 $0x50;
	s29 =	simm.s32 $0x15E0;
	s15 =	smul.u32 $0x13880, s5  }
0x7: {  	s30 =	simm.s32 $0xF0;
	s31 =	simm.s32 $0x2;
	s10 =	smul.u32 $0x24CC0, s5  }
0x8: {  	s2 =	sand.u32 $0x1, s2;
	[smem:$0x7FF] =	sst s8;
	s21 =	smul.u32 $0x4998, s5  }
0x9: {  	s20 =	sshll.u32 s5, $0x6;
	s6 =	smul.u32 $0x13880, s2;
	s9 =	sshll.u32 s2, $0x7  }
0xa: {  	_ =	strace $0x80000047;
	s2 =	ssub.s32 $0x2, s2;
	s16 =	sor.u32 $0x1C08, s20  }
0xb: {  	s20 =	simm.s32 $0x78;
	s8 =	sor.u32 s9, s14;
	s17 =	sshrl.u32 s15, $0x3  }
0xc: {  	s18 =	sshrl.u32 s2, $0x1;
	s19 =	sshrl.u32 s15, $0x1;
	s10 =	sadd.s32 $0x78, s10  }
0xd: {  	s14 =	smul.u32 $0x4E8, s5;
	s23 =	sadd.s32 s0, s21;
	[dreg:$0x6] =	wrdreg s16  }
0xe: {  	s6 =	sadd.s32 s7, s6;
	s8 =	sshrl.u32 s8, $0x3;
	s9 =	sadd.s32 s17, s1  }
0xf: {  	s2 =	ssub.s32 s2, s18;
	s7 =	sadd.s32 s15, s4;
	s10 =	sshrl.u32 s10, $0x3  }
0x10: {  	[dreg:$0x8] =	wrdreg s23;
	s15 =	simm.s32 $0x140;
	s17 =	simm.s32 $0x1B8  }
0x11: {  	s6 =	sadd.s32 s6, s1;
	s1 =	sadd.s32 s8, s1;
	s8 =	sadd.s32 s19, s3  }
0x12: {  	s22 =	sadd.s32 $0x28A00, s9;
	s24 =	sadd.s32 s0, s10;
	s11 =	sor.u32 $0x2, s14  }
0x13: {  	s12 =	sor.u32 $0x3, s14;
	s13 =	sor.u32 $0x4, s14;
	s14 =	sor.u32 $0x5, s14  }
0x14: {  	s25 =	smax.u32 s2, $0x1;
	s18 =	sshrl.u32 s7, $0x3;
	[dreg:$0x7] =	wrdreg s22  }
0x15: {  	s2 =	simm.s32 $0x3;
	s9 =	simm.s32 $0x168;
	[dreg:$0x9] =	wrdreg s24  }
0x16: {  	s10 =	simm.s32 $0x7;
	s7 =	simm.s32 $0x0;
	[dreg:$0xb] =	wrdreg s25  }
.Ltmp0:
0x17: {  	s6 =	sadd.s32 $0x1800, s6;
	[dreg:$0xd] =	wrdreg s18;
	(pc) =	sbr.rel .LBB2_1-.Ltmp0, $4  }
0x18: {  	s1 =	sadd.s32 $0x4FC00, s1;
	s26 =	sshrl.u32 s8, $0x3;
	[dreg:$0x5] =	wrdreg s6  }
0x19: {  	s8 =	simm.s32 $0x8;
	s22 =	simm.s32 $0x28;
	[dreg:$0xa] =	wrdreg s1  }
0x1a: {  	v0 =	vimm.s32 $0x0;
	vm0 =	vcmask $0x300;
	s24 =	simm.s32 $0x1;
	s25 =	simm.s32 $0x5;
	[dreg:$0xc] =	wrdreg s26  }
0x1b: {  	v0 =	vsel vm0, $0x3, v0;
	s26 =	simm.s32 $0xBE0;
	s1 =	simm.s32 $0x6;
	s6 =	simm.s32 $0xC8  }
.LBB2_12:
0x1c: {  	_ =	swait.ge [sflag:s2], $0x1400  }
0x1d: {  	[sflag:s2] =	ssyncset.done $0x0  }
0x1e: {  	[sflag:s2] =	ssyncadd.s32 $0xFFFFEC00  }
0x1f: {  	[bflag:$0x0] =	sbarrier.arrive $0xFFFF  }
0x20: {  	s16 =	rddreg [dreg:$0x6]  }
0x21: {  	s5 =	rddreg [dreg:$0xa]  }
0x22: {  	s7 =	simm.s32 $0x20;
	s8 =	simm.s32 $0x10;
	s18 =	rddreg [dreg:$0xd]  }
0x23: {  	[hbm:s5@s7], [sflag:s16] =	dma.strided [spmem:s18@s8], $0x2710, s24, $0x10   }
0x24: {  	s8 =	simm.s32 $0x8  }
0x25: {  	_ =	swait.ge [sflag:s8], $0x2710  }
0x26: {  	s21 =	rddreg [dreg:$0xe]  }
0x27: {  	s23 =	rddreg [dreg:$0xb];
	s7 =	sadd.s32 $0x1, s21  }
0x28: {  	p0 =	sne.s32 s7, s23  }
.Ltmp1:
0x29: {  	_ = 	snop;
	(pc) =	sbr.rel @!p0 .LBB2_13-.Ltmp1, $3  }
0x2a: {  	_ =	sdelay $0x1  }
0x2b: {  	[sflag:s8] =	ssyncset.done $0x0  }
0x2c: {  	[sflag:s8] =	ssyncadd.s32 $0xFFFFD8F0  }
.LBB2_1:
0x2d: {  	[dreg:$0xe] =	wrdreg s7  }
0x2e: {  	s5 =	rddreg [dreg:$0x5]  }
0x2f: {  	s23 =	rddreg [dreg:$0xc]  }
0x30: {  	[spmem:s23], [sflag:s16] =	dma.local [hbm:s5], $0x1388  }
0x31: {  	_ =	swait.ge [sflag:s8], $0x1388  }
0x32: {  	[sflag:s8] =	ssyncset.done $0x0  }
0x33: {  	s7 =	rddreg [dreg:$0x7];
	[sflag:s8] =	ssyncadd.s32 $0xFFFFEC78  }
0x34: {  	[spmem:s18], [sflag:s16] =	dma.local [hbm:s7], $0x2710  }
0x35: {  	_ =	swait.ge [sflag:s8], $0x2710  }
0x36: {  	[sflag:s8] =	ssyncset.done $0x0  }
0x37: {  	[sflag:s8] =	ssyncadd.s32 $0xFFFFD8F0  }
0x38: {  	[bflag:$0x0] =	sbarrier.arrive $0xFFFF  }
0x39: {  	s16 =	simm.s32 $0x0;
	s18 =	rddreg [dreg:$0x8]  }
0x3a: {  	[tilespmem:s16], [sflag:$0x4] =	stream.linear.gather [hbm4b:s18+s16], $0x78, $0x38;
	[tilespmem:$0x1FEA0] =	vst v63  }
0x3b: {  	s21 =	simm.s32 $0x4;
	s19 =	rddreg [dreg:$0x9]  }
0x3c: {  	[tilespmem:s20], [sflag:$0x5] =	stream.linear.gather [hbm4b:s19+s16], $0x78, $0x38;
	[tilespmem:$0x1FEA0] =	vst v63  }
0x3d: {  	_ =	swait.ge [sflag:s21], $0x78  }
0x3e: {  	[sflag:s21] =	ssyncset.done $0x0  }
0x3f: {  	s23 =	simm.s32 $0x1E0;
	s7 =	simm.s32 $0x0;
	[sflag:s21] =	ssyncadd.s32 $0xFFFFFF88  }
0x40: {  	[tilespmem:s23], [sflag:$0x1] =	stream.indirect.gather [spmem:s3], $0x40, s16, s22, $0xb8;
	[tilespmem:$0x1FEA0] =	vst v63  }
.LBB2_2:
0x41: {  	_ =	swait.ge [sflag:s24], $0xA00  }
0x42: {  	s8 =	simm.s32 $0x7;
	[sflag:s24] =	ssyncset.done $0x0  }
0x43: {  	s16 =	simm.s32 $0x1;
	v1 =	vmov s8;
	[sflag:s24] =	ssyncadd.s32 $0xFFFFF600  }
0x44: {  	s21 =	simm.s32 $0x2;
	v2 =	vmov s16;
	v1 =	vshrl.u32 v1, $0x3;
	_ =	swait.ge [sflag:s25], $0x78  }
0x45: {  	p0 =	seq.s32 s7, $0x0;
	v3 =	vmov s21;
	v2 =	vshrl.u32 v2, $0x3;
	v1 =	vshll.u32 v1, v0;
	[sflag:s25] =	ssyncset.done $0x0  }
0x46: {  	s16 =	simm.s32 @!p0 $0x3;
	v3 =	vshrl.u32 v3, $0x3;
	v2 =	vshll.u32 v2, v0;
	v1 =	vadd.s32 $0x7, v1;
	[sflag:s25] =	ssyncadd.s32 $0xFFFFFF88  }
0x47: {  	v3 =	vshll.u32 v3, v0;
	v2 =	vadd.s32 $0x1, v2;
	v1 =	vbroadcast v1, $0x0;
	[tilespmem:s26], [sflag:$0x2] =	stream.indirect.gather [spmem:s3], $0x40, s20, s22, $0xb8;
	[tilespmem:$0x1FEA0] =	vst v63  }
0x48: {  	s23 =	simm.s32 $0x3;
	v3 =	vadd.s32 $0x2, v3;
	v2 =	vbroadcast v2, $0x0;
	_ =	swait.ge @!p0 [sflag:s16], $0x1400  }
0x49: {  	s5 =	simm.s32 $0x4;
	v4 =	vmov s23;
	v3 =	vbroadcast v3, $0x0;
	[sflag:s16] =	ssyncset.done @!p0 $0x0  }
0x4a: {  	v5 =	vmov s5;
	s8 =	simm.s32 $0x2E0;
	v4 =	vshrl.u32 v4, $0x3;
	[sflag:s16] =	ssyncadd.s32 @!p0 $0xFFFFEC00  }
0x4b: {  	v5 =	vshrl.u32 v5, $0x3;
	v4 =	vshll.u32 v4, v0;
	v9 =	vld [tilespmem:s8+$0xC0]  }
0x4c: {  	v5 =	vshll.u32 v5, v0;
	v4 =	vadd.s32 $0x3, v4;
	v10 =	vld [tilespmem:s8+$0xFFFFFF40]  }
0x4d: {  	v6 =	vadd.s32 $0x4, v5;
	v4 =	vbroadcast v4, $0x0;
	v5 =	vld.idx.msk [tilespmem:v1+s28+$0x0], $0xffff  }
0x4e: {  	s18 =	simm.s32 $0x5;
	s19 =	simm.s32 $0x6;
	v8 =	vld.idx.msk [tilespmem:v2+s28+$0x0], $0xffff  }
0x4f: {  	v2 =	vmov s18;
	v7 =	vld.idx.msk [tilespmem:v3+s28+$0x0], $0xffff;
	v3 =	vmov s19  }
0x50: {  	v2 =	vshrl.u32 v2, $0x3;
	v3 =	vshrl.u32 v3, $0x3  }
0x51: {  	v11 =	vld [tilespmem:s8+$0xFFFFFF80];
	v1 =	vbroadcast v6, $0x0;
	v2 =	vshll.u32 v2, v0;
	v3 =	vshll.u32 v3, v0  }
0x52: {  	v13 =	vld [tilespmem:s8+$0xFFFFFFC0];
	v2 =	vadd.s32 $0x5, v2;
	v3 =	vadd.s32 $0x6, v3;
	v12 =	vunpack.i.l.bf16.f32 v9  }
0x53: {  	s21 =	simm.s32 $0x0;
	v6 =	vld.idx.msk [tilespmem:v4+s28+$0x0], $0xffff;
	v4 =	vunpack.i.u.bf16.f32 v9;
	v2 =	vbroadcast v2, $0x0;
	v9 =	vmul.f32 v5, v12  }
0x54: {  	s19 =	simm.s32 $0x17E0;
	v14 =	vunpack.i.l.bf16.f32 v10;
	v12 =	vmov s21;
	v4 =	vmul.f32 v5, v4  }
0x55: {  	v10 =	vunpack.i.u.bf16.f32 v10;
	v14 =	vmul.f32 v8, v14;
	v12 =	vshrl.u32 v12, $0x3;
	[tilespmem:s19+$0x180] =	vst v9  }
0x56: {  	v3 =	vbroadcast v3, $0x0;
	v10 =	vmul.f32 v8, v10;
	v9 =	vld [tilespmem:s8+$0x0];
	[tilespmem:s19+$0x190] =	vst v4;
	v4 =	vshll.u32 v12, v0  }
0x57: {  	v1 =	vld.idx.msk [tilespmem:v1+s28+$0x0], $0xffff;
	v12 =	vunpack.i.l.bf16.f32 v11;
	[tilespmem:s19+$0xFFFFFE80] =	vst v14;
	v14 =	vunpack.i.l.bf16.f32 v13;
	v13 =	vunpack.i.u.bf16.f32 v13  }
0x58: {  	v15 =	vld [tilespmem:s8+$0xD0];
	v16 =	vbroadcast v4, $0x0;
	v4 =	vunpack.i.u.bf16.f32 v11;
	v11 =	vmul.f32 v7, v12  }
0x59: {  	v17 =	vld [tilespmem:s8+$0x40];
	[tilespmem:s19+$0xFFFFFE90] =	vst v10;
	v13 =	vmul.f32 v6, v13  }
0x5a: {  	v12 =	vld [tilespmem:s8+$0xFFFFFF00];
	v10 =	vmul.f32 v7, v4;
	[tilespmem:s19+$0xFFFFFF00] =	vst v11  }
0x5b: {  	v11 =	vmul.f32 v6, v14;
	v4 =	vld.idx.msk [tilespmem:v2+s28+$0x0], $0xffff;
	[tilespmem:s19+$0xFFFFFF90] =	vst v13;
	v2 =	vunpack.i.l.bf16.f32 v9  }
0x5c: {  	[tilespmem:s19+$0xFFFFFF10] =	vst v10;
	v10 =	vld [tilespmem:s8+$0x80];
	v9 =	vunpack.i.u.bf16.f32 v9;
	v14 =	vmul.f32 v1, v2  }
0x5d: {  	v3 =	vld.idx.msk [tilespmem:v3+s28+$0x0], $0xffff;
	[tilespmem:s19+$0xFFFFFF80] =	vst v11;
	v2 =	vunpack.i.l.bf16.f32 v15;
	v9 =	vmul.f32 v1, v9  }
0x5e: {  	v11 =	vunpack.i.u.bf16.f32 v15;
	v15 =	vld [tilespmem:s8+$0xFFFFFF50];
	v13 =	vmul.f32 v5, v2;
	[tilespmem:s19+$0x0] =	vst v14  }
0x5f: {  	v2 =	vld.idx.msk [tilespmem:v16+s28+$0x0], $0xffff;
	v11 =	vmul.f32 v5, v11;
	v14 =	vunpack.i.l.bf16.f32 v17;
	[tilespmem:s19+$0x10] =	vst v9  }
0x60: {  	[tilespmem:s19+$0x1A0] =	vst v13;
	v13 =	vunpack.i.u.bf16.f32 v17;
	v14 =	vmul.f32 v4, v14  }
0x61: {  	v16 =	vld [tilespmem:s8+$0xFFFFFF90];
	[tilespmem:s19+$0x1B0] =	vst v11;
	v11 =	vunpack.i.l.bf16.f32 v10;
	v13 =	vmul.f32 v4, v13  }
0x62: {  	v10 =	vunpack.i.u.bf16.f32 v10;
	v9 =	vld [tilespmem:s8+$0xE0];
	v11 =	vmul.f32 v3, v11;
	[tilespmem:s19+$0x80] =	vst v14  }
0x63: {  	v17 =	vld [tilespmem:s8+$0xFFFFFFD0];
	v10 =	vmul.f32 v3, v10;
	v14 =	vunpack.i.l.bf16.f32 v12;
	v12 =	vunpack.i.u.bf16.f32 v12;
	[tilespmem:s19+$0x90] =	vst v13  }
0x64: {  	v13 =	vmul.f32 v2, v14;
	[tilespmem:s19+$0x100] =	vst v11;
	v11 =	vmul.f32 v2, v12;
	v12 =	vunpack.i.l.bf16.f32 v15  }
0x65: {  	v14 =	vunpack.i.u.bf16.f32 v15;
	v15 =	vld [tilespmem:s8+$0x10];
	[tilespmem:s19+$0x110] =	vst v10;
	v10 =	vmul.f32 v8, v12  }
0x66: {  	v14 =	vmul.f32 v8, v14;
	v12 =	vunpack.i.u.bf16.f32 v16;
	v18 =	vld [tilespmem:s8+$0x50];
	v16 =	vunpack.i.l.bf16.f32 v16;
	[tilespmem:s19+$0xFFFFFE00] =	vst v13  }
0x67: {  	v19 =	vld [tilespmem:s8+$0x90];
	v13 =	vunpack.i.l.bf16.f32 v9;
	v9 =	vunpack.i.u.bf16.f32 v9;
	[tilespmem:s19+$0xFFFFFEA0] =	vst v10;
	v10 =	vmul.f32 v7, v12  }
0x68: {  	[tilespmem:s19+$0xFFFFFE10] =	vst v11;
	v11 =	vmul.f32 v5, v13;
	v13 =	vmul.f32 v7, v16;
	v16 =	vunpack.i.l.bf16.f32 v17  }
0x69: {  	v12 =	vunpack.i.u.bf16.f32 v17;
	[tilespmem:s19+$0xFFFFFEB0] =	vst v14;
	v9 =	vmul.f32 v5, v9;
	v17 =	vld [tilespmem:s8+$0xFFFFFF10];
	v16 =	vmul.f32 v6, v16  }
0x6a: {  	v21 =	vld [tilespmem:s8+$0xFFFFFF60];
	[tilespmem:s19+$0x1C0] =	vst v11;
	v11 =	vmul.f32 v6, v12;
	v12 =	vunpack.i.u.bf16.f32 v15;
	v15 =	vunpack.i.l.bf16.f32 v15  }
0x6b: {  	[tilespmem:s19+$0x1D0] =	vst v9;
	v9 =	vmul.f32 v1, v12;
	v12 =	vmul.f32 v1, v15;
	v15 =	vunpack.i.l.bf16.f32 v18  }
0x6c: {  	[tilespmem:s19+$0xFFFFFF30] =	vst v10;
	v20 =	vunpack.i.l.bf16.f32 v19;
	v18 =	vunpack.i.u.bf16.f32 v18;
	v15 =	vmul.f32 v4, v15  }
0x6d: {  	s5 =	simm.s32 $0xA;
	[tilespmem:s19+$0xFFFFFF20] =	vst v13;
	v14 =	vld [tilespmem:s8+$0xF0];
	v13 =	vmul.f32 v4, v18;
	v18 =	vunpack.i.u.bf16.f32 v19;
	v19 =	vmul.f32 v3, v20  }
0x6e: {  	[tilespmem:s19+$0xFFFFFFB0] =	vst v11;
	v11 =	vmov s5;
	v10 =	vmul.f32 v3, v18;
	v18 =	vunpack.i.u.bf16.f32 v17  }
0x6f: {  	[tilespmem:s19+$0xFFFFFFA0] =	vst v16;
	v20 =	vld [tilespmem:s8+$0xFFFFFFA0];
	v17 =	vunpack.i.l.bf16.f32 v17;
	v23 =	vunpack.i.u.bf16.f32 v21;
	v21 =	vunpack.i.l.bf16.f32 v21  }
0x70: {  	s23 =	simm.s32 $0x9;
	v22 =	vld [tilespmem:s8+$0xFFFFFFE0];
	[tilespmem:s19+$0x20] =	vst v12;
	v11 =	vshrl.u32 v11, $0x3;
	v16 =	vmul.f32 v2, v17;
	v17 =	vmul.f32 v2, v18  }
0x71: {  	[tilespmem:s19+$0x30] =	vst v9;
	v18 =	vmov s23;
	v21 =	vmul.f32 v8, v21;
	v23 =	vmul.f32 v8, v23  }
0x72: {  	s18 =	simm.s32 $0xB;
	[tilespmem:s19+$0xB0] =	vst v13;
	v11 =	vshll.u32 v11, v0;
	v13 =	vshrl.u32 v18, $0x3;
	v12 =	vunpack.i.u.bf16.f32 v14  }
0x73: {  	v24 =	vld [tilespmem:s8+$0x20];
	[tilespmem:s19+$0xA0] =	vst v15;
	v14 =	vunpack.i.l.bf16.f32 v14;
	v9 =	vmul.f32 v5, v12;
	v12 =	vmov s18  }
0x74: {  	[tilespmem:s19+$0x120] =	vst v19;
	v15 =	vunpack.i.u.bf16.f32 v20;
	v20 =	vunpack.i.l.bf16.f32 v20;
	v5 =	vmul.f32 v5, v14  }
0x75: {  	[tilespmem:s19+$0x130] =	vst v10;
	v14 =	vmul.f32 v7, v20;
	v18 =	vunpack.i.u.bf16.f32 v22;
	v20 =	vunpack.i.l.bf16.f32 v22;
	v22 =	vld [tilespmem:s8+$0x60]  }
0x76: {  	s21 =	simm.s32 $0xC;
	[tilespmem:s19+$0xFFFFFE20] =	vst v16;
	v13 =	vshll.u32 v13, v0;
	v15 =	vmul.f32 v7, v15;
	v10 =	vshrl.u32 v12, $0x3  }
0x77: {  	[tilespmem:s19+$0x1F0] =	vst v9;
	v9 =	vmov s21;
	v19 =	vmul.f32 v6, v20;
	v18 =	vmul.f32 v6, v18;
	v20 =	vld [tilespmem:s8+$0xA0]  }
0x78: {  	[tilespmem:s19+$0xFFFFFE30] =	vst v17;
	v12 =	vunpack.i.u.bf16.f32 v24;
	v16 =	vunpack.i.l.bf16.f32 v24;
	v17 =	vshll.u32 v10, v0  }
0x79: {  	[tilespmem:s19+$0xFFFFFEC0] =	vst v21;
	v63 =	vld [tilespmem:s8+$0xFFFFFF20];
	v9 =	vshrl.u32 v9, $0x3;
	v16 =	vmul.f32 v1, v16;
	v12 =	vmul.f32 v1, v12  }
0x7a: {  	[tilespmem:s19+$0xFFFFFED0] =	vst v23;
	v21 =	vshll.u32 v9, v0;
	v9 =	vunpack.i.u.bf16.f32 v22;
	v10 =	vunpack.i.l.bf16.f32 v22  }
0x7b: {  	v13 =	vadd.s32 $0x1, v13;
	[tilespmem:s19+$0xFFFFFF40] =	vst v14;
	v22 =	vld [tilespmem:s8+$0xFFFFFF70];
	v23 =	vmul.f32 v4, v10;
	v25 =	vmul.f32 v4, v9  }
0x7c: {  	[tilespmem:s19+$0xFFFFFF50] =	vst v15;
	v9 =	vbroadcast v13, $0x0;
	v10 =	vunpack.i.u.bf16.f32 v20;
	v13 =	vunpack.i.l.bf16.f32 v20  }
0x7d: {  	v11 =	vadd.s32 $0x2, v11;
	[tilespmem:s19+$0xFFFFFFC0] =	vst v19;
	v20 =	vld [tilespmem:s8+$0xFFFFFFB0];
	v26 =	vmul.f32 v3, v13;
	v27 =	vmul.f32 v3, v10  }
0x7e: {  	[tilespmem:s19+$0xFFFFFFD0] =	vst v18;
	v10 =	vbroadcast v11, $0x0;
	v11 =	vunpack.i.u.bf16.f32 v63;
	v13 =	vunpack.i.l.bf16.f32 v63  }
0x7f: {  	v14 =	vadd.s32 $0x3, v17;
	v18 =	vld [tilespmem:s8+$0xFFFFFFF0];
	[tilespmem:s19+$0x40] =	vst v16;
	v17 =	vmul.f32 v2, v13;
	v13 =	vmul.f32 v2, v11  }
0x80: {  	[tilespmem:s19+$0x50] =	vst v12;
	v11 =	vbroadcast v14, $0x0;
	v14 =	vunpack.i.u.bf16.f32 v22;
	v15 =	vunpack.i.l.bf16.f32 v22  }
0x81: {  	v12 =	vadd.s32 $0x4, v21;
	[tilespmem:s19+$0xC0] =	vst v23;
	v15 =	vmul.f32 v8, v15;
	v14 =	vmul.f32 v8, v14;
	v8 =	vld [tilespmem:s8+$0x30]  }
0x82: {  	s23 =	simm.s32 $0xF;
	v12 =	vbroadcast v12, $0x0;
	[tilespmem:s19+$0xD0] =	vst v25;
	v16 =	vunpack.i.u.bf16.f32 v20;
	v19 =	vunpack.i.l.bf16.f32 v20  }
0x83: {  	[tilespmem:s19+$0x140] =	vst v26;
	v20 =	vmov s23;
	v19 =	vmul.f32 v7, v19;
	v16 =	vmul.f32 v7, v16;
	v7 =	vld [tilespmem:s8+$0x70]  }
0x84: {  	s16 =	simm.s32 $0x17E0;
	[tilespmem:s19+$0x150] =	vst v27;
	v22 =	vunpack.i.u.bf16.f32 v18;
	v18 =	vunpack.i.l.bf16.f32 v18;
	v20 =	vshrl.u32 v20, $0x3  }
0x85: {  	s18 =	sshll.u32 s7, $0x2;
	s21 =	simm.s32 $0x8;
	[tilespmem:s19+$0xFFFFFE40] =	vst v17;
	s23 =	simm.s32 $0x10;
	v17 =	vmul.f32 v6, v22;
	v21 =	vshll.u32 v20, v0;
	v20 =	vmul.f32 v6, v18;
	v18 =	vld [tilespmem:s8+$0xB0]  }
.LBB2_3:
0x86: {  	p0 =	slt.u32 s23, $0x20;
	v6 =	vadd.s32 $0x7, v21;
	[tilespmem:s19+$0xFFFFFE50] =	vst v13;
	v13 =	vunpack.i.u.bf16.f32 v8;
	v8 =	vunpack.i.l.bf16.f32 v8  }
0x87: {  	v21 =	vbroadcast v6, $0x0;
	v22 =	vld [tilespmem:s8+$0xFFFFFF30];
	[tilespmem:s19+$0xFFFFFEE0] =	vst v15;
	v15 =	vmul.f32 v1, v8  }
0x88: {  	s5 =	sadd.s32 $0x5, s21;
	v13 =	vmul.f32 v1, v13;
	v8 =	vld.idx.msk [tilespmem:v9+s28+$0x0], $0xffff;
	[tilespmem:s19+$0xFFFFFEF0] =	vst v14;
	v1 =	vunpack.i.u.bf16.f32 v7;
	v6 =	vunpack.i.l.bf16.f32 v7  }
0x89: {  	v9 =	vmov s5;
	s5 =	sadd.s32 $0x6, s21;
	v7 =	vld.idx.msk [tilespmem:v10+s28+$0x0], $0xffff;
	[tilespmem:s19+$0xFFFFFF60] =	vst v19;
	v10 =	vmul.f32 v4, v6;
	v4 =	vmul.f32 v4, v1  }
0x8a: {  	v6 =	vld.idx.msk [tilespmem:v11+s28+$0x0], $0xffff;
	v11 =	vmov s5;
	[tilespmem:s19+$0xFFFFFF70] =	vst v16;
	v14 =	vunpack.i.u.bf16.f32 v18;
	v16 =	vunpack.i.l.bf16.f32 v18  }
0x8b: {  	s8 =	sadd.s32 $0x200, s8;
	v9 =	vshrl.u32 v9, $0x3;
	v1 =	vld.idx.msk [tilespmem:v12+s28+$0x0], $0xffff;
	[tilespmem:s19+$0xFFFFFFE0] =	vst v20;
	v12 =	vmul.f32 v3, v16;
	v3 =	vmul.f32 v3, v14  }
0x8c: {  	v14 =	vshll.u32 v9, v0;
	v16 =	vld [tilespmem:s8+$0xC0];
	v18 =	vunpack.i.u.bf16.f32 v22;
	v19 =	vunpack.i.l.bf16.f32 v22;
	[tilespmem:s19+$0xFFFFFFF0] =	vst v17  }
0x8d: {  	v11 =	vshrl.u32 v11, $0x3;
	v9 =	vld.idx.msk [tilespmem:v21+s28+$0x0], $0xffff;
	v17 =	vmul.f32 v2, v19;
	v2 =	vmul.f32 v2, v18;
	[tilespmem:s19+$0x60] =	vst v15  }
0x8e: {  	v14 =	vadd.s32 $0x5, v14;
	v11 =	vshll.u32 v11, v0;
	v15 =	vld [tilespmem:s8+$0xFFFFFF00];
	[tilespmem:s19+$0x70] =	vst v13  }
0x8f: {  	v14 =	vbroadcast v14, $0x0;
	v11 =	vadd.s32 $0x6, v11;
	v13 =	vmov s21;
	s21 =	smov.u32 s23;
	v18 =	vld [tilespmem:s8+$0xFFFFFF40];
	[tilespmem:s19+$0xE0] =	vst v10  }
0x90: {  	v11 =	vbroadcast v11, $0x0;
	v10 =	vshrl.u32 v13, $0x3;
	v13 =	vld [tilespmem:s8+$0xFFFFFF80];
	[tilespmem:s19+$0xF0] =	vst v4  }
0x91: {  	v4 =	vshll.u32 v10, v0;
	v10 =	vld [tilespmem:s8+$0xFFFFFFC0];
	[tilespmem:s19+$0x160] =	vst v12  }
0x92: {  	v12 =	vbroadcast v4, $0x0;
	v4 =	vunpack.i.l.bf16.f32 v16;
	v19 =	vld [tilespmem:s8+$0x0];
	[tilespmem:s19+$0x170] =	vst v3  }
0x93: {  	v3 =	vunpack.i.u.bf16.f32 v16;
	v16 =	vmul.f32 v9, v4;
	v20 =	vunpack.i.u.bf16.f32 v15;
	v21 =	vld [tilespmem:s8+$0x40];
	[tilespmem:s19+$0x1E0] =	vst v5  }
0x94: {  	v5 =	vunpack.i.l.bf16.f32 v15;
	v23 =	vmul.f32 v9, v3;
	s19 =	sadd.s32 $0x400, s19;
	v15 =	vunpack.i.u.bf16.f32 v18;
	v22 =	vld [tilespmem:s8+$0x80];
	[tilespmem:s16+$0xFFFFFE60] =	vst v17  }
0x95: {  	v3 =	vunpack.i.l.bf16.f32 v18;
	v17 =	vunpack.i.u.bf16.f32 v13;
	v13 =	vunpack.i.l.bf16.f32 v13;
	v4 =	vld.idx.msk [tilespmem:v14+s28+$0x0], $0xffff;
	[tilespmem:s19+$0x180] =	vst v16  }
0x96: {  	v14 =	vmul.f32 v8, v3;
	v16 =	vunpack.i.u.bf16.f32 v10;
	v10 =	vunpack.i.l.bf16.f32 v10;
	v3 =	vld.idx.msk [tilespmem:v11+s28+$0x0], $0xffff;
	[tilespmem:s19+$0x190] =	vst v23  }
0x97: {  	v11 =	vmul.f32 v8, v15;
	v15 =	vunpack.i.u.bf16.f32 v19;
	v18 =	vunpack.i.l.bf16.f32 v19;
	v19 =	vld [tilespmem:s8+$0xD0];
	[tilespmem:s16+$0xFFFFFE70] =	vst v2;
	s16 =	smov.u32 s19  }
0x98: {  	v13 =	vmul.f32 v7, v13;
	[tilespmem:s19+$0xFFFFFE80] =	vst v14;
	v14 =	vunpack.i.u.bf16.f32 v21;
	v21 =	vunpack.i.l.bf16.f32 v21  }
0x99: {  	v2 =	vld.idx.msk [tilespmem:v12+s28+$0x0], $0xffff;
	[tilespmem:s19+$0xFFFFFE90] =	vst v11;
	v11 =	vmul.f32 v7, v17;
	v12 =	vunpack.i.u.bf16.f32 v22;
	v17 =	vunpack.i.l.bf16.f32 v22  }
0x9a: {  	v10 =	vmul.f32 v6, v10;
	v22 =	vld [tilespmem:s8+$0xFFFFFF50];
	[tilespmem:s19+$0xFFFFFF00] =	vst v13;
	v13 =	vmul.f32 v6, v16  }
0x9b: {  	v15 =	vmul.f32 v1, v15;
	[tilespmem:s19+$0xFFFFFF10] =	vst v11;
	v11 =	vmul.f32 v1, v18  }
0x9c: {  	v14 =	vmul.f32 v4, v14;
	v16 =	vld [tilespmem:s8+$0xFFFFFF90];
	[tilespmem:s19+$0xFFFFFF80] =	vst v10;
	v10 =	vmul.f32 v4, v21;
	v18 =	vunpack.i.l.bf16.f32 v19  }
0x9d: {  	[tilespmem:s19+$0xFFFFFF90] =	vst v13;
	v13 =	vmul.f32 v3, v17;
	v17 =	vunpack.i.u.bf16.f32 v19;
	v18 =	vmul.f32 v9, v18  }
0x9e: {  	v19 =	vld [tilespmem:s8+$0xFFFFFFD0];
	[tilespmem:s19+$0x0] =	vst v11;
	v11 =	vmul.f32 v3, v12;
	v12 =	vmul.f32 v9, v17  }
0x9f: {  	v5 =	vmul.f32 v2, v5;
	v17 =	vmul.f32 v2, v20;
	v20 =	vunpack.i.u.bf16.f32 v22;
	[tilespmem:s19+$0x1A0] =	vst v18  }
0xa0: {  	v18 =	vunpack.i.l.bf16.f32 v22;
	v20 =	vmul.f32 v8, v20;
	[tilespmem:s19+$0x1B0] =	vst v12  }
0xa1: {  	v12 =	vmul.f32 v8, v18;
	v18 =	vunpack.i.u.bf16.f32 v16;
	v16 =	vunpack.i.l.bf16.f32 v16;
	[tilespmem:s19+$0x10] =	vst v15;
	v15 =	vld [tilespmem:s8+$0xE0]  }
0xa2: {  	v16 =	vmul.f32 v7, v16;
	v18 =	vmul.f32 v7, v18;
	v21 =	vld [tilespmem:s8+$0x10];
	[tilespmem:s19+$0x80] =	vst v10  }
0xa3: {  	v10 =	vunpack.i.u.bf16.f32 v19;
	v19 =	vunpack.i.l.bf16.f32 v19;
	[tilespmem:s19+$0x90] =	vst v14  }
0xa4: {  	v14 =	vmul.f32 v6, v19;
	v10 =	vmul.f32 v6, v10;
	v19 =	vld [tilespmem:s8+$0x50];
	[tilespmem:s19+$0x100] =	vst v13  }
0xa5: {  	[tilespmem:s19+$0x110] =	vst v11  }
0xa6: {  	[tilespmem:s19+$0xFFFFFE00] =	vst v5;
	v5 =	vld [tilespmem:s8+$0x90];
	v11 =	vunpack.i.l.bf16.f32 v15  }
0xa7: {  	v15 =	vunpack.i.u.bf16.f32 v15;
	[tilespmem:s19+$0xFFFFFE10] =	vst v17;
	v13 =	vunpack.i.u.bf16.f32 v21;
	v11 =	vmul.f32 v9, v11  }
0xa8: {  	v15 =	vmul.f32 v9, v15;
	v17 =	vld [tilespmem:s8+$0xFFFFFF10];
	[tilespmem:s19+$0xFFFFFEA0] =	vst v12;
	v12 =	vunpack.i.l.bf16.f32 v21;
	v13 =	vmul.f32 v1, v13  }
0xa9: {  	v12 =	vmul.f32 v1, v12;
	v21 =	vunpack.i.u.bf16.f32 v19;
	v19 =	vunpack.i.l.bf16.f32 v19;
	[tilespmem:s19+$0x1C0] =	vst v11  }
0xaa: {  	v11 =	vmul.f32 v4, v19;
	v19 =	vmul.f32 v4, v21;
	[tilespmem:s19+$0x1D0] =	vst v15  }
0xab: {  	[tilespmem:s19+$0xFFFFFEB0] =	vst v20;
	v15 =	vunpack.i.u.bf16.f32 v5;
	v5 =	vunpack.i.l.bf16.f32 v5;
	v20 =	vld [tilespmem:s8+$0xF0]  }
0xac: {  	v21 =	vld [tilespmem:s8+$0xFFFFFF60];
	[tilespmem:s19+$0xFFFFFF20] =	vst v16;
	v16 =	vmul.f32 v3, v5;
	v15 =	vmul.f32 v3, v15  }
0xad: {  	v5 =	vunpack.i.u.bf16.f32 v17;
	v17 =	vunpack.i.l.bf16.f32 v17;
	[tilespmem:s19+$0xFFFFFF30] =	vst v18  }
0xae: {  	s5 =	sadd.s32 $0x1, s23;
	v17 =	vmul.f32 v2, v17;
	v18 =	vmul.f32 v2, v5;
	v5 =	vld [tilespmem:s8+$0xFFFFFFA0];
	[tilespmem:s19+$0xFFFFFFA0] =	vst v14  }
0xaf: {  	v14 =	vmov s5;
	s5 =	sadd.s32 $0x2, s23;
	[tilespmem:s19+$0xFFFFFFB0] =	vst v10  }
0xb0: {  	v10 =	vmov s5;
	v22 =	vld [tilespmem:s8+$0xFFFFFFE0];
	[tilespmem:s19+$0x20] =	vst v12;
	v12 =	vunpack.i.u.bf16.f32 v20;
	v20 =	vunpack.i.l.bf16.f32 v20  }
0xb1: {  	s5 =	sadd.s32 $0x3, s23;
	v23 =	vunpack.i.u.bf16.f32 v21;
	v21 =	vunpack.i.l.bf16.f32 v21;
	[tilespmem:s19+$0x30] =	vst v13;
	v12 =	vmul.f32 v9, v12  }
0xb2: {  	v13 =	vmov s5;
	v21 =	vmul.f32 v8, v21;
	v23 =	vmul.f32 v8, v23;
	v24 =	vld [tilespmem:s8+$0x20];
	[tilespmem:s19+$0xA0] =	vst v11  }
0xb3: {  	s5 =	sadd.s32 $0x4, s23;
	v11 =	vunpack.i.u.bf16.f32 v5;
	v25 =	vunpack.i.l.bf16.f32 v5;
	v5 =	vmul.f32 v9, v20;
	[tilespmem:s19+$0x1F0] =	vst v12  }
0xb4: {  	v9 =	vmov s5;
	v12 =	vmul.f32 v7, v25;
	v11 =	vmul.f32 v7, v11;
	[tilespmem:s19+$0xB0] =	vst v19  }
0xb5: {  	v14 =	vshrl.u32 v14, $0x3;
	v19 =	vunpack.i.u.bf16.f32 v22;
	v20 =	vunpack.i.l.bf16.f32 v22;
	v22 =	vld [tilespmem:s8+$0x60];
	[tilespmem:s19+$0x120] =	vst v16  }
0xb6: {  	v10 =	vshrl.u32 v10, $0x3;
	v16 =	vmul.f32 v6, v20;
	v19 =	vmul.f32 v6, v19;
	[tilespmem:s19+$0x130] =	vst v15  }
0xb7: {  	v13 =	vshrl.u32 v13, $0x3;
	[tilespmem:s19+$0xFFFFFE20] =	vst v17;
	v15 =	vunpack.i.u.bf16.f32 v24;
	v17 =	vunpack.i.l.bf16.f32 v24;
	v20 =	vld [tilespmem:s8+$0xA0]  }
0xb8: {  	v9 =	vshrl.u32 v9, $0x3;
	[tilespmem:s19+$0xFFFFFE30] =	vst v18;
	v17 =	vmul.f32 v1, v17;
	v15 =	vmul.f32 v1, v15  }
0xb9: {  	v14 =	vshll.u32 v14, v0;
	v10 =	vshll.u32 v10, v0;
	v13 =	vshll.u32 v13, v0;
	v18 =	vld [tilespmem:s8+$0xFFFFFF20];
	[tilespmem:s19+$0xFFFFFEC0] =	vst v21  }
0xba: {  	v21 =	vshll.u32 v9, v0;
	[tilespmem:s19+$0xFFFFFED0] =	vst v23;
	v9 =	vunpack.i.u.bf16.f32 v22;
	v22 =	vunpack.i.l.bf16.f32 v22  }
0xbb: {  	v14 =	vadd.s32 $0x1, v14;
	v23 =	vld [tilespmem:s8+$0xFFFFFF70];
	[tilespmem:s19+$0xFFFFFF40] =	vst v12;
	v12 =	vmul.f32 v4, v22;
	v22 =	vmul.f32 v4, v9  }
0xbc: {  	v9 =	vbroadcast v14, $0x0;
	[tilespmem:s19+$0xFFFFFF50] =	vst v11;
	v11 =	vunpack.i.u.bf16.f32 v20;
	v14 =	vunpack.i.l.bf16.f32 v20  }
0xbd: {  	v10 =	vadd.s32 $0x2, v10;
	v20 =	vld [tilespmem:s8+$0xFFFFFFB0];
	[tilespmem:s19+$0xFFFFFFC0] =	vst v16;
	v24 =	vmul.f32 v3, v14;
	v25 =	vmul.f32 v3, v11  }
0xbe: {  	v10 =	vbroadcast v10, $0x0;
	v11 =	vunpack.i.u.bf16.f32 v18;
	v14 =	vunpack.i.l.bf16.f32 v18;
	[tilespmem:s19+$0xFFFFFFD0] =	vst v19  }
0xbf: {  	v16 =	vadd.s32 $0x3, v13;
	v18 =	vmul.f32 v2, v14;
	v13 =	vmul.f32 v2, v11;
	v26 =	vld [tilespmem:s8+$0xFFFFFFF0];
	[tilespmem:s19+$0x40] =	vst v17  }
0xc0: {  	v11 =	vbroadcast v16, $0x0;
	v14 =	vunpack.i.u.bf16.f32 v23;
	v16 =	vunpack.i.l.bf16.f32 v23;
	[tilespmem:s19+$0x50] =	vst v15  }
.Ltmp2:
0xc1: {  	v17 =	vadd.s32 $0x4, v21;
	v15 =	vmul.f32 v8, v16;
	v14 =	vmul.f32 v8, v14;
	v8 =	vld [tilespmem:s8+$0x30];
	[tilespmem:s19+$0xC0] =	vst v12;
	(pc) =	sbr.rel @p0 .LBB2_3-.Ltmp2, $4  }
0xc2: {  	s5 =	sadd.s32 $0x7, s23;
	v12 =	vbroadcast v17, $0x0;
	v16 =	vunpack.i.u.bf16.f32 v20;
	v17 =	vunpack.i.l.bf16.f32 v20;
	[tilespmem:s19+$0xD0] =	vst v22  }
0xc3: {  	v20 =	vmov s5;
	v19 =	vmul.f32 v7, v17;
	v16 =	vmul.f32 v7, v16;
	v7 =	vld [tilespmem:s8+$0x70];
	[tilespmem:s19+$0x140] =	vst v24  }
0xc4: {  	v17 =	vshrl.u32 v20, $0x3;
	v22 =	vunpack.i.u.bf16.f32 v26;
	v20 =	vunpack.i.l.bf16.f32 v26;
	[tilespmem:s19+$0x150] =	vst v25  }
0xc5: {  	s23 =	sadd.s32 $0x8, s23;
	v21 =	vshll.u32 v17, v0;
	[tilespmem:s19+$0xFFFFFE40] =	vst v18;
	v20 =	vmul.f32 v6, v20;
	v17 =	vmul.f32 v6, v22;
	v18 =	vld [tilespmem:s8+$0xB0]  }
0xc6: {  	[tilespmem:s19+$0xFFFFFE50] =	vst v13  }
0xc7: {  	v6 =	vadd.s32 $0x7, v21;
	[tilespmem:s19+$0xFFFFFEE0] =	vst v15  }
0xc8: {  	[tilespmem:s19+$0xFFFFFEF0] =	vst v14;
	v6 =	vbroadcast v6, $0x0  }
0xc9: {  	[tilespmem:s19+$0xFFFFFF60] =	vst v19  }
0xca: {  	[tilespmem:s19+$0xFFFFFF70] =	vst v16  }
0xcb: {  	v13 =	vunpack.i.l.bf16.f32 v8;
	v8 =	vunpack.i.u.bf16.f32 v8;
	[tilespmem:s19+$0x1E0] =	vst v5  }
0xcc: {  	v13 =	vmul.f32 v1, v13;
	[tilespmem:s19+$0xFFFFFFE0] =	vst v20;
	v14 =	vld [tilespmem:s8+$0xFFFFFF30];
	v8 =	vmul.f32 v1, v8;
	s8 =	sadd.s32 $0x200, s8;
	v1 =	vunpack.i.l.bf16.f32 v7  }
0xcd: {  	s5 =	sadd.s32 $0x5, s21;
	[tilespmem:s19+$0xFFFFFFF0] =	vst v17;
	v7 =	vunpack.i.u.bf16.f32 v7;
	v16 =	vld [tilespmem:s8+$0xC0];
	v15 =	vmul.f32 v4, v1  }
0xce: {  	s23 =	sadd.s32 $0x6, s21;
	[tilespmem:s19+$0x60] =	vst v13;
	v13 =	vmov s5;
	v7 =	vmul.f32 v4, v7;
	v17 =	vunpack.i.l.bf16.f32 v18;
	v1 =	vld.idx.msk [tilespmem:v6+s28+$0x0], $0xffff  }
0xcf: {  	[tilespmem:s19+$0x70] =	vst v8;
	v4 =	vld.idx.msk [tilespmem:v9+s28+$0x0], $0xffff;
	v8 =	vshrl.u32 v13, $0x3;
	v13 =	vmov s23;
	v9 =	vmul.f32 v3, v17  }
0xd0: {  	[tilespmem:s19+$0xE0] =	vst v15;
	v8 =	vshll.u32 v8, v0;
	v15 =	vld [tilespmem:s8+$0xFFFFFF40];
	v13 =	vshrl.u32 v13, $0x3;
	v6 =	vunpack.i.u.bf16.f32 v18  }
0xd1: {  	[tilespmem:s19+$0xF0] =	vst v7;
	v7 =	vunpack.i.u.bf16.f32 v14;
	v6 =	vmul.f32 v3, v6;
	v3 =	vld.idx.msk [tilespmem:v10+s28+$0x0], $0xffff;
	v10 =	vunpack.i.l.bf16.f32 v14  }
0xd2: {  	[tilespmem:s19+$0x160] =	vst v9;
	v7 =	vmul.f32 v2, v7;
	v14 =	vunpack.i.l.bf16.f32 v16;
	v9 =	vmul.f32 v2, v10;
	v10 =	vld [tilespmem:s8+$0xFFFFFF80]  }
0xd3: {  	v2 =	vld.idx.msk [tilespmem:v11+s28+$0x0], $0xffff;
	[tilespmem:s19+$0x170] =	vst v6;
	v6 =	vadd.s32 $0x5, v8;
	v8 =	vunpack.i.u.bf16.f32 v16;
	v11 =	vmul.f32 v1, v14  }
0xd4: {  	v13 =	vshll.u32 v13, v0;
	v16 =	vld [tilespmem:s8+$0xFFFFFFC0];
	[tilespmem:s16+$0xFFFFFE60] =	vst v9;
	v14 =	vmov s21;
	v8 =	vmul.f32 v1, v8;
	s21 =	sadd.s32 $0x400, s19  }
0xd5: {  	v5 =	vld.idx.msk [tilespmem:v12+s28+$0x0], $0xffff;
	v12 =	vunpack.i.l.bf16.f32 v15;
	v6 =	vbroadcast v6, $0x0;
	v9 =	vadd.s32 $0x6, v13;
	[tilespmem:s21+$0x180] =	vst v11  }
0xd6: {  	v13 =	vld [tilespmem:s8+$0x0];
	v12 =	vmul.f32 v4, v12;
	v11 =	vshrl.u32 v14, $0x3;
	v14 =	vunpack.i.u.bf16.f32 v15;
	[tilespmem:s21+$0x190] =	vst v8  }
0xd7: {  	[tilespmem:s16+$0xFFFFFE70] =	vst v7;
	v8 =	vbroadcast v9, $0x0;
	v9 =	vunpack.i.l.bf16.f32 v10;
	v14 =	vmul.f32 v4, v14;
	v15 =	vld [tilespmem:s8+$0xD0]  }
0xd8: {  	[tilespmem:s21+$0xFFFFFE80] =	vst v12;
	v10 =	vunpack.i.u.bf16.f32 v10;
	v7 =	vshll.u32 v11, v0;
	v9 =	vmul.f32 v3, v9  }
0xd9: {  	v10 =	vmul.f32 v3, v10;
	v11 =	vbroadcast v7, $0x0;
	v7 =	vunpack.i.l.bf16.f32 v16;
	[tilespmem:s21+$0xFFFFFE90] =	vst v14  }
0xda: {  	v12 =	vld [tilespmem:s8+$0x40];
	v14 =	vunpack.i.u.bf16.f32 v16;
	[tilespmem:s21+$0xFFFFFF00] =	vst v9;
	v7 =	vmul.f32 v2, v7  }
0xdb: {  	v6 =	vld.idx.msk [tilespmem:v6+s28+$0x0], $0xffff;
	v9 =	vunpack.i.l.bf16.f32 v13;
	[tilespmem:s21+$0xFFFFFF10] =	vst v10;
	v14 =	vmul.f32 v2, v14  }
0xdc: {  	v10 =	vld [tilespmem:s8+$0x80];
	v9 =	vmul.f32 v5, v9;
	[tilespmem:s21+$0xFFFFFF80] =	vst v7;
	v16 =	vunpack.i.l.bf16.f32 v15  }
0xdd: {  	v7 =	vld.idx.msk [tilespmem:v8+s28+$0x0], $0xffff;
	[tilespmem:s21+$0xFFFFFF90] =	vst v14;
	v8 =	vunpack.i.u.bf16.f32 v15;
	v14 =	vmul.f32 v1, v16  }
0xde: {  	v13 =	vunpack.i.u.bf16.f32 v13;
	v15 =	vld [tilespmem:s8+$0xFFFFFF00];
	[tilespmem:s21+$0x0] =	vst v9;
	v9 =	vmul.f32 v1, v8  }
0xdf: {  	v16 =	vunpack.i.l.bf16.f32 v12;
	v12 =	vunpack.i.u.bf16.f32 v12;
	v8 =	vld.idx.msk [tilespmem:v11+s28+$0x0], $0xffff;
	v11 =	vmul.f32 v5, v13;
	[tilespmem:s21+$0x1A0] =	vst v14  }
0xe0: {  	v13 =	vld [tilespmem:s8+$0xFFFFFF50];
	v12 =	vmul.f32 v6, v12;
	[tilespmem:s21+$0x1B0] =	vst v9  }
0xe1: {  	v14 =	vmul.f32 v6, v16;
	v9 =	vunpack.i.l.bf16.f32 v10;
	[tilespmem:s21+$0x10] =	vst v11;
	v11 =	vld [tilespmem:s8+$0xE0]  }
0xe2: {  	v10 =	vunpack.i.u.bf16.f32 v10;
	[tilespmem:s21+$0x90] =	vst v12;
	v9 =	vmul.f32 v7, v9  }
0xe3: {  	[tilespmem:s21+$0x80] =	vst v14;
	v14 =	vunpack.i.l.bf16.f32 v15;
	v10 =	vmul.f32 v7, v10  }
0xe4: {  	v12 =	vunpack.i.u.bf16.f32 v15;
	v15 =	vld [tilespmem:s8+$0xFFFFFF90];
	v14 =	vmul.f32 v8, v14;
	[tilespmem:s21+$0x100] =	vst v9  }
0xe5: {  	v9 =	vmul.f32 v8, v12;
	v12 =	vunpack.i.l.bf16.f32 v13;
	[tilespmem:s21+$0x110] =	vst v10  }
0xe6: {  	v10 =	vld [tilespmem:s8+$0xFFFFFFD0];
	v12 =	vmul.f32 v4, v12;
	[tilespmem:s21+$0xFFFFFE00] =	vst v14;
	v14 =	vunpack.i.l.bf16.f32 v11  }
0xe7: {  	[tilespmem:s21+$0xFFFFFE10] =	vst v9;
	v9 =	vunpack.i.u.bf16.f32 v11;
	v11 =	vmul.f32 v1, v14  }
0xe8: {  	v13 =	vunpack.i.u.bf16.f32 v13;
	v14 =	vld [tilespmem:s8+$0x10];
	[tilespmem:s21+$0xFFFFFEA0] =	vst v12;
	v9 =	vmul.f32 v1, v9  }
0xe9: {  	v12 =	vmul.f32 v4, v13;
	v13 =	vunpack.i.l.bf16.f32 v15;
	[tilespmem:s21+$0x1C0] =	vst v11  }
0xea: {  	v13 =	vmul.f32 v3, v13;
	v11 =	vunpack.i.u.bf16.f32 v15;
	v15 =	vld [tilespmem:s8+$0x50];
	[tilespmem:s21+$0x1D0] =	vst v9  }
0xeb: {  	[tilespmem:s21+$0xFFFFFEB0] =	vst v12;
	v9 =	vmul.f32 v3, v11;
	v11 =	vunpack.i.l.bf16.f32 v10;
	v12 =	vld [tilespmem:s8+$0xF0]  }
0xec: {  	v10 =	vunpack.i.u.bf16.f32 v10;
	[tilespmem:s21+$0xFFFFFF20] =	vst v13;
	v11 =	vmul.f32 v2, v11  }
0xed: {  	v13 =	vld [tilespmem:s8+$0x90];
	v10 =	vmul.f32 v2, v10;
	v16 =	vunpack.i.l.bf16.f32 v14;
	[tilespmem:s21+$0xFFFFFF30] =	vst v9  }
0xee: {  	v9 =	vunpack.i.u.bf16.f32 v14;
	v14 =	vmul.f32 v5, v16;
	[tilespmem:s21+$0xFFFFFFA0] =	vst v11  }
0xef: {  	v11 =	vld [tilespmem:s8+$0xFFFFFF10];
	v9 =	vmul.f32 v5, v9;
	[tilespmem:s21+$0xFFFFFFB0] =	vst v10;
	v16 =	vunpack.i.l.bf16.f32 v15  }
0xf0: {  	v10 =	vmul.f32 v6, v16;
	[tilespmem:s21+$0x20] =	vst v14;
	v14 =	vunpack.i.u.bf16.f32 v12  }
0xf1: {  	v15 =	vunpack.i.u.bf16.f32 v15;
	v16 =	vld [tilespmem:s8+$0xFFFFFF60];
	[tilespmem:s21+$0x30] =	vst v9;
	v9 =	vmul.f32 v1, v14  }
0xf2: {  	v14 =	vmul.f32 v6, v15;
	v15 =	vunpack.i.l.bf16.f32 v13;
	[tilespmem:s21+$0xA0] =	vst v10  }
0xf3: {  	v10 =	vunpack.i.u.bf16.f32 v13;
	v13 =	vmul.f32 v7, v15;
	v15 =	vld [tilespmem:s8+$0xFFFFFFA0];
	[tilespmem:s21+$0x1F0] =	vst v9  }
0xf4: {  	v9 =	vmul.f32 v7, v10;
	v10 =	vunpack.i.l.bf16.f32 v11;
	[tilespmem:s21+$0xB0] =	vst v14  }
0xf5: {  	v11 =	vunpack.i.u.bf16.f32 v11;
	v14 =	vld [tilespmem:s8+$0xFFFFFFE0];
	v10 =	vmul.f32 v8, v10;
	[tilespmem:s21+$0x120] =	vst v13  }
0xf6: {  	v11 =	vmul.f32 v8, v11;
	v13 =	vunpack.i.l.bf16.f32 v16;
	[tilespmem:s21+$0x130] =	vst v9  }
0xf7: {  	v9 =	vunpack.i.u.bf16.f32 v16;
	v16 =	vld [tilespmem:s8+$0x20];
	v13 =	vmul.f32 v4, v13;
	[tilespmem:s21+$0xFFFFFE20] =	vst v10  }
0xf8: {  	v9 =	vmul.f32 v4, v9;
	[tilespmem:s21+$0xFFFFFE30] =	vst v11;
	v10 =	vunpack.i.l.bf16.f32 v15  }
0xf9: {  	v11 =	vunpack.i.u.bf16.f32 v15;
	v15 =	vld [tilespmem:s8+$0x60];
	v10 =	vmul.f32 v3, v10;
	[tilespmem:s21+$0xFFFFFEC0] =	vst v13  }
0xfa: {  	v11 =	vmul.f32 v3, v11;
	v13 =	vunpack.i.l.bf16.f32 v14;
	[tilespmem:s21+$0xFFFFFED0] =	vst v9  }
0xfb: {  	v9 =	vunpack.i.u.bf16.f32 v14;
	v14 =	vld [tilespmem:s8+$0xA0];
	v13 =	vmul.f32 v2, v13;
	[tilespmem:s21+$0xFFFFFF40] =	vst v10  }
0xfc: {  	v9 =	vmul.f32 v2, v9;
	v10 =	vunpack.i.l.bf16.f32 v16;
	[tilespmem:s21+$0xFFFFFF50] =	vst v11  }
0xfd: {  	v11 =	vunpack.i.u.bf16.f32 v16;
	v16 =	vld [tilespmem:s8+$0xFFFFFF20];
	v10 =	vmul.f32 v5, v10;
	[tilespmem:s21+$0xFFFFFFC0] =	vst v13  }
0xfe: {  	v11 =	vmul.f32 v5, v11;
	[tilespmem:s21+$0xFFFFFFD0] =	vst v9;
	v13 =	vunpack.i.l.bf16.f32 v15  }
0xff: {  	v9 =	vunpack.i.u.bf16.f32 v15;
	v15 =	vld [tilespmem:s8+$0xFFFFFF70];
	v13 =	vmul.f32 v6, v13;
	[tilespmem:s21+$0x40] =	vst v10  }
0x100: {  	v9 =	vmul.f32 v6, v9;
	v10 =	vunpack.i.l.bf16.f32 v14;
	[tilespmem:s21+$0x50] =	vst v11  }
0x101: {  	v11 =	vunpack.i.u.bf16.f32 v14;
	v14 =	vld [tilespmem:s8+$0xFFFFFFB0];
	v10 =	vmul.f32 v7, v10;
	[tilespmem:s21+$0xC0] =	vst v13  }
0x102: {  	v11 =	vmul.f32 v7, v11;
	v13 =	vunpack.i.l.bf16.f32 v16;
	[tilespmem:s21+$0xD0] =	vst v9  }
0x103: {  	v9 =	vunpack.i.u.bf16.f32 v16;
	v16 =	vld [tilespmem:s8+$0xFFFFFFF0];
	v13 =	vmul.f32 v8, v13;
	[tilespmem:s21+$0x140] =	vst v10  }
0x104: {  	v9 =	vmul.f32 v8, v9;
	[tilespmem:s21+$0x150] =	vst v11;
	v10 =	vunpack.i.l.bf16.f32 v15  }
0x105: {  	v11 =	vunpack.i.u.bf16.f32 v15;
	v15 =	vld [tilespmem:s8+$0x30];
	v10 =	vmul.f32 v4, v10;
	[tilespmem:s21+$0xFFFFFE40] =	vst v13  }
0x106: {  	v4 =	vmul.f32 v4, v11;
	v11 =	vunpack.i.l.bf16.f32 v14;
	[tilespmem:s21+$0xFFFFFE50] =	vst v9  }
0x107: {  	v9 =	vunpack.i.u.bf16.f32 v14;
	v13 =	vld [tilespmem:s8+$0x70];
	v11 =	vmul.f32 v3, v11;
	[tilespmem:s21+$0xFFFFFEE0] =	vst v10  }
0x108: {  	v3 =	vmul.f32 v3, v9;
	v9 =	vunpack.i.l.bf16.f32 v16;
	[tilespmem:s21+$0xFFFFFEF0] =	vst v4  }
0x109: {  	v4 =	vunpack.i.u.bf16.f32 v16;
	v10 =	vld [tilespmem:s8+$0xB0];
	v9 =	vmul.f32 v2, v9;
	[tilespmem:s21+$0xFFFFFF60] =	vst v11  }
0x10a: {  	v2 =	vmul.f32 v2, v4;
	[tilespmem:s21+$0xFFFFFF70] =	vst v3;
	v4 =	vunpack.i.l.bf16.f32 v15  }
0x10b: {  	v3 =	vunpack.i.u.bf16.f32 v15;
	v4 =	vmul.f32 v5, v4;
	[tilespmem:s21+$0xFFFFFFE0] =	vst v9  }
0x10c: {  	v9 =	vld [tilespmem:s8+$0xFFFFFF30];
	v3 =	vmul.f32 v5, v3;
	v5 =	vunpack.i.l.bf16.f32 v13;
	[tilespmem:s21+$0xFFFFFFF0] =	vst v2  }
0x10d: {  	v2 =	vunpack.i.u.bf16.f32 v13;
	v5 =	vmul.f32 v6, v5;
	[tilespmem:s21+$0x60] =	vst v4  }
0x10e: {  	v2 =	vmul.f32 v6, v2;
	v4 =	vunpack.i.l.bf16.f32 v10;
	[tilespmem:s21+$0x70] =	vst v3  }
0x10f: {  	v3 =	vunpack.i.u.bf16.f32 v10;
	v4 =	vmul.f32 v7, v4;
	[tilespmem:s21+$0xE0] =	vst v5  }
0x110: {  	v5 =	vunpack.i.l.bf16.f32 v12;
	v3 =	vmul.f32 v7, v3;
	[tilespmem:s21+$0xF0] =	vst v2  }
0x111: {  	v1 =	vmul.f32 v1, v5;
	v2 =	vunpack.i.l.bf16.f32 v9;
	[tilespmem:s21+$0x160] =	vst v4  }
0x112: {  	v4 =	vunpack.i.u.bf16.f32 v9;
	[tilespmem:s21+$0x170] =	vst v3;
	v2 =	vmul.f32 v8, v2  }
0x113: {  	v3 =	vmul.f32 v8, v4;
	[tilespmem:s21+$0x1E0] =	vst v1  }
0x114: {  	s23 =	sadd.s32 s18, s11;
	[tilespmem:s21+$0xFFFFFE60] =	vst v2  }
0x115: {  	s5 =	smul.u32 $0xF, s23;
	[tilespmem:s21+$0xFFFFFE70] =	vst v3  }
0x116: {  	[spmem:s4] =	stream.indirect.scatter.add.f32 [tilespmem:s29], [sflag:$0x3], $0x80, s22, s22, $0xb8;
	[tilespmem:$0x1FEA0] =	vst v63  }
0x117: {  	s5 =	sadd.s32 s0, s5;
	s16 =	simm.s32 $0x0  }
0x118: {  	[tilespmem:s30], [sflag:$0x6] =	stream.linear.gather [hbm4b:s5+s16], $0x78, $0x38;
	[tilespmem:$0x1FEA0] =	vst v63  }
0x119: {  	s8 =	simm.s32 $0x7;
	_ =	swait.ge [sflag:s31], $0xA00  }
0x11a: {  	s19 =	simm.s32 $0x1;
	v1 =	vmov s8;
	[sflag:s31] =	ssyncset.done $0x0  }
0x11b: {  	v1 =	vshrl.u32 v1, $0x3;
	v2 =	vmov s19;
	[sflag:s31] =	ssyncadd.s32 $0xFFFFF600  }
0x11c: {  	s21 =	simm.s32 $0x2;
	v1 =	vshll.u32 v1, v0;
	v2 =	vshrl.u32 v2, $0x3;
	_ =	swait.ge [sflag:s1], $0x78  }
0x11d: {  	v3 =	vmov s21;
	v1 =	vadd.s32 $0x7, v1;
	v2 =	vshll.u32 v2, v0;
	[sflag:s1] =	ssyncset.done $0x0  }
0x11e: {  	s19 =	simm.s32 $0x1E0;
	v3 =	vshrl.u32 v3, $0x3;
	v1 =	vbroadcast v1, $0x0;
	v2 =	vadd.s32 $0x1, v2;
	[sflag:s1] =	ssyncadd.s32 $0xFFFFFF88  }
0x11f: {  	v3 =	vshll.u32 v3, v0;
	v2 =	vbroadcast v2, $0x0;
	[tilespmem:s19], [sflag:$0x1] =	stream.indirect.gather [spmem:s3], $0x40, s30, s22, $0xb8;
	[tilespmem:$0x1FEA0] =	vst v63  }
0x120: {  	s23 =	simm.s32 $0x3;
	s21 =	simm.s32 $0x4;
	v3 =	vadd.s32 $0x2, v3;
	_ =	swait.ge [sflag:s2], $0x1400  }
0x121: {  	v4 =	vmov s23;
	v5 =	vmov s21;
	v3 =	vbroadcast v3, $0x0;
	[sflag:s2] =	ssyncset.done $0x0  }
0x122: {  	s8 =	simm.s32 $0xDD0;
	v4 =	vshrl.u32 v4, $0x3;
	v5 =	vshrl.u32 v5, $0x3;
	[sflag:s2] =	ssyncadd.s32 $0xFFFFEC00  }
0x123: {  	v4 =	vshll.u32 v4, v0;
	v5 =	vshll.u32 v5, v0;
	v9 =	vld [tilespmem:s8+$0xFFFFFFD0]  }
0x124: {  	v4 =	vadd.s32 $0x3, v4;
	v6 =	vadd.s32 $0x4, v5;
	v5 =	vld.idx.msk [tilespmem:v1+s6+$0x0], $0xffff  }
0x125: {  	v4 =	vbroadcast v4, $0x0;
	v8 =	vld.idx.msk [tilespmem:v2+s6+$0x0], $0xffff  }
0x126: {  	s23 =	simm.s32 $0x5;
	s19 =	simm.s32 $0x6;
	v10 =	vld [tilespmem:s8+$0xFFFFFE50]  }
0x127: {  	v2 =	vmov s23;
	v7 =	vld.idx.msk [tilespmem:v3+s6+$0x0], $0xffff;
	v3 =	vmov s19  }
0x128: {  	v2 =	vshrl.u32 v2, $0x3;
	v3 =	vshrl.u32 v3, $0x3  }
0x129: {  	v1 =	vbroadcast v6, $0x0;
	v11 =	vld [tilespmem:s8+$0xFFFFFE90];
	v2 =	vshll.u32 v2, v0;
	v3 =	vshll.u32 v3, v0  }
0x12a: {  	v13 =	vld [tilespmem:s8+$0xFFFFFED0];
	v2 =	vadd.s32 $0x5, v2;
	v3 =	vadd.s32 $0x6, v3;
	v12 =	vunpack.i.l.bf16.f32 v9  }
0x12b: {  	v6 =	vld.idx.msk [tilespmem:v4+s6+$0x0], $0xffff;
	v2 =	vbroadcast v2, $0x0;
	v4 =	vunpack.i.u.bf16.f32 v9;
	v9 =	vmul.f32 v5, v12  }
0x12c: {  	s19 =	simm.s32 $0x17E0;
	v14 =	vunpack.i.l.bf16.f32 v10;
	v12 =	vmov s16;
	v4 =	vmul.f32 v5, v4  }
0x12d: {  	v10 =	vunpack.i.u.bf16.f32 v10;
	v14 =	vmul.f32 v8, v14;
	v12 =	vshrl.u32 v12, $0x3;
	[tilespmem:s19+$0x180] =	vst v9  }
0x12e: {  	v3 =	vbroadcast v3, $0x0;
	v10 =	vmul.f32 v8, v10;
	v9 =	vld [tilespmem:s8+$0xFFFFFF10];
	[tilespmem:s19+$0x190] =	vst v4;
	v4 =	vshll.u32 v12, v0  }
0x12f: {  	v1 =	vld.idx.msk [tilespmem:v1+s6+$0x0], $0xffff;
	v12 =	vunpack.i.l.bf16.f32 v11;
	[tilespmem:s19+$0xFFFFFE80] =	vst v14;
	v14 =	vunpack.i.l.bf16.f32 v13;
	v13 =	vunpack.i.u.bf16.f32 v13  }
0x130: {  	v15 =	vld [tilespmem:s8+$0xFFFFFFE0];
	v16 =	vbroadcast v4, $0x0;
	v4 =	vunpack.i.u.bf16.f32 v11;
	v11 =	vmul.f32 v7, v12  }
0x131: {  	v17 =	vld [tilespmem:s8+$0xFFFFFF50];
	[tilespmem:s19+$0xFFFFFE90] =	vst v10;
	v13 =	vmul.f32 v6, v13  }
0x132: {  	v12 =	vld [tilespmem:s8+$0xFFFFFE10];
	v10 =	vmul.f32 v7, v4;
	[tilespmem:s19+$0xFFFFFF00] =	vst v11  }
0x133: {  	v4 =	vld.idx.msk [tilespmem:v2+s6+$0x0], $0xffff;
	v11 =	vmul.f32 v6, v14;
	[tilespmem:s19+$0xFFFFFF90] =	vst v13;
	v2 =	vunpack.i.l.bf16.f32 v9  }
0x134: {  	[tilespmem:s19+$0xFFFFFF10] =	vst v10;
	v10 =	vld [tilespmem:s8+$0xFFFFFF90];
	v9 =	vunpack.i.u.bf16.f32 v9;
	v14 =	vmul.f32 v1, v2  }
0x135: {  	v3 =	vld.idx.msk [tilespmem:v3+s6+$0x0], $0xffff;
	[tilespmem:s19+$0xFFFFFF80] =	vst v11;
	v2 =	vunpack.i.l.bf16.f32 v15;
	v9 =	vmul.f32 v1, v9  }
0x136: {  	v11 =	vunpack.i.u.bf16.f32 v15;
	v15 =	vld [tilespmem:s8+$0xFFFFFE60];
	v13 =	vmul.f32 v5, v2;
	[tilespmem:s19+$0x0] =	vst v14  }
0x137: {  	v2 =	vld.idx.msk [tilespmem:v16+s6+$0x0], $0xffff;
	v11 =	vmul.f32 v5, v11;
	v14 =	vunpack.i.l.bf16.f32 v17;
	[tilespmem:s19+$0x10] =	vst v9  }
0x138: {  	[tilespmem:s19+$0x1A0] =	vst v13;
	v13 =	vunpack.i.u.bf16.f32 v17;
	v14 =	vmul.f32 v4, v14  }
0x139: {  	v16 =	vld [tilespmem:s8+$0xFFFFFEA0];
	[tilespmem:s19+$0x1B0] =	vst v11;
	v11 =	vunpack.i.l.bf16.f32 v10;
	v13 =	vmul.f32 v4, v13  }
0x13a: {  	v10 =	vunpack.i.u.bf16.f32 v10;
	v9 =	vld [tilespmem:s8+$0xFFFFFFF0];
	v11 =	vmul.f32 v3, v11;
	[tilespmem:s19+$0x80] =	vst v14  }
0x13b: {  	v17 =	vld [tilespmem:s8+$0xFFFFFEE0];
	v10 =	vmul.f32 v3, v10;
	v14 =	vunpack.i.l.bf16.f32 v12;
	v12 =	vunpack.i.u.bf16.f32 v12;
	[tilespmem:s19+$0x90] =	vst v13  }
0x13c: {  	v13 =	vmul.f32 v2, v14;
	[tilespmem:s19+$0x100] =	vst v11;
	v11 =	vmul.f32 v2, v12;
	v12 =	vunpack.i.l.bf16.f32 v15  }
0x13d: {  	v14 =	vunpack.i.u.bf16.f32 v15;
	v15 =	vld [tilespmem:s8+$0xFFFFFF20];
	[tilespmem:s19+$0x110] =	vst v10;
	v10 =	vmul.f32 v8, v12  }
0x13e: {  	v14 =	vmul.f32 v8, v14;
	v12 =	vunpack.i.u.bf16.f32 v16;
	v18 =	vld [tilespmem:s8+$0xFFFFFF60];
	v16 =	vunpack.i.l.bf16.f32 v16;
	[tilespmem:s19+$0xFFFFFE00] =	vst v13  }
0x13f: {  	v19 =	vld [tilespmem:s8+$0xFFFFFFA0];
	v13 =	vunpack.i.l.bf16.f32 v9;
	v9 =	vunpack.i.u.bf16.f32 v9;
	[tilespmem:s19+$0xFFFFFEA0] =	vst v10;
	v10 =	vmul.f32 v7, v12  }
0x140: {  	[tilespmem:s19+$0xFFFFFE10] =	vst v11;
	v11 =	vmul.f32 v5, v13;
	v13 =	vmul.f32 v7, v16;
	v16 =	vunpack.i.l.bf16.f32 v17  }
0x141: {  	v12 =	vunpack.i.u.bf16.f32 v17;
	[tilespmem:s19+$0xFFFFFEB0] =	vst v14;
	v9 =	vmul.f32 v5, v9;
	v17 =	vld [tilespmem:s8+$0xFFFFFE20];
	v16 =	vmul.f32 v6, v16  }
0x142: {  	v21 =	vld [tilespmem:s8+$0xFFFFFE70];
	[tilespmem:s19+$0x1C0] =	vst v11;
	v11 =	vmul.f32 v6, v12;
	v12 =	vunpack.i.u.bf16.f32 v15;
	v15 =	vunpack.i.l.bf16.f32 v15  }
0x143: {  	[tilespmem:s19+$0x1D0] =	vst v9;
	v9 =	vmul.f32 v1, v12;
	v12 =	vmul.f32 v1, v15;
	v15 =	vunpack.i.l.bf16.f32 v18  }
0x144: {  	[tilespmem:s19+$0xFFFFFF30] =	vst v10;
	v20 =	vunpack.i.l.bf16.f32 v19;
	v18 =	vunpack.i.u.bf16.f32 v18;
	v15 =	vmul.f32 v4, v15  }
0x145: {  	s23 =	simm.s32 $0xA;
	[tilespmem:s19+$0xFFFFFF20] =	vst v13;
	v14 =	vld [tilespmem:s8+$0x0];
	v13 =	vmul.f32 v4, v18;
	v18 =	vunpack.i.u.bf16.f32 v19;
	v19 =	vmul.f32 v3, v20  }
0x146: {  	[tilespmem:s19+$0xFFFFFFB0] =	vst v11;
	v11 =	vmov s23;
	v10 =	vmul.f32 v3, v18;
	v18 =	vunpack.i.u.bf16.f32 v17  }
0x147: {  	[tilespmem:s19+$0xFFFFFFA0] =	vst v16;
	v20 =	vld [tilespmem:s8+$0xFFFFFEB0];
	v17 =	vunpack.i.l.bf16.f32 v17;
	v23 =	vunpack.i.u.bf16.f32 v21;
	v21 =	vunpack.i.l.bf16.f32 v21  }
0x148: {  	s21 =	simm.s32 $0x9;
	v22 =	vld [tilespmem:s8+$0xFFFFFEF0];
	[tilespmem:s19+$0x20] =	vst v12;
	v11 =	vshrl.u32 v11, $0x3;
	v16 =	vmul.f32 v2, v17;
	v17 =	vmul.f32 v2, v18  }
0x149: {  	[tilespmem:s19+$0x30] =	vst v9;
	v18 =	vmov s21;
	v21 =	vmul.f32 v8, v21;
	v23 =	vmul.f32 v8, v23  }
0x14a: {  	s16 =	simm.s32 $0xB;
	[tilespmem:s19+$0xB0] =	vst v13;
	v11 =	vshll.u32 v11, v0;
	v13 =	vshrl.u32 v18, $0x3;
	v12 =	vunpack.i.u.bf16.f32 v14  }
0x14b: {  	v24 =	vld [tilespmem:s8+$0xFFFFFF30];
	[tilespmem:s19+$0xA0] =	vst v15;
	v14 =	vunpack.i.l.bf16.f32 v14;
	v9 =	vmul.f32 v5, v12;
	v12 =	vmov s16  }
0x14c: {  	[tilespmem:s19+$0x120] =	vst v19;
	v15 =	vunpack.i.u.bf16.f32 v20;
	v20 =	vunpack.i.l.bf16.f32 v20;
	v5 =	vmul.f32 v5, v14  }
0x14d: {  	[tilespmem:s19+$0x130] =	vst v10;
	v14 =	vmul.f32 v7, v20;
	v18 =	vunpack.i.u.bf16.f32 v22;
	v20 =	vunpack.i.l.bf16.f32 v22;
	v22 =	vld [tilespmem:s8+$0xFFFFFF70]  }
0x14e: {  	s21 =	simm.s32 $0xC;
	[tilespmem:s19+$0xFFFFFE20] =	vst v16;
	v13 =	vshll.u32 v13, v0;
	v15 =	vmul.f32 v7, v15;
	v10 =	vshrl.u32 v12, $0x3  }
0x14f: {  	[tilespmem:s19+$0x1F0] =	vst v9;
	v9 =	vmov s21;
	v19 =	vmul.f32 v6, v20;
	v18 =	vmul.f32 v6, v18;
	v20 =	vld [tilespmem:s8+$0xFFFFFFB0]  }
0x150: {  	[tilespmem:s19+$0xFFFFFE30] =	vst v17;
	v12 =	vunpack.i.u.bf16.f32 v24;
	v16 =	vunpack.i.l.bf16.f32 v24;
	v17 =	vshll.u32 v10, v0  }
0x151: {  	[tilespmem:s19+$0xFFFFFEC0] =	vst v21;
	v63 =	vld [tilespmem:s8+$0xFFFFFE30];
	v9 =	vshrl.u32 v9, $0x3;
	v16 =	vmul.f32 v1, v16;
	v12 =	vmul.f32 v1, v12  }
0x152: {  	[tilespmem:s19+$0xFFFFFED0] =	vst v23;
	v21 =	vshll.u32 v9, v0;
	v9 =	vunpack.i.u.bf16.f32 v22;
	v10 =	vunpack.i.l.bf16.f32 v22  }
0x153: {  	v13 =	vadd.s32 $0x1, v13;
	[tilespmem:s19+$0xFFFFFF40] =	vst v14;
	v22 =	vld [tilespmem:s8+$0xFFFFFE80];
	v23 =	vmul.f32 v4, v10;
	v25 =	vmul.f32 v4, v9  }
0x154: {  	[tilespmem:s19+$0xFFFFFF50] =	vst v15;
	v9 =	vbroadcast v13, $0x0;
	v10 =	vunpack.i.u.bf16.f32 v20;
	v13 =	vunpack.i.l.bf16.f32 v20  }
0x155: {  	v11 =	vadd.s32 $0x2, v11;
	[tilespmem:s19+$0xFFFFFFC0] =	vst v19;
	v20 =	vld [tilespmem:s8+$0xFFFFFEC0];
	v26 =	vmul.f32 v3, v13;
	v27 =	vmul.f32 v3, v10  }
0x156: {  	[tilespmem:s19+$0xFFFFFFD0] =	vst v18;
	v10 =	vbroadcast v11, $0x0;
	v11 =	vunpack.i.u.bf16.f32 v63;
	v13 =	vunpack.i.l.bf16.f32 v63  }
0x157: {  	v14 =	vadd.s32 $0x3, v17;
	v18 =	vld [tilespmem:s8+$0xFFFFFF00];
	[tilespmem:s19+$0x40] =	vst v16;
	v17 =	vmul.f32 v2, v13;
	v13 =	vmul.f32 v2, v11  }
0x158: {  	[tilespmem:s19+$0x50] =	vst v12;
	v11 =	vbroadcast v14, $0x0;
	v14 =	vunpack.i.u.bf16.f32 v22;
	v15 =	vunpack.i.l.bf16.f32 v22  }
0x159: {  	v12 =	vadd.s32 $0x4, v21;
	[tilespmem:s19+$0xC0] =	vst v23;
	v15 =	vmul.f32 v8, v15;
	v14 =	vmul.f32 v8, v14;
	v8 =	vld [tilespmem:s8+$0xFFFFFF40]  }
0x15a: {  	s23 =	simm.s32 $0xF;
	v12 =	vbroadcast v12, $0x0;
	[tilespmem:s19+$0xD0] =	vst v25;
	v16 =	vunpack.i.u.bf16.f32 v20;
	v19 =	vunpack.i.l.bf16.f32 v20  }
0x15b: {  	[tilespmem:s19+$0x140] =	vst v26;
	v20 =	vmov s23;
	v19 =	vmul.f32 v7, v19;
	v16 =	vmul.f32 v7, v16;
	v7 =	vld [tilespmem:s8+$0xFFFFFF80]  }
0x15c: {  	[tilespmem:s19+$0x150] =	vst v27;
	v22 =	vunpack.i.u.bf16.f32 v18;
	v18 =	vunpack.i.l.bf16.f32 v18;
	v20 =	vshrl.u32 v20, $0x3  }
0x15d: {  	s16 =	simm.s32 $0x17E0;
	s21 =	simm.s32 $0x8;
	[tilespmem:s19+$0xFFFFFE40] =	vst v17;
	s23 =	simm.s32 $0x10;
	v17 =	vmul.f32 v6, v22;
	v21 =	vshll.u32 v20, v0;
	v20 =	vmul.f32 v6, v18;
	v18 =	vld [tilespmem:s8+$0xFFFFFFC0]  }
.LBB2_5:
0x15e: {  	p0 =	slt.u32 s23, $0x20;
	v6 =	vadd.s32 $0x7, v21;
	[tilespmem:s19+$0xFFFFFE50] =	vst v13;
	v13 =	vunpack.i.u.bf16.f32 v8;
	v8 =	vunpack.i.l.bf16.f32 v8  }
0x15f: {  	v21 =	vbroadcast v6, $0x0;
	v22 =	vld [tilespmem:s8+$0xFFFFFE40];
	[tilespmem:s19+$0xFFFFFEE0] =	vst v15;
	v15 =	vmul.f32 v1, v8  }
0x160: {  	s5 =	sadd.s32 $0x5, s21;
	v13 =	vmul.f32 v1, v13;
	v8 =	vld.idx.msk [tilespmem:v9+s6+$0x0], $0xffff;
	[tilespmem:s19+$0xFFFFFEF0] =	vst v14;
	v1 =	vunpack.i.u.bf16.f32 v7;
	v6 =	vunpack.i.l.bf16.f32 v7  }
0x161: {  	v9 =	vmov s5;
	s5 =	sadd.s32 $0x6, s21;
	v7 =	vld.idx.msk [tilespmem:v10+s6+$0x0], $0xffff;
	[tilespmem:s19+$0xFFFFFF60] =	vst v19;
	v10 =	vmul.f32 v4, v6;
	v4 =	vmul.f32 v4, v1  }
0x162: {  	v6 =	vld.idx.msk [tilespmem:v11+s6+$0x0], $0xffff;
	v11 =	vmov s5;
	[tilespmem:s19+$0xFFFFFF70] =	vst v16;
	v14 =	vunpack.i.u.bf16.f32 v18;
	v16 =	vunpack.i.l.bf16.f32 v18  }
0x163: {  	s8 =	sadd.s32 $0x200, s8;
	v9 =	vshrl.u32 v9, $0x3;
	v1 =	vld.idx.msk [tilespmem:v12+s6+$0x0], $0xffff;
	[tilespmem:s19+$0xFFFFFFE0] =	vst v20;
	v12 =	vmul.f32 v3, v16;
	v3 =	vmul.f32 v3, v14  }
0x164: {  	v14 =	vshll.u32 v9, v0;
	v16 =	vld [tilespmem:s8+$0xFFFFFFD0];
	v18 =	vunpack.i.u.bf16.f32 v22;
	v19 =	vunpack.i.l.bf16.f32 v22;
	[tilespmem:s19+$0xFFFFFFF0] =	vst v17  }
0x165: {  	v11 =	vshrl.u32 v11, $0x3;
	v9 =	vld.idx.msk [tilespmem:v21+s6+$0x0], $0xffff;
	v17 =	vmul.f32 v2, v19;
	v2 =	vmul.f32 v2, v18;
	[tilespmem:s19+$0x60] =	vst v15  }
0x166: {  	v14 =	vadd.s32 $0x5, v14;
	v11 =	vshll.u32 v11, v0;
	v15 =	vld [tilespmem:s8+$0xFFFFFE10];
	[tilespmem:s19+$0x70] =	vst v13  }
0x167: {  	v14 =	vbroadcast v14, $0x0;
	v11 =	vadd.s32 $0x6, v11;
	v13 =	vmov s21;
	s21 =	smov.u32 s23;
	v18 =	vld [tilespmem:s8+$0xFFFFFE50];
	[tilespmem:s19+$0xE0] =	vst v10  }
0x168: {  	v11 =	vbroadcast v11, $0x0;
	v10 =	vshrl.u32 v13, $0x3;
	v13 =	vld [tilespmem:s8+$0xFFFFFE90];
	[tilespmem:s19+$0xF0] =	vst v4  }
0x169: {  	v4 =	vshll.u32 v10, v0;
	v10 =	vld [tilespmem:s8+$0xFFFFFED0];
	[tilespmem:s19+$0x160] =	vst v12  }
0x16a: {  	v12 =	vbroadcast v4, $0x0;
	v4 =	vunpack.i.l.bf16.f32 v16;
	v19 =	vld [tilespmem:s8+$0xFFFFFF10];
	[tilespmem:s19+$0x170] =	vst v3  }
0x16b: {  	v3 =	vunpack.i.u.bf16.f32 v16;
	v16 =	vmul.f32 v9, v4;
	v20 =	vunpack.i.u.bf16.f32 v15;
	v21 =	vld [tilespmem:s8+$0xFFFFFF50];
	[tilespmem:s19+$0x1E0] =	vst v5  }
0x16c: {  	v5 =	vunpack.i.l.bf16.f32 v15;
	v23 =	vmul.f32 v9, v3;
	s19 =	sadd.s32 $0x400, s19;
	v15 =	vunpack.i.u.bf16.f32 v18;
	v22 =	vld [tilespmem:s8+$0xFFFFFF90];
	[tilespmem:s16+$0xFFFFFE60] =	vst v17  }
0x16d: {  	v3 =	vunpack.i.l.bf16.f32 v18;
	v17 =	vunpack.i.u.bf16.f32 v13;
	v13 =	vunpack.i.l.bf16.f32 v13;
	v4 =	vld.idx.msk [tilespmem:v14+s6+$0x0], $0xffff;
	[tilespmem:s19+$0x180] =	vst v16  }
0x16e: {  	v14 =	vmul.f32 v8, v3;
	v16 =	vunpack.i.u.bf16.f32 v10;
	v10 =	vunpack.i.l.bf16.f32 v10;
	v3 =	vld.idx.msk [tilespmem:v11+s6+$0x0], $0xffff;
	[tilespmem:s19+$0x190] =	vst v23  }
0x16f: {  	v11 =	vmul.f32 v8, v15;
	v15 =	vunpack.i.u.bf16.f32 v19;
	v18 =	vunpack.i.l.bf16.f32 v19;
	v19 =	vld [tilespmem:s8+$0xFFFFFFE0];
	[tilespmem:s16+$0xFFFFFE70] =	vst v2;
	s16 =	smov.u32 s19  }
0x170: {  	v13 =	vmul.f32 v7, v13;
	[tilespmem:s19+$0xFFFFFE80] =	vst v14;
	v14 =	vunpack.i.u.bf16.f32 v21;
	v21 =	vunpack.i.l.bf16.f32 v21  }
0x171: {  	v2 =	vld.idx.msk [tilespmem:v12+s6+$0x0], $0xffff;
	[tilespmem:s19+$0xFFFFFE90] =	vst v11;
	v11 =	vmul.f32 v7, v17;
	v12 =	vunpack.i.u.bf16.f32 v22;
	v17 =	vunpack.i.l.bf16.f32 v22  }
0x172: {  	v10 =	vmul.f32 v6, v10;
	v22 =	vld [tilespmem:s8+$0xFFFFFE60];
	[tilespmem:s19+$0xFFFFFF00] =	vst v13;
	v13 =	vmul.f32 v6, v16  }
0x173: {  	v15 =	vmul.f32 v1, v15;
	[tilespmem:s19+$0xFFFFFF10] =	vst v11;
	v11 =	vmul.f32 v1, v18  }
0x174: {  	v14 =	vmul.f32 v4, v14;
	v16 =	vld [tilespmem:s8+$0xFFFFFEA0];
	[tilespmem:s19+$0xFFFFFF80] =	vst v10;
	v10 =	vmul.f32 v4, v21;
	v18 =	vunpack.i.l.bf16.f32 v19  }
0x175: {  	[tilespmem:s19+$0xFFFFFF90] =	vst v13;
	v13 =	vmul.f32 v3, v17;
	v17 =	vunpack.i.u.bf16.f32 v19;
	v18 =	vmul.f32 v9, v18  }
0x176: {  	v19 =	vld [tilespmem:s8+$0xFFFFFEE0];
	[tilespmem:s19+$0x0] =	vst v11;
	v11 =	vmul.f32 v3, v12;
	v12 =	vmul.f32 v9, v17  }
0x177: {  	v5 =	vmul.f32 v2, v5;
	v17 =	vmul.f32 v2, v20;
	v20 =	vunpack.i.u.bf16.f32 v22;
	[tilespmem:s19+$0x1A0] =	vst v18  }
0x178: {  	v18 =	vunpack.i.l.bf16.f32 v22;
	v20 =	vmul.f32 v8, v20;
	[tilespmem:s19+$0x1B0] =	vst v12  }
0x179: {  	v12 =	vmul.f32 v8, v18;
	v18 =	vunpack.i.u.bf16.f32 v16;
	v16 =	vunpack.i.l.bf16.f32 v16;
	[tilespmem:s19+$0x10] =	vst v15;
	v15 =	vld [tilespmem:s8+$0xFFFFFFF0]  }
0x17a: {  	v16 =	vmul.f32 v7, v16;
	v18 =	vmul.f32 v7, v18;
	v21 =	vld [tilespmem:s8+$0xFFFFFF20];
	[tilespmem:s19+$0x80] =	vst v10  }
0x17b: {  	v10 =	vunpack.i.u.bf16.f32 v19;
	v19 =	vunpack.i.l.bf16.f32 v19;
	[tilespmem:s19+$0x90] =	vst v14  }
0x17c: {  	v14 =	vmul.f32 v6, v19;
	v10 =	vmul.f32 v6, v10;
	v19 =	vld [tilespmem:s8+$0xFFFFFF60];
	[tilespmem:s19+$0x100] =	vst v13  }
0x17d: {  	[tilespmem:s19+$0x110] =	vst v11  }
0x17e: {  	[tilespmem:s19+$0xFFFFFE00] =	vst v5;
	v5 =	vld [tilespmem:s8+$0xFFFFFFA0];
	v11 =	vunpack.i.l.bf16.f32 v15  }
0x17f: {  	v15 =	vunpack.i.u.bf16.f32 v15;
	[tilespmem:s19+$0xFFFFFE10] =	vst v17;
	v13 =	vunpack.i.u.bf16.f32 v21;
	v11 =	vmul.f32 v9, v11  }
0x180: {  	v15 =	vmul.f32 v9, v15;
	v17 =	vld [tilespmem:s8+$0xFFFFFE20];
	[tilespmem:s19+$0xFFFFFEA0] =	vst v12;
	v12 =	vunpack.i.l.bf16.f32 v21;
	v13 =	vmul.f32 v1, v13  }
0x181: {  	v12 =	vmul.f32 v1, v12;
	v21 =	vunpack.i.u.bf16.f32 v19;
	v19 =	vunpack.i.l.bf16.f32 v19;
	[tilespmem:s19+$0x1C0] =	vst v11  }
0x182: {  	v11 =	vmul.f32 v4, v19;
	v19 =	vmul.f32 v4, v21;
	[tilespmem:s19+$0x1D0] =	vst v15  }
0x183: {  	[tilespmem:s19+$0xFFFFFEB0] =	vst v20;
	v15 =	vunpack.i.u.bf16.f32 v5;
	v5 =	vunpack.i.l.bf16.f32 v5;
	v20 =	vld [tilespmem:s8+$0x0]  }
0x184: {  	v21 =	vld [tilespmem:s8+$0xFFFFFE70];
	[tilespmem:s19+$0xFFFFFF20] =	vst v16;
	v16 =	vmul.f32 v3, v5;
	v15 =	vmul.f32 v3, v15  }
0x185: {  	v5 =	vunpack.i.u.bf16.f32 v17;
	v17 =	vunpack.i.l.bf16.f32 v17;
	[tilespmem:s19+$0xFFFFFF30] =	vst v18  }
0x186: {  	s5 =	sadd.s32 $0x1, s23;
	v17 =	vmul.f32 v2, v17;
	v18 =	vmul.f32 v2, v5;
	v5 =	vld [tilespmem:s8+$0xFFFFFEB0];
	[tilespmem:s19+$0xFFFFFFA0] =	vst v14  }
0x187: {  	v14 =	vmov s5;
	s5 =	sadd.s32 $0x2, s23;
	[tilespmem:s19+$0xFFFFFFB0] =	vst v10  }
0x188: {  	v10 =	vmov s5;
	v22 =	vld [tilespmem:s8+$0xFFFFFEF0];
	[tilespmem:s19+$0x20] =	vst v12;
	v12 =	vunpack.i.u.bf16.f32 v20;
	v20 =	vunpack.i.l.bf16.f32 v20  }
0x189: {  	s5 =	sadd.s32 $0x3, s23;
	v23 =	vunpack.i.u.bf16.f32 v21;
	v21 =	vunpack.i.l.bf16.f32 v21;
	[tilespmem:s19+$0x30] =	vst v13;
	v12 =	vmul.f32 v9, v12  }
0x18a: {  	v13 =	vmov s5;
	v21 =	vmul.f32 v8, v21;
	v23 =	vmul.f32 v8, v23;
	v24 =	vld [tilespmem:s8+$0xFFFFFF30];
	[tilespmem:s19+$0xA0] =	vst v11  }
0x18b: {  	s5 =	sadd.s32 $0x4, s23;
	v11 =	vunpack.i.u.bf16.f32 v5;
	v25 =	vunpack.i.l.bf16.f32 v5;
	v5 =	vmul.f32 v9, v20;
	[tilespmem:s19+$0x1F0] =	vst v12  }
0x18c: {  	v9 =	vmov s5;
	v12 =	vmul.f32 v7, v25;
	v11 =	vmul.f32 v7, v11;
	[tilespmem:s19+$0xB0] =	vst v19  }
0x18d: {  	v14 =	vshrl.u32 v14, $0x3;
	v19 =	vunpack.i.u.bf16.f32 v22;
	v20 =	vunpack.i.l.bf16.f32 v22;
	v22 =	vld [tilespmem:s8+$0xFFFFFF70];
	[tilespmem:s19+$0x120] =	vst v16  }
0x18e: {  	v10 =	vshrl.u32 v10, $0x3;
	v16 =	vmul.f32 v6, v20;
	v19 =	vmul.f32 v6, v19;
	[tilespmem:s19+$0x130] =	vst v15  }
0x18f: {  	v13 =	vshrl.u32 v13, $0x3;
	[tilespmem:s19+$0xFFFFFE20] =	vst v17;
	v15 =	vunpack.i.u.bf16.f32 v24;
	v17 =	vunpack.i.l.bf16.f32 v24;
	v20 =	vld [tilespmem:s8+$0xFFFFFFB0]  }
0x190: {  	v9 =	vshrl.u32 v9, $0x3;
	[tilespmem:s19+$0xFFFFFE30] =	vst v18;
	v17 =	vmul.f32 v1, v17;
	v15 =	vmul.f32 v1, v15  }
0x191: {  	v14 =	vshll.u32 v14, v0;
	v10 =	vshll.u32 v10, v0;
	v13 =	vshll.u32 v13, v0;
	v18 =	vld [tilespmem:s8+$0xFFFFFE30];
	[tilespmem:s19+$0xFFFFFEC0] =	vst v21  }
0x192: {  	v21 =	vshll.u32 v9, v0;
	[tilespmem:s19+$0xFFFFFED0] =	vst v23;
	v9 =	vunpack.i.u.bf16.f32 v22;
	v22 =	vunpack.i.l.bf16.f32 v22  }
0x193: {  	v14 =	vadd.s32 $0x1, v14;
	v23 =	vld [tilespmem:s8+$0xFFFFFE80];
	[tilespmem:s19+$0xFFFFFF40] =	vst v12;
	v12 =	vmul.f32 v4, v22;
	v22 =	vmul.f32 v4, v9  }
0x194: {  	v9 =	vbroadcast v14, $0x0;
	[tilespmem:s19+$0xFFFFFF50] =	vst v11;
	v11 =	vunpack.i.u.bf16.f32 v20;
	v14 =	vunpack.i.l.bf16.f32 v20  }
0x195: {  	v10 =	vadd.s32 $0x2, v10;
	v20 =	vld [tilespmem:s8+$0xFFFFFEC0];
	[tilespmem:s19+$0xFFFFFFC0] =	vst v16;
	v24 =	vmul.f32 v3, v14;
	v25 =	vmul.f32 v3, v11  }
0x196: {  	v10 =	vbroadcast v10, $0x0;
	v11 =	vunpack.i.u.bf16.f32 v18;
	v14 =	vunpack.i.l.bf16.f32 v18;
	[tilespmem:s19+$0xFFFFFFD0] =	vst v19  }
0x197: {  	v16 =	vadd.s32 $0x3, v13;
	v18 =	vmul.f32 v2, v14;
	v13 =	vmul.f32 v2, v11;
	v26 =	vld [tilespmem:s8+$0xFFFFFF00];
	[tilespmem:s19+$0x40] =	vst v17  }
0x198: {  	v11 =	vbroadcast v16, $0x0;
	v14 =	vunpack.i.u.bf16.f32 v23;
	v16 =	vunpack.i.l.bf16.f32 v23;
	[tilespmem:s19+$0x50] =	vst v15  }
.Ltmp3:
0x199: {  	v17 =	vadd.s32 $0x4, v21;
	v15 =	vmul.f32 v8, v16;
	v14 =	vmul.f32 v8, v14;
	v8 =	vld [tilespmem:s8+$0xFFFFFF40];
	[tilespmem:s19+$0xC0] =	vst v12;
	(pc) =	sbr.rel @p0 .LBB2_5-.Ltmp3, $4  }
0x19a: {  	s5 =	sadd.s32 $0x7, s23;
	v12 =	vbroadcast v17, $0x0;
	v16 =	vunpack.i.u.bf16.f32 v20;
	v17 =	vunpack.i.l.bf16.f32 v20;
	[tilespmem:s19+$0xD0] =	vst v22  }
0x19b: {  	v20 =	vmov s5;
	v19 =	vmul.f32 v7, v17;
	v16 =	vmul.f32 v7, v16;
	v7 =	vld [tilespmem:s8+$0xFFFFFF80];
	[tilespmem:s19+$0x140] =	vst v24  }
0x19c: {  	v17 =	vshrl.u32 v20, $0x3;
	v22 =	vunpack.i.u.bf16.f32 v26;
	v20 =	vunpack.i.l.bf16.f32 v26;
	[tilespmem:s19+$0x150] =	vst v25  }
0x19d: {  	s23 =	sadd.s32 $0x8, s23;
	v21 =	vshll.u32 v17, v0;
	[tilespmem:s19+$0xFFFFFE40] =	vst v18;
	v20 =	vmul.f32 v6, v20;
	v17 =	vmul.f32 v6, v22;
	v18 =	vld [tilespmem:s8+$0xFFFFFFC0]  }
0x19e: {  	[tilespmem:s19+$0xFFFFFE50] =	vst v13  }
0x19f: {  	v6 =	vadd.s32 $0x7, v21;
	[tilespmem:s19+$0xFFFFFEE0] =	vst v15  }
0x1a0: {  	[tilespmem:s19+$0xFFFFFEF0] =	vst v14;
	v6 =	vbroadcast v6, $0x0  }
0x1a1: {  	[tilespmem:s19+$0xFFFFFF60] =	vst v19  }
0x1a2: {  	v13 =	vunpack.i.l.bf16.f32 v8;
	[tilespmem:s19+$0xFFFFFF70] =	vst v16  }
0x1a3: {  	v8 =	vunpack.i.u.bf16.f32 v8;
	[tilespmem:s19+$0x1E0] =	vst v5;
	v13 =	vmul.f32 v1, v13;
	v14 =	vld [tilespmem:s8+$0xFFFFFE40];
	s8 =	sadd.s32 $0x200, s8  }
0x1a4: {  	v8 =	vmul.f32 v1, v8;
	[tilespmem:s19+$0xFFFFFFF0] =	vst v17;
	v1 =	vunpack.i.l.bf16.f32 v7;
	v7 =	vunpack.i.u.bf16.f32 v7;
	v16 =	vld [tilespmem:s8+$0xFFFFFFD0]  }
0x1a5: {  	s5 =	sadd.s32 $0x5, s21;
	v15 =	vmul.f32 v4, v1;
	[tilespmem:s19+$0x60] =	vst v13;
	v7 =	vmul.f32 v4, v7;
	v4 =	vld.idx.msk [tilespmem:v9+s6+$0x0], $0xffff  }
0x1a6: {  	s23 =	sadd.s32 $0x6, s21;
	v13 =	vmov s5;
	[tilespmem:s19+$0x70] =	vst v8;
	v17 =	vunpack.i.l.bf16.f32 v18;
	v1 =	vld.idx.msk [tilespmem:v6+s6+$0x0], $0xffff  }
0x1a7: {  	v8 =	vshrl.u32 v13, $0x3;
	v13 =	vmov s23;
	v9 =	vmul.f32 v3, v17;
	[tilespmem:s19+$0xE0] =	vst v15;
	v15 =	vld [tilespmem:s8+$0xFFFFFE50]  }
0x1a8: {  	v5 =	vld.idx.msk [tilespmem:v12+s6+$0x0], $0xffff;
	[tilespmem:s19+$0xFFFFFFE0] =	vst v20;
	v8 =	vshll.u32 v8, v0;
	v13 =	vshrl.u32 v13, $0x3;
	v6 =	vunpack.i.u.bf16.f32 v18  }
0x1a9: {  	[tilespmem:s19+$0xF0] =	vst v7;
	v7 =	vunpack.i.u.bf16.f32 v14;
	v6 =	vmul.f32 v3, v6;
	v3 =	vld.idx.msk [tilespmem:v10+s6+$0x0], $0xffff;
	v10 =	vunpack.i.l.bf16.f32 v14  }
0x1aa: {  	[tilespmem:s19+$0x160] =	vst v9;
	v7 =	vmul.f32 v2, v7;
	v14 =	vunpack.i.l.bf16.f32 v16;
	v9 =	vmul.f32 v2, v10;
	v10 =	vld [tilespmem:s8+$0xFFFFFE90]  }
0x1ab: {  	v2 =	vld.idx.msk [tilespmem:v11+s6+$0x0], $0xffff;
	[tilespmem:s19+$0x170] =	vst v6;
	v6 =	vadd.s32 $0x5, v8;
	v8 =	vunpack.i.u.bf16.f32 v16;
	v11 =	vmul.f32 v1, v14  }
0x1ac: {  	s5 =	sadd.s32 $0x400, s19;
	v13 =	vshll.u32 v13, v0;
	v16 =	vld [tilespmem:s8+$0xFFFFFED0];
	v12 =	vunpack.i.l.bf16.f32 v15;
	[tilespmem:s16+$0xFFFFFE60] =	vst v9;
	v8 =	vmul.f32 v1, v8  }
0x1ad: {  	v6 =	vbroadcast v6, $0x0;
	v9 =	vadd.s32 $0x6, v13;
	v14 =	vmov s21;
	[tilespmem:s5+$0x180] =	vst v11  }
0x1ae: {  	v13 =	vld [tilespmem:s8+$0xFFFFFF10];
	v12 =	vmul.f32 v4, v12;
	v11 =	vshrl.u32 v14, $0x3;
	v14 =	vunpack.i.u.bf16.f32 v15;
	[tilespmem:s5+$0x190] =	vst v8  }
0x1af: {  	[tilespmem:s16+$0xFFFFFE70] =	vst v7;
	v8 =	vbroadcast v9, $0x0;
	v9 =	vunpack.i.l.bf16.f32 v10;
	v14 =	vmul.f32 v4, v14;
	v15 =	vld [tilespmem:s8+$0xFFFFFFE0]  }
0x1b0: {  	[tilespmem:s5+$0xFFFFFE80] =	vst v12;
	v10 =	vunpack.i.u.bf16.f32 v10;
	v7 =	vshll.u32 v11, v0;
	v9 =	vmul.f32 v3, v9  }
0x1b1: {  	v10 =	vmul.f32 v3, v10;
	v11 =	vbroadcast v7, $0x0;
	v7 =	vunpack.i.l.bf16.f32 v16;
	[tilespmem:s5+$0xFFFFFE90] =	vst v14  }
0x1b2: {  	v12 =	vld [tilespmem:s8+$0xFFFFFF50];
	v14 =	vunpack.i.u.bf16.f32 v16;
	[tilespmem:s5+$0xFFFFFF00] =	vst v9;
	v7 =	vmul.f32 v2, v7  }
0x1b3: {  	v6 =	vld.idx.msk [tilespmem:v6+s6+$0x0], $0xffff;
	v9 =	vunpack.i.l.bf16.f32 v13;
	[tilespmem:s5+$0xFFFFFF10] =	vst v10;
	v14 =	vmul.f32 v2, v14  }
0x1b4: {  	v10 =	vld [tilespmem:s8+$0xFFFFFF90];
	v9 =	vmul.f32 v5, v9;
	[tilespmem:s5+$0xFFFFFF80] =	vst v7;
	v16 =	vunpack.i.l.bf16.f32 v15  }
0x1b5: {  	v7 =	vld.idx.msk [tilespmem:v8+s6+$0x0], $0xffff;
	[tilespmem:s5+$0xFFFFFF90] =	vst v14;
	v8 =	vunpack.i.u.bf16.f32 v15;
	v14 =	vmul.f32 v1, v16  }
0x1b6: {  	v13 =	vunpack.i.u.bf16.f32 v13;
	v15 =	vld [tilespmem:s8+$0xFFFFFE10];
	[tilespmem:s5+$0x0] =	vst v9;
	v9 =	vmul.f32 v1, v8  }
0x1b7: {  	v16 =	vunpack.i.l.bf16.f32 v12;
	v12 =	vunpack.i.u.bf16.f32 v12;
	v8 =	vld.idx.msk [tilespmem:v11+s6+$0x0], $0xffff;
	v11 =	vmul.f32 v5, v13;
	[tilespmem:s5+$0x1A0] =	vst v14  }
0x1b8: {  	v13 =	vld [tilespmem:s8+$0xFFFFFE60];
	v12 =	vmul.f32 v6, v12;
	[tilespmem:s5+$0x1B0] =	vst v9  }
0x1b9: {  	v14 =	vmul.f32 v6, v16;
	v9 =	vunpack.i.l.bf16.f32 v10;
	[tilespmem:s5+$0x10] =	vst v11;
	v11 =	vld [tilespmem:s8+$0xFFFFFFF0]  }
0x1ba: {  	v10 =	vunpack.i.u.bf16.f32 v10;
	[tilespmem:s5+$0x90] =	vst v12;
	v9 =	vmul.f32 v7, v9  }
0x1bb: {  	[tilespmem:s5+$0x80] =	vst v14;
	v14 =	vunpack.i.l.bf16.f32 v15;
	v10 =	vmul.f32 v7, v10  }
0x1bc: {  	v12 =	vunpack.i.u.bf16.f32 v15;
	v15 =	vld [tilespmem:s8+$0xFFFFFEA0];
	v14 =	vmul.f32 v8, v14;
	[tilespmem:s5+$0x100] =	vst v9  }
0x1bd: {  	v9 =	vmul.f32 v8, v12;
	v12 =	vunpack.i.l.bf16.f32 v13;
	[tilespmem:s5+$0x110] =	vst v10  }
0x1be: {  	v10 =	vld [tilespmem:s8+$0xFFFFFEE0];
	v12 =	vmul.f32 v4, v12;
	[tilespmem:s5+$0xFFFFFE00] =	vst v14;
	v14 =	vunpack.i.l.bf16.f32 v11  }
0x1bf: {  	[tilespmem:s5+$0xFFFFFE10] =	vst v9;
	v9 =	vunpack.i.u.bf16.f32 v11;
	v11 =	vmul.f32 v1, v14  }
0x1c0: {  	v13 =	vunpack.i.u.bf16.f32 v13;
	v14 =	vld [tilespmem:s8+$0xFFFFFF20];
	[tilespmem:s5+$0xFFFFFEA0] =	vst v12;
	v9 =	vmul.f32 v1, v9  }
0x1c1: {  	v12 =	vmul.f32 v4, v13;
	v13 =	vunpack.i.l.bf16.f32 v15;
	[tilespmem:s5+$0x1C0] =	vst v11  }
0x1c2: {  	v13 =	vmul.f32 v3, v13;
	v11 =	vunpack.i.u.bf16.f32 v15;
	v15 =	vld [tilespmem:s8+$0xFFFFFF60];
	[tilespmem:s5+$0x1D0] =	vst v9  }
0x1c3: {  	[tilespmem:s5+$0xFFFFFEB0] =	vst v12;
	v9 =	vmul.f32 v3, v11;
	v11 =	vunpack.i.l.bf16.f32 v10;
	v12 =	vld [tilespmem:s8+$0x0]  }
0x1c4: {  	v10 =	vunpack.i.u.bf16.f32 v10;
	[tilespmem:s5+$0xFFFFFF20] =	vst v13;
	v11 =	vmul.f32 v2, v11  }
0x1c5: {  	v13 =	vld [tilespmem:s8+$0xFFFFFFA0];
	v10 =	vmul.f32 v2, v10;
	v16 =	vunpack.i.l.bf16.f32 v14;
	[tilespmem:s5+$0xFFFFFF30] =	vst v9  }
0x1c6: {  	v9 =	vunpack.i.u.bf16.f32 v14;
	v14 =	vmul.f32 v5, v16;
	[tilespmem:s5+$0xFFFFFFA0] =	vst v11  }
0x1c7: {  	v11 =	vld [tilespmem:s8+$0xFFFFFE20];
	v9 =	vmul.f32 v5, v9;
	[tilespmem:s5+$0xFFFFFFB0] =	vst v10;
	v16 =	vunpack.i.l.bf16.f32 v15  }
0x1c8: {  	v10 =	vmul.f32 v6, v16;
	[tilespmem:s5+$0x20] =	vst v14;
	v14 =	vunpack.i.u.bf16.f32 v12  }
0x1c9: {  	v15 =	vunpack.i.u.bf16.f32 v15;
	v16 =	vld [tilespmem:s8+$0xFFFFFE70];
	[tilespmem:s5+$0x30] =	vst v9;
	v9 =	vmul.f32 v1, v14  }
0x1ca: {  	v14 =	vmul.f32 v6, v15;
	v15 =	vunpack.i.l.bf16.f32 v13;
	[tilespmem:s5+$0xA0] =	vst v10  }
0x1cb: {  	v10 =	vunpack.i.u.bf16.f32 v13;
	v13 =	vmul.f32 v7, v15;
	v15 =	vld [tilespmem:s8+$0xFFFFFEB0];
	[tilespmem:s5+$0x1F0] =	vst v9  }
0x1cc: {  	v9 =	vmul.f32 v7, v10;
	v10 =	vunpack.i.l.bf16.f32 v11;
	[tilespmem:s5+$0xB0] =	vst v14  }
0x1cd: {  	v11 =	vunpack.i.u.bf16.f32 v11;
	v14 =	vld [tilespmem:s8+$0xFFFFFEF0];
	v10 =	vmul.f32 v8, v10;
	[tilespmem:s5+$0x120] =	vst v13  }
0x1ce: {  	v11 =	vmul.f32 v8, v11;
	v13 =	vunpack.i.l.bf16.f32 v16;
	[tilespmem:s5+$0x130] =	vst v9  }
0x1cf: {  	v9 =	vunpack.i.u.bf16.f32 v16;
	v16 =	vld [tilespmem:s8+$0xFFFFFF30];
	v13 =	vmul.f32 v4, v13;
	[tilespmem:s5+$0xFFFFFE20] =	vst v10  }
0x1d0: {  	v9 =	vmul.f32 v4, v9;
	[tilespmem:s5+$0xFFFFFE30] =	vst v11;
	v10 =	vunpack.i.l.bf16.f32 v15  }
0x1d1: {  	v11 =	vunpack.i.u.bf16.f32 v15;
	v15 =	vld [tilespmem:s8+$0xFFFFFF70];
	v10 =	vmul.f32 v3, v10;
	[tilespmem:s5+$0xFFFFFEC0] =	vst v13  }
0x1d2: {  	v11 =	vmul.f32 v3, v11;
	v13 =	vunpack.i.l.bf16.f32 v14;
	[tilespmem:s5+$0xFFFFFED0] =	vst v9  }
0x1d3: {  	v9 =	vunpack.i.u.bf16.f32 v14;
	v14 =	vld [tilespmem:s8+$0xFFFFFFB0];
	v13 =	vmul.f32 v2, v13;
	[tilespmem:s5+$0xFFFFFF40] =	vst v10  }
0x1d4: {  	v9 =	vmul.f32 v2, v9;
	v10 =	vunpack.i.l.bf16.f32 v16;
	[tilespmem:s5+$0xFFFFFF50] =	vst v11  }
0x1d5: {  	v11 =	vunpack.i.u.bf16.f32 v16;
	v16 =	vld [tilespmem:s8+$0xFFFFFE30];
	v10 =	vmul.f32 v5, v10;
	[tilespmem:s5+$0xFFFFFFC0] =	vst v13  }
0x1d6: {  	v11 =	vmul.f32 v5, v11;
	[tilespmem:s5+$0xFFFFFFD0] =	vst v9;
	v13 =	vunpack.i.l.bf16.f32 v15  }
0x1d7: {  	v9 =	vunpack.i.u.bf16.f32 v15;
	v15 =	vld [tilespmem:s8+$0xFFFFFE80];
	v13 =	vmul.f32 v6, v13;
	[tilespmem:s5+$0x40] =	vst v10  }
0x1d8: {  	v9 =	vmul.f32 v6, v9;
	v10 =	vunpack.i.l.bf16.f32 v14;
	[tilespmem:s5+$0x50] =	vst v11  }
0x1d9: {  	v11 =	vunpack.i.u.bf16.f32 v14;
	v14 =	vld [tilespmem:s8+$0xFFFFFEC0];
	v10 =	vmul.f32 v7, v10;
	[tilespmem:s5+$0xC0] =	vst v13  }
0x1da: {  	v11 =	vmul.f32 v7, v11;
	v13 =	vunpack.i.l.bf16.f32 v16;
	[tilespmem:s5+$0xD0] =	vst v9  }
0x1db: {  	v9 =	vunpack.i.u.bf16.f32 v16;
	v16 =	vld [tilespmem:s8+$0xFFFFFF00];
	v13 =	vmul.f32 v8, v13;
	[tilespmem:s5+$0x140] =	vst v10  }
0x1dc: {  	v9 =	vmul.f32 v8, v9;
	[tilespmem:s5+$0x150] =	vst v11;
	v10 =	vunpack.i.l.bf16.f32 v15  }
0x1dd: {  	v11 =	vunpack.i.u.bf16.f32 v15;
	v15 =	vld [tilespmem:s8+$0xFFFFFF40];
	v10 =	vmul.f32 v4, v10;
	[tilespmem:s5+$0xFFFFFE40] =	vst v13  }
0x1de: {  	v4 =	vmul.f32 v4, v11;
	v11 =	vunpack.i.l.bf16.f32 v14;
	[tilespmem:s5+$0xFFFFFE50] =	vst v9  }
0x1df: {  	v9 =	vunpack.i.u.bf16.f32 v14;
	v13 =	vld [tilespmem:s8+$0xFFFFFF80];
	v11 =	vmul.f32 v3, v11;
	[tilespmem:s5+$0xFFFFFEE0] =	vst v10  }
0x1e0: {  	v3 =	vmul.f32 v3, v9;
	v9 =	vunpack.i.l.bf16.f32 v16;
	[tilespmem:s5+$0xFFFFFEF0] =	vst v4  }
0x1e1: {  	v4 =	vunpack.i.u.bf16.f32 v16;
	v10 =	vld [tilespmem:s8+$0xFFFFFFC0];
	v9 =	vmul.f32 v2, v9;
	[tilespmem:s5+$0xFFFFFF60] =	vst v11  }
0x1e2: {  	v2 =	vmul.f32 v2, v4;
	[tilespmem:s5+$0xFFFFFF70] =	vst v3;
	v4 =	vunpack.i.l.bf16.f32 v15  }
0x1e3: {  	v3 =	vunpack.i.u.bf16.f32 v15;
	v4 =	vmul.f32 v5, v4;
	[tilespmem:s5+$0xFFFFFFE0] =	vst v9  }
0x1e4: {  	v9 =	vld [tilespmem:s8+$0xFFFFFE40];
	v3 =	vmul.f32 v5, v3;
	v5 =	vunpack.i.l.bf16.f32 v13;
	[tilespmem:s5+$0xFFFFFFF0] =	vst v2  }
0x1e5: {  	v2 =	vunpack.i.u.bf16.f32 v13;
	v5 =	vmul.f32 v6, v5;
	[tilespmem:s5+$0x60] =	vst v4  }
0x1e6: {  	v2 =	vmul.f32 v6, v2;
	v4 =	vunpack.i.l.bf16.f32 v10;
	[tilespmem:s5+$0x70] =	vst v3  }
0x1e7: {  	v3 =	vunpack.i.u.bf16.f32 v10;
	v4 =	vmul.f32 v7, v4;
	[tilespmem:s5+$0xE0] =	vst v5  }
0x1e8: {  	v5 =	vunpack.i.l.bf16.f32 v12;
	v3 =	vmul.f32 v7, v3;
	[tilespmem:s5+$0xF0] =	vst v2  }
0x1e9: {  	v1 =	vmul.f32 v1, v5;
	v2 =	vunpack.i.l.bf16.f32 v9;
	[tilespmem:s5+$0x160] =	vst v4  }
0x1ea: {  	v4 =	vunpack.i.u.bf16.f32 v9;
	[tilespmem:s5+$0x170] =	vst v3;
	v2 =	vmul.f32 v8, v2  }
0x1eb: {  	v3 =	vmul.f32 v8, v4;
	[tilespmem:s5+$0x1E0] =	vst v1  }
0x1ec: {  	s16 =	sadd.s32 s18, s12;
	[tilespmem:s5+$0xFFFFFE60] =	vst v2  }
0x1ed: {  	s19 =	simm.s32 $0xA0;
	[tilespmem:s5+$0xFFFFFE70] =	vst v3;
	s5 =	smul.u32 $0xF, s16  }
0x1ee: {  	[spmem:s4] =	stream.indirect.scatter.add.f32 [tilespmem:s29], [sflag:$0x3], $0x80, s19, s22, $0xb8;
	[tilespmem:$0x1FEA0] =	vst v63  }
0x1ef: {  	s16 =	simm.s32 $0x0;
	s5 =	sadd.s32 s0, s5  }
0x1f0: {  	[tilespmem:s9], [sflag:$0x7] =	stream.linear.gather [hbm4b:s5+s16], $0x78, $0x38;
	[tilespmem:$0x1FEA0] =	vst v63  }
0x1f1: {  	s21 =	simm.s32 $0x7;
	_ =	swait.ge [sflag:s24], $0xA00  }
0x1f2: {  	s23 =	simm.s32 $0x1;
	v1 =	vmov s21;
	[sflag:s24] =	ssyncset.done $0x0  }
0x1f3: {  	v1 =	vshrl.u32 v1, $0x3;
	v2 =	vmov s23;
	[sflag:s24] =	ssyncadd.s32 $0xFFFFF600  }
0x1f4: {  	s8 =	simm.s32 $0x2;
	v1 =	vshll.u32 v1, v0;
	v2 =	vshrl.u32 v2, $0x3;
	_ =	swait.ge [sflag:s10], $0x78  }
0x1f5: {  	v3 =	vmov s8;
	v1 =	vadd.s32 $0x7, v1;
	v2 =	vshll.u32 v2, v0;
	[sflag:s10] =	ssyncset.done $0x0  }
0x1f6: {  	v3 =	vshrl.u32 v3, $0x3;
	v1 =	vbroadcast v1, $0x0;
	v2 =	vadd.s32 $0x1, v2;
	[sflag:s10] =	ssyncadd.s32 $0xFFFFFF88  }
0x1f7: {  	v3 =	vshll.u32 v3, v0;
	v2 =	vbroadcast v2, $0x0;
	[tilespmem:s26], [sflag:$0x2] =	stream.indirect.gather [spmem:s3], $0x40, s9, s22, $0xb8;
	[tilespmem:$0x1FEA0] =	vst v63  }
0x1f8: {  	s21 =	simm.s32 $0x4;
	s19 =	simm.s32 $0x3;
	v3 =	vadd.s32 $0x2, v3;
	_ =	swait.ge [sflag:s2], $0x1400  }
0x1f9: {  	v5 =	vmov s21;
	v4 =	vmov s19;
	v3 =	vbroadcast v3, $0x0;
	[sflag:s2] =	ssyncset.done $0x0  }
0x1fa: {  	s8 =	simm.s32 $0x2E0;
	v5 =	vshrl.u32 v5, $0x3;
	v4 =	vshrl.u32 v4, $0x3;
	[sflag:s2] =	ssyncadd.s32 $0xFFFFEC00  }
0x1fb: {  	v5 =	vshll.u32 v5, v0;
	v4 =	vshll.u32 v4, v0;
	v9 =	vld [tilespmem:s8+$0xC0]  }
0x1fc: {  	v6 =	vadd.s32 $0x4, v5;
	v4 =	vadd.s32 $0x3, v4;
	v5 =	vld.idx.msk [tilespmem:v1+s15+$0x0], $0xffff  }
0x1fd: {  	v4 =	vbroadcast v4, $0x0;
	v8 =	vld.idx.msk [tilespmem:v2+s15+$0x0], $0xffff  }
0x1fe: {  	s23 =	simm.s32 $0x5;
	s19 =	simm.s32 $0x6;
	v10 =	vld [tilespmem:s8+$0xFFFFFF40]  }
0x1ff: {  	v2 =	vmov s23;
	v7 =	vld.idx.msk [tilespmem:v3+s15+$0x0], $0xffff;
	v3 =	vmov s19  }
0x200: {  	v2 =	vshrl.u32 v2, $0x3;
	v3 =	vshrl.u32 v3, $0x3  }
0x201: {  	v1 =	vbroadcast v6, $0x0;
	v11 =	vld [tilespmem:s8+$0xFFFFFF80];
	v2 =	vshll.u32 v2, v0;
	v3 =	vshll.u32 v3, v0  }
0x202: {  	v13 =	vld [tilespmem:s8+$0xFFFFFFC0];
	v2 =	vadd.s32 $0x5, v2;
	v3 =	vadd.s32 $0x6, v3;
	v12 =	vunpack.i.l.bf16.f32 v9  }
0x203: {  	v6 =	vld.idx.msk [tilespmem:v4+s15+$0x0], $0xffff;
	v2 =	vbroadcast v2, $0x0;
	v4 =	vunpack.i.u.bf16.f32 v9;
	v9 =	vmul.f32 v5, v12  }
0x204: {  	s19 =	simm.s32 $0x17E0;
	v14 =	vunpack.i.l.bf16.f32 v10;
	v12 =	vmov s16;
	v4 =	vmul.f32 v5, v4  }
0x205: {  	v10 =	vunpack.i.u.bf16.f32 v10;
	v14 =	vmul.f32 v8, v14;
	v12 =	vshrl.u32 v12, $0x3;
	[tilespmem:s19+$0x180] =	vst v9  }
0x206: {  	v3 =	vbroadcast v3, $0x0;
	v10 =	vmul.f32 v8, v10;
	v9 =	vld [tilespmem:s8+$0x0];
	[tilespmem:s19+$0x190] =	vst v4;
	v4 =	vshll.u32 v12, v0  }
0x207: {  	v1 =	vld.idx.msk [tilespmem:v1+s15+$0x0], $0xffff;
	v12 =	vunpack.i.l.bf16.f32 v11;
	[tilespmem:s19+$0xFFFFFE80] =	vst v14;
	v14 =	vunpack.i.l.bf16.f32 v13;
	v13 =	vunpack.i.u.bf16.f32 v13  }
0x208: {  	v15 =	vld [tilespmem:s8+$0xD0];
	v16 =	vbroadcast v4, $0x0;
	v4 =	vunpack.i.u.bf16.f32 v11;
	v11 =	vmul.f32 v7, v12  }
0x209: {  	v17 =	vld [tilespmem:s8+$0x40];
	[tilespmem:s19+$0xFFFFFE90] =	vst v10;
	v13 =	vmul.f32 v6, v13  }
0x20a: {  	v12 =	vld [tilespmem:s8+$0xFFFFFF00];
	v10 =	vmul.f32 v7, v4;
	[tilespmem:s19+$0xFFFFFF00] =	vst v11  }
0x20b: {  	v4 =	vld.idx.msk [tilespmem:v2+s15+$0x0], $0xffff;
	v11 =	vmul.f32 v6, v14;
	[tilespmem:s19+$0xFFFFFF90] =	vst v13;
	v2 =	vunpack.i.l.bf16.f32 v9  }
0x20c: {  	[tilespmem:s19+$0xFFFFFF10] =	vst v10;
	v10 =	vld [tilespmem:s8+$0x80];
	v9 =	vunpack.i.u.bf16.f32 v9;
	v14 =	vmul.f32 v1, v2  }
0x20d: {  	v3 =	vld.idx.msk [tilespmem:v3+s15+$0x0], $0xffff;
	[tilespmem:s19+$0xFFFFFF80] =	vst v11;
	v2 =	vunpack.i.l.bf16.f32 v15;
	v9 =	vmul.f32 v1, v9  }
0x20e: {  	v11 =	vunpack.i.u.bf16.f32 v15;
	v15 =	vld [tilespmem:s8+$0xFFFFFF50];
	v13 =	vmul.f32 v5, v2;
	[tilespmem:s19+$0x0] =	vst v14  }
0x20f: {  	v2 =	vld.idx.msk [tilespmem:v16+s15+$0x0], $0xffff;
	v11 =	vmul.f32 v5, v11;
	v14 =	vunpack.i.l.bf16.f32 v17;
	[tilespmem:s19+$0x10] =	vst v9  }
0x210: {  	[tilespmem:s19+$0x1A0] =	vst v13;
	v13 =	vunpack.i.u.bf16.f32 v17;
	v14 =	vmul.f32 v4, v14  }
0x211: {  	v16 =	vld [tilespmem:s8+$0xFFFFFF90];
	[tilespmem:s19+$0x1B0] =	vst v11;
	v11 =	vunpack.i.l.bf16.f32 v10;
	v13 =	vmul.f32 v4, v13  }
0x212: {  	v10 =	vunpack.i.u.bf16.f32 v10;
	v9 =	vld [tilespmem:s8+$0xE0];
	v11 =	vmul.f32 v3, v11;
	[tilespmem:s19+$0x80] =	vst v14  }
0x213: {  	v17 =	vld [tilespmem:s8+$0xFFFFFFD0];
	v10 =	vmul.f32 v3, v10;
	v14 =	vunpack.i.l.bf16.f32 v12;
	v12 =	vunpack.i.u.bf16.f32 v12;
	[tilespmem:s19+$0x90] =	vst v13  }
0x214: {  	v13 =	vmul.f32 v2, v14;
	[tilespmem:s19+$0x100] =	vst v11;
	v11 =	vmul.f32 v2, v12;
	v12 =	vunpack.i.l.bf16.f32 v15  }
0x215: {  	v14 =	vunpack.i.u.bf16.f32 v15;
	v15 =	vld [tilespmem:s8+$0x10];
	[tilespmem:s19+$0x110] =	vst v10;
	v10 =	vmul.f32 v8, v12  }
0x216: {  	v14 =	vmul.f32 v8, v14;
	v12 =	vunpack.i.u.bf16.f32 v16;
	v18 =	vld [tilespmem:s8+$0x50];
	v16 =	vunpack.i.l.bf16.f32 v16;
	[tilespmem:s19+$0xFFFFFE00] =	vst v13  }
0x217: {  	v19 =	vld [tilespmem:s8+$0x90];
	v13 =	vunpack.i.l.bf16.f32 v9;
	v9 =	vunpack.i.u.bf16.f32 v9;
	[tilespmem:s19+$0xFFFFFEA0] =	vst v10;
	v10 =	vmul.f32 v7, v12  }
0x218: {  	[tilespmem:s19+$0xFFFFFE10] =	vst v11;
	v11 =	vmul.f32 v5, v13;
	v13 =	vmul.f32 v7, v16;
	v16 =	vunpack.i.l.bf16.f32 v17  }
0x219: {  	v12 =	vunpack.i.u.bf16.f32 v17;
	[tilespmem:s19+$0xFFFFFEB0] =	vst v14;
	v9 =	vmul.f32 v5, v9;
	v17 =	vld [tilespmem:s8+$0xFFFFFF10];
	v16 =	vmul.f32 v6, v16  }
0x21a: {  	v21 =	vld [tilespmem:s8+$0xFFFFFF60];
	[tilespmem:s19+$0x1C0] =	vst v11;
	v11 =	vmul.f32 v6, v12;
	v12 =	vunpack.i.u.bf16.f32 v15;
	v15 =	vunpack.i.l.bf16.f32 v15  }
0x21b: {  	[tilespmem:s19+$0x1D0] =	vst v9;
	v9 =	vmul.f32 v1, v12;
	v12 =	vmul.f32 v1, v15;
	v15 =	vunpack.i.l.bf16.f32 v18  }
0x21c: {  	[tilespmem:s19+$0xFFFFFF30] =	vst v10;
	v20 =	vunpack.i.l.bf16.f32 v19;
	v18 =	vunpack.i.u.bf16.f32 v18;
	v15 =	vmul.f32 v4, v15  }
0x21d: {  	s23 =	simm.s32 $0xA;
	[tilespmem:s19+$0xFFFFFF20] =	vst v13;
	v14 =	vld [tilespmem:s8+$0xF0];
	v13 =	vmul.f32 v4, v18;
	v18 =	vunpack.i.u.bf16.f32 v19;
	v19 =	vmul.f32 v3, v20  }
0x21e: {  	[tilespmem:s19+$0xFFFFFFB0] =	vst v11;
	v11 =	vmov s23;
	v10 =	vmul.f32 v3, v18;
	v18 =	vunpack.i.u.bf16.f32 v17  }
0x21f: {  	[tilespmem:s19+$0xFFFFFFA0] =	vst v16;
	v20 =	vld [tilespmem:s8+$0xFFFFFFA0];
	v17 =	vunpack.i.l.bf16.f32 v17;
	v23 =	vunpack.i.u.bf16.f32 v21;
	v21 =	vunpack.i.l.bf16.f32 v21  }
0x220: {  	s21 =	simm.s32 $0x9;
	v22 =	vld [tilespmem:s8+$0xFFFFFFE0];
	[tilespmem:s19+$0x20] =	vst v12;
	v11 =	vshrl.u32 v11, $0x3;
	v16 =	vmul.f32 v2, v17;
	v17 =	vmul.f32 v2, v18  }
0x221: {  	[tilespmem:s19+$0x30] =	vst v9;
	v18 =	vmov s21;
	v21 =	vmul.f32 v8, v21;
	v23 =	vmul.f32 v8, v23  }
0x222: {  	s16 =	simm.s32 $0xB;
	[tilespmem:s19+$0xB0] =	vst v13;
	v11 =	vshll.u32 v11, v0;
	v13 =	vshrl.u32 v18, $0x3;
	v12 =	vunpack.i.u.bf16.f32 v14  }
0x223: {  	v24 =	vld [tilespmem:s8+$0x20];
	[tilespmem:s19+$0xA0] =	vst v15;
	v14 =	vunpack.i.l.bf16.f32 v14;
	v9 =	vmul.f32 v5, v12;
	v12 =	vmov s16  }
0x224: {  	[tilespmem:s19+$0x120] =	vst v19;
	v15 =	vunpack.i.u.bf16.f32 v20;
	v20 =	vunpack.i.l.bf16.f32 v20;
	v5 =	vmul.f32 v5, v14  }
0x225: {  	[tilespmem:s19+$0x130] =	vst v10;
	v14 =	vmul.f32 v7, v20;
	v18 =	vunpack.i.u.bf16.f32 v22;
	v20 =	vunpack.i.l.bf16.f32 v22;
	v22 =	vld [tilespmem:s8+$0x60]  }
0x226: {  	s21 =	simm.s32 $0xC;
	[tilespmem:s19+$0xFFFFFE20] =	vst v16;
	v13 =	vshll.u32 v13, v0;
	v15 =	vmul.f32 v7, v15;
	v10 =	vshrl.u32 v12, $0x3  }
0x227: {  	[tilespmem:s19+$0x1F0] =	vst v9;
	v9 =	vmov s21;
	v19 =	vmul.f32 v6, v20;
	v18 =	vmul.f32 v6, v18;
	v20 =	vld [tilespmem:s8+$0xA0]  }
0x228: {  	[tilespmem:s19+$0xFFFFFE30] =	vst v17;
	v12 =	vunpack.i.u.bf16.f32 v24;
	v16 =	vunpack.i.l.bf16.f32 v24;
	v17 =	vshll.u32 v10, v0  }
0x229: {  	[tilespmem:s19+$0xFFFFFEC0] =	vst v21;
	v63 =	vld [tilespmem:s8+$0xFFFFFF20];
	v9 =	vshrl.u32 v9, $0x3;
	v16 =	vmul.f32 v1, v16;
	v12 =	vmul.f32 v1, v12  }
0x22a: {  	[tilespmem:s19+$0xFFFFFED0] =	vst v23;
	v21 =	vshll.u32 v9, v0;
	v9 =	vunpack.i.u.bf16.f32 v22;
	v10 =	vunpack.i.l.bf16.f32 v22  }
0x22b: {  	v13 =	vadd.s32 $0x1, v13;
	[tilespmem:s19+$0xFFFFFF40] =	vst v14;
	v22 =	vld [tilespmem:s8+$0xFFFFFF70];
	v23 =	vmul.f32 v4, v10;
	v25 =	vmul.f32 v4, v9  }
0x22c: {  	[tilespmem:s19+$0xFFFFFF50] =	vst v15;
	v9 =	vbroadcast v13, $0x0;
	v10 =	vunpack.i.u.bf16.f32 v20;
	v13 =	vunpack.i.l.bf16.f32 v20  }
0x22d: {  	v11 =	vadd.s32 $0x2, v11;
	[tilespmem:s19+$0xFFFFFFC0] =	vst v19;
	v20 =	vld [tilespmem:s8+$0xFFFFFFB0];
	v26 =	vmul.f32 v3, v13;
	v27 =	vmul.f32 v3, v10  }
0x22e: {  	[tilespmem:s19+$0xFFFFFFD0] =	vst v18;
	v10 =	vbroadcast v11, $0x0;
	v11 =	vunpack.i.u.bf16.f32 v63;
	v13 =	vunpack.i.l.bf16.f32 v63  }
0x22f: {  	v14 =	vadd.s32 $0x3, v17;
	v18 =	vld [tilespmem:s8+$0xFFFFFFF0];
	[tilespmem:s19+$0x40] =	vst v16;
	v17 =	vmul.f32 v2, v13;
	v13 =	vmul.f32 v2, v11  }
0x230: {  	[tilespmem:s19+$0x50] =	vst v12;
	v11 =	vbroadcast v14, $0x0;
	v14 =	vunpack.i.u.bf16.f32 v22;
	v15 =	vunpack.i.l.bf16.f32 v22  }
0x231: {  	v12 =	vadd.s32 $0x4, v21;
	[tilespmem:s19+$0xC0] =	vst v23;
	v15 =	vmul.f32 v8, v15;
	v14 =	vmul.f32 v8, v14;
	v8 =	vld [tilespmem:s8+$0x30]  }
0x232: {  	s23 =	simm.s32 $0xF;
	v12 =	vbroadcast v12, $0x0;
	[tilespmem:s19+$0xD0] =	vst v25;
	v16 =	vunpack.i.u.bf16.f32 v20;
	v19 =	vunpack.i.l.bf16.f32 v20  }
0x233: {  	[tilespmem:s19+$0x140] =	vst v26;
	v20 =	vmov s23;
	v19 =	vmul.f32 v7, v19;
	v16 =	vmul.f32 v7, v16;
	v7 =	vld [tilespmem:s8+$0x70]  }
0x234: {  	[tilespmem:s19+$0x150] =	vst v27;
	v22 =	vunpack.i.u.bf16.f32 v18;
	v18 =	vunpack.i.l.bf16.f32 v18;
	v20 =	vshrl.u32 v20, $0x3  }
0x235: {  	s16 =	simm.s32 $0x17E0;
	s21 =	simm.s32 $0x8;
	[tilespmem:s19+$0xFFFFFE40] =	vst v17;
	s23 =	simm.s32 $0x10;
	v17 =	vmul.f32 v6, v22;
	v21 =	vshll.u32 v20, v0;
	v20 =	vmul.f32 v6, v18;
	v18 =	vld [tilespmem:s8+$0xB0]  }
.LBB2_7:
0x236: {  	p0 =	slt.u32 s23, $0x20;
	v6 =	vadd.s32 $0x7, v21;
	[tilespmem:s19+$0xFFFFFE50] =	vst v13;
	v13 =	vunpack.i.u.bf16.f32 v8;
	v8 =	vunpack.i.l.bf16.f32 v8  }
0x237: {  	v21 =	vbroadcast v6, $0x0;
	v22 =	vld [tilespmem:s8+$0xFFFFFF30];
	[tilespmem:s19+$0xFFFFFEE0] =	vst v15;
	v15 =	vmul.f32 v1, v8  }
0x238: {  	s5 =	sadd.s32 $0x5, s21;
	v13 =	vmul.f32 v1, v13;
	v8 =	vld.idx.msk [tilespmem:v9+s15+$0x0], $0xffff;
	[tilespmem:s19+$0xFFFFFEF0] =	vst v14;
	v1 =	vunpack.i.u.bf16.f32 v7;
	v6 =	vunpack.i.l.bf16.f32 v7  }
0x239: {  	v9 =	vmov s5;
	s5 =	sadd.s32 $0x6, s21;
	v7 =	vld.idx.msk [tilespmem:v10+s15+$0x0], $0xffff;
	[tilespmem:s19+$0xFFFFFF60] =	vst v19;
	v10 =	vmul.f32 v4, v6;
	v4 =	vmul.f32 v4, v1  }
0x23a: {  	v6 =	vld.idx.msk [tilespmem:v11+s15+$0x0], $0xffff;
	v11 =	vmov s5;
	[tilespmem:s19+$0xFFFFFF70] =	vst v16;
	v14 =	vunpack.i.u.bf16.f32 v18;
	v16 =	vunpack.i.l.bf16.f32 v18  }
0x23b: {  	s8 =	sadd.s32 $0x200, s8;
	v9 =	vshrl.u32 v9, $0x3;
	v1 =	vld.idx.msk [tilespmem:v12+s15+$0x0], $0xffff;
	[tilespmem:s19+$0xFFFFFFE0] =	vst v20;
	v12 =	vmul.f32 v3, v16;
	v3 =	vmul.f32 v3, v14  }
0x23c: {  	v14 =	vshll.u32 v9, v0;
	v16 =	vld [tilespmem:s8+$0xC0];
	v18 =	vunpack.i.u.bf16.f32 v22;
	v19 =	vunpack.i.l.bf16.f32 v22;
	[tilespmem:s19+$0xFFFFFFF0] =	vst v17  }
0x23d: {  	v11 =	vshrl.u32 v11, $0x3;
	v9 =	vld.idx.msk [tilespmem:v21+s15+$0x0], $0xffff;
	v17 =	vmul.f32 v2, v19;
	v2 =	vmul.f32 v2, v18;
	[tilespmem:s19+$0x60] =	vst v15  }
0x23e: {  	v14 =	vadd.s32 $0x5, v14;
	v11 =	vshll.u32 v11, v0;
	v15 =	vld [tilespmem:s8+$0xFFFFFF00];
	[tilespmem:s19+$0x70] =	vst v13  }
0x23f: {  	v14 =	vbroadcast v14, $0x0;
	v11 =	vadd.s32 $0x6, v11;
	v13 =	vmov s21;
	s21 =	smov.u32 s23;
	v18 =	vld [tilespmem:s8+$0xFFFFFF40];
	[tilespmem:s19+$0xE0] =	vst v10  }
0x240: {  	v11 =	vbroadcast v11, $0x0;
	v10 =	vshrl.u32 v13, $0x3;
	v13 =	vld [tilespmem:s8+$0xFFFFFF80];
	[tilespmem:s19+$0xF0] =	vst v4  }
0x241: {  	v4 =	vshll.u32 v10, v0;
	v10 =	vld [tilespmem:s8+$0xFFFFFFC0];
	[tilespmem:s19+$0x160] =	vst v12  }
0x242: {  	v12 =	vbroadcast v4, $0x0;
	v4 =	vunpack.i.l.bf16.f32 v16;
	v19 =	vld [tilespmem:s8+$0x0];
	[tilespmem:s19+$0x170] =	vst v3  }
0x243: {  	v3 =	vunpack.i.u.bf16.f32 v16;
	v16 =	vmul.f32 v9, v4;
	v20 =	vunpack.i.u.bf16.f32 v15;
	v21 =	vld [tilespmem:s8+$0x40];
	[tilespmem:s19+$0x1E0] =	vst v5  }
0x244: {  	v5 =	vunpack.i.l.bf16.f32 v15;
	v23 =	vmul.f32 v9, v3;
	s19 =	sadd.s32 $0x400, s19;
	v15 =	vunpack.i.u.bf16.f32 v18;
	v22 =	vld [tilespmem:s8+$0x80];
	[tilespmem:s16+$0xFFFFFE60] =	vst v17  }
0x245: {  	v3 =	vunpack.i.l.bf16.f32 v18;
	v17 =	vunpack.i.u.bf16.f32 v13;
	v13 =	vunpack.i.l.bf16.f32 v13;
	v4 =	vld.idx.msk [tilespmem:v14+s15+$0x0], $0xffff;
	[tilespmem:s19+$0x180] =	vst v16  }
0x246: {  	v14 =	vmul.f32 v8, v3;
	v16 =	vunpack.i.u.bf16.f32 v10;
	v10 =	vunpack.i.l.bf16.f32 v10;
	v3 =	vld.idx.msk [tilespmem:v11+s15+$0x0], $0xffff;
	[tilespmem:s19+$0x190] =	vst v23  }
0x247: {  	v11 =	vmul.f32 v8, v15;
	v15 =	vunpack.i.u.bf16.f32 v19;
	v18 =	vunpack.i.l.bf16.f32 v19;
	v19 =	vld [tilespmem:s8+$0xD0];
	[tilespmem:s16+$0xFFFFFE70] =	vst v2;
	s16 =	smov.u32 s19  }
0x248: {  	v13 =	vmul.f32 v7, v13;
	[tilespmem:s19+$0xFFFFFE80] =	vst v14;
	v14 =	vunpack.i.u.bf16.f32 v21;
	v21 =	vunpack.i.l.bf16.f32 v21  }
0x249: {  	v2 =	vld.idx.msk [tilespmem:v12+s15+$0x0], $0xffff;
	[tilespmem:s19+$0xFFFFFE90] =	vst v11;
	v11 =	vmul.f32 v7, v17;
	v12 =	vunpack.i.u.bf16.f32 v22;
	v17 =	vunpack.i.l.bf16.f32 v22  }
0x24a: {  	v10 =	vmul.f32 v6, v10;
	v22 =	vld [tilespmem:s8+$0xFFFFFF50];
	[tilespmem:s19+$0xFFFFFF00] =	vst v13;
	v13 =	vmul.f32 v6, v16  }
0x24b: {  	v15 =	vmul.f32 v1, v15;
	[tilespmem:s19+$0xFFFFFF10] =	vst v11;
	v11 =	vmul.f32 v1, v18  }
0x24c: {  	v14 =	vmul.f32 v4, v14;
	v16 =	vld [tilespmem:s8+$0xFFFFFF90];
	[tilespmem:s19+$0xFFFFFF80] =	vst v10;
	v10 =	vmul.f32 v4, v21;
	v18 =	vunpack.i.l.bf16.f32 v19  }
0x24d: {  	[tilespmem:s19+$0xFFFFFF90] =	vst v13;
	v13 =	vmul.f32 v3, v17;
	v17 =	vunpack.i.u.bf16.f32 v19;
	v18 =	vmul.f32 v9, v18  }
0x24e: {  	v19 =	vld [tilespmem:s8+$0xFFFFFFD0];
	[tilespmem:s19+$0x0] =	vst v11;
	v11 =	vmul.f32 v3, v12;
	v12 =	vmul.f32 v9, v17  }
0x24f: {  	v5 =	vmul.f32 v2, v5;
	v17 =	vmul.f32 v2, v20;
	v20 =	vunpack.i.u.bf16.f32 v22;
	[tilespmem:s19+$0x1A0] =	vst v18  }
0x250: {  	v18 =	vunpack.i.l.bf16.f32 v22;
	v20 =	vmul.f32 v8, v20;
	[tilespmem:s19+$0x1B0] =	vst v12  }
0x251: {  	v12 =	vmul.f32 v8, v18;
	v18 =	vunpack.i.u.bf16.f32 v16;
	v16 =	vunpack.i.l.bf16.f32 v16;
	[tilespmem:s19+$0x10] =	vst v15;
	v15 =	vld [tilespmem:s8+$0xE0]  }
0x252: {  	v16 =	vmul.f32 v7, v16;
	v18 =	vmul.f32 v7, v18;
	v21 =	vld [tilespmem:s8+$0x10];
	[tilespmem:s19+$0x80] =	vst v10  }
0x253: {  	v10 =	vunpack.i.u.bf16.f32 v19;
	v19 =	vunpack.i.l.bf16.f32 v19;
	[tilespmem:s19+$0x90] =	vst v14  }
0x254: {  	v14 =	vmul.f32 v6, v19;
	v10 =	vmul.f32 v6, v10;
	v19 =	vld [tilespmem:s8+$0x50];
	[tilespmem:s19+$0x100] =	vst v13  }
0x255: {  	[tilespmem:s19+$0x110] =	vst v11  }
0x256: {  	[tilespmem:s19+$0xFFFFFE00] =	vst v5;
	v5 =	vld [tilespmem:s8+$0x90];
	v11 =	vunpack.i.l.bf16.f32 v15  }
0x257: {  	v15 =	vunpack.i.u.bf16.f32 v15;
	[tilespmem:s19+$0xFFFFFE10] =	vst v17;
	v13 =	vunpack.i.u.bf16.f32 v21;
	v11 =	vmul.f32 v9, v11  }
0x258: {  	v15 =	vmul.f32 v9, v15;
	v17 =	vld [tilespmem:s8+$0xFFFFFF10];
	[tilespmem:s19+$0xFFFFFEA0] =	vst v12;
	v12 =	vunpack.i.l.bf16.f32 v21;
	v13 =	vmul.f32 v1, v13  }
0x259: {  	v12 =	vmul.f32 v1, v12;
	v21 =	vunpack.i.u.bf16.f32 v19;
	v19 =	vunpack.i.l.bf16.f32 v19;
	[tilespmem:s19+$0x1C0] =	vst v11  }
0x25a: {  	v11 =	vmul.f32 v4, v19;
	v19 =	vmul.f32 v4, v21;
	[tilespmem:s19+$0x1D0] =	vst v15  }
0x25b: {  	[tilespmem:s19+$0xFFFFFEB0] =	vst v20;
	v15 =	vunpack.i.u.bf16.f32 v5;
	v5 =	vunpack.i.l.bf16.f32 v5;
	v20 =	vld [tilespmem:s8+$0xF0]  }
0x25c: {  	v21 =	vld [tilespmem:s8+$0xFFFFFF60];
	[tilespmem:s19+$0xFFFFFF20] =	vst v16;
	v16 =	vmul.f32 v3, v5;
	v15 =	vmul.f32 v3, v15  }
0x25d: {  	v5 =	vunpack.i.u.bf16.f32 v17;
	v17 =	vunpack.i.l.bf16.f32 v17;
	[tilespmem:s19+$0xFFFFFF30] =	vst v18  }
0x25e: {  	s5 =	sadd.s32 $0x1, s23;
	v17 =	vmul.f32 v2, v17;
	v18 =	vmul.f32 v2, v5;
	v5 =	vld [tilespmem:s8+$0xFFFFFFA0];
	[tilespmem:s19+$0xFFFFFFA0] =	vst v14  }
0x25f: {  	v14 =	vmov s5;
	s5 =	sadd.s32 $0x2, s23;
	[tilespmem:s19+$0xFFFFFFB0] =	vst v10  }
0x260: {  	v10 =	vmov s5;
	v22 =	vld [tilespmem:s8+$0xFFFFFFE0];
	[tilespmem:s19+$0x20] =	vst v12;
	v12 =	vunpack.i.u.bf16.f32 v20;
	v20 =	vunpack.i.l.bf16.f32 v20  }
0x261: {  	s5 =	sadd.s32 $0x3, s23;
	v23 =	vunpack.i.u.bf16.f32 v21;
	v21 =	vunpack.i.l.bf16.f32 v21;
	[tilespmem:s19+$0x30] =	vst v13;
	v12 =	vmul.f32 v9, v12  }
0x262: {  	v13 =	vmov s5;
	v21 =	vmul.f32 v8, v21;
	v23 =	vmul.f32 v8, v23;
	v24 =	vld [tilespmem:s8+$0x20];
	[tilespmem:s19+$0xA0] =	vst v11  }
0x263: {  	s5 =	sadd.s32 $0x4, s23;
	v11 =	vunpack.i.u.bf16.f32 v5;
	v25 =	vunpack.i.l.bf16.f32 v5;
	v5 =	vmul.f32 v9, v20;
	[tilespmem:s19+$0x1F0] =	vst v12  }
0x264: {  	v9 =	vmov s5;
	v12 =	vmul.f32 v7, v25;
	v11 =	vmul.f32 v7, v11;
	[tilespmem:s19+$0xB0] =	vst v19  }
0x265: {  	v14 =	vshrl.u32 v14, $0x3;
	v19 =	vunpack.i.u.bf16.f32 v22;
	v20 =	vunpack.i.l.bf16.f32 v22;
	v22 =	vld [tilespmem:s8+$0x60];
	[tilespmem:s19+$0x120] =	vst v16  }
0x266: {  	v10 =	vshrl.u32 v10, $0x3;
	v16 =	vmul.f32 v6, v20;
	v19 =	vmul.f32 v6, v19;
	[tilespmem:s19+$0x130] =	vst v15  }
0x267: {  	v13 =	vshrl.u32 v13, $0x3;
	[tilespmem:s19+$0xFFFFFE20] =	vst v17;
	v15 =	vunpack.i.u.bf16.f32 v24;
	v17 =	vunpack.i.l.bf16.f32 v24;
	v20 =	vld [tilespmem:s8+$0xA0]  }
0x268: {  	v9 =	vshrl.u32 v9, $0x3;
	[tilespmem:s19+$0xFFFFFE30] =	vst v18;
	v17 =	vmul.f32 v1, v17;
	v15 =	vmul.f32 v1, v15  }
0x269: {  	v14 =	vshll.u32 v14, v0;
	v10 =	vshll.u32 v10, v0;
	v13 =	vshll.u32 v13, v0;
	v18 =	vld [tilespmem:s8+$0xFFFFFF20];
	[tilespmem:s19+$0xFFFFFEC0] =	vst v21  }
0x26a: {  	v21 =	vshll.u32 v9, v0;
	[tilespmem:s19+$0xFFFFFED0] =	vst v23;
	v9 =	vunpack.i.u.bf16.f32 v22;
	v22 =	vunpack.i.l.bf16.f32 v22  }
0x26b: {  	v14 =	vadd.s32 $0x1, v14;
	v23 =	vld [tilespmem:s8+$0xFFFFFF70];
	[tilespmem:s19+$0xFFFFFF40] =	vst v12;
	v12 =	vmul.f32 v4, v22;
	v22 =	vmul.f32 v4, v9  }
0x26c: {  	v9 =	vbroadcast v14, $0x0;
	[tilespmem:s19+$0xFFFFFF50] =	vst v11;
	v11 =	vunpack.i.u.bf16.f32 v20;
	v14 =	vunpack.i.l.bf16.f32 v20  }
0x26d: {  	v10 =	vadd.s32 $0x2, v10;
	v20 =	vld [tilespmem:s8+$0xFFFFFFB0];
	[tilespmem:s19+$0xFFFFFFC0] =	vst v16;
	v24 =	vmul.f32 v3, v14;
	v25 =	vmul.f32 v3, v11  }
0x26e: {  	v10 =	vbroadcast v10, $0x0;
	v11 =	vunpack.i.u.bf16.f32 v18;
	v14 =	vunpack.i.l.bf16.f32 v18;
	[tilespmem:s19+$0xFFFFFFD0] =	vst v19  }
0x26f: {  	v16 =	vadd.s32 $0x3, v13;
	v18 =	vmul.f32 v2, v14;
	v13 =	vmul.f32 v2, v11;
	v26 =	vld [tilespmem:s8+$0xFFFFFFF0];
	[tilespmem:s19+$0x40] =	vst v17  }
0x270: {  	v11 =	vbroadcast v16, $0x0;
	v14 =	vunpack.i.u.bf16.f32 v23;
	v16 =	vunpack.i.l.bf16.f32 v23;
	[tilespmem:s19+$0x50] =	vst v15  }
.Ltmp4:
0x271: {  	v17 =	vadd.s32 $0x4, v21;
	v15 =	vmul.f32 v8, v16;
	v14 =	vmul.f32 v8, v14;
	v8 =	vld [tilespmem:s8+$0x30];
	[tilespmem:s19+$0xC0] =	vst v12;
	(pc) =	sbr.rel @p0 .LBB2_7-.Ltmp4, $4  }
0x272: {  	s5 =	sadd.s32 $0x7, s23;
	v12 =	vbroadcast v17, $0x0;
	v16 =	vunpack.i.u.bf16.f32 v20;
	v17 =	vunpack.i.l.bf16.f32 v20;
	[tilespmem:s19+$0xD0] =	vst v22  }
0x273: {  	v20 =	vmov s5;
	v19 =	vmul.f32 v7, v17;
	v16 =	vmul.f32 v7, v16;
	v7 =	vld [tilespmem:s8+$0x70];
	[tilespmem:s19+$0x140] =	vst v24  }
0x274: {  	v17 =	vshrl.u32 v20, $0x3;
	v22 =	vunpack.i.u.bf16.f32 v26;
	v20 =	vunpack.i.l.bf16.f32 v26;
	[tilespmem:s19+$0x150] =	vst v25  }
0x275: {  	s23 =	sadd.s32 $0x8, s23;
	v21 =	vshll.u32 v17, v0;
	[tilespmem:s19+$0xFFFFFE40] =	vst v18;
	v20 =	vmul.f32 v6, v20;
	v17 =	vmul.f32 v6, v22;
	v18 =	vld [tilespmem:s8+$0xB0]  }
0x276: {  	[tilespmem:s19+$0xFFFFFE50] =	vst v13  }
0x277: {  	v6 =	vadd.s32 $0x7, v21;
	[tilespmem:s19+$0xFFFFFEE0] =	vst v15  }
0x278: {  	[tilespmem:s19+$0xFFFFFEF0] =	vst v14;
	v6 =	vbroadcast v6, $0x0  }
0x279: {  	[tilespmem:s19+$0xFFFFFF60] =	vst v19  }
0x27a: {  	v13 =	vunpack.i.l.bf16.f32 v8;
	[tilespmem:s19+$0xFFFFFF70] =	vst v16  }
0x27b: {  	v8 =	vunpack.i.u.bf16.f32 v8;
	[tilespmem:s19+$0x1E0] =	vst v5;
	v13 =	vmul.f32 v1, v13;
	v14 =	vld [tilespmem:s8+$0xFFFFFF30];
	s8 =	sadd.s32 $0x200, s8  }
0x27c: {  	v8 =	vmul.f32 v1, v8;
	[tilespmem:s19+$0xFFFFFFF0] =	vst v17;
	v1 =	vunpack.i.l.bf16.f32 v7;
	v7 =	vunpack.i.u.bf16.f32 v7;
	v16 =	vld [tilespmem:s8+$0xC0]  }
0x27d: {  	s5 =	sadd.s32 $0x5, s21;
	v15 =	vmul.f32 v4, v1;
	[tilespmem:s19+$0x60] =	vst v13;
	v7 =	vmul.f32 v4, v7;
	v4 =	vld.idx.msk [tilespmem:v9+s15+$0x0], $0xffff  }
0x27e: {  	s23 =	sadd.s32 $0x6, s21;
	v13 =	vmov s5;
	[tilespmem:s19+$0x70] =	vst v8;
	v17 =	vunpack.i.l.bf16.f32 v18;
	v1 =	vld.idx.msk [tilespmem:v6+s15+$0x0], $0xffff  }
0x27f: {  	v8 =	vshrl.u32 v13, $0x3;
	v13 =	vmov s23;
	v9 =	vmul.f32 v3, v17;
	[tilespmem:s19+$0xE0] =	vst v15;
	v15 =	vld [tilespmem:s8+$0xFFFFFF40]  }
0x280: {  	v5 =	vld.idx.msk [tilespmem:v12+s15+$0x0], $0xffff;
	[tilespmem:s19+$0xFFFFFFE0] =	vst v20;
	v8 =	vshll.u32 v8, v0;
	v13 =	vshrl.u32 v13, $0x3;
	v6 =	vunpack.i.u.bf16.f32 v18  }
0x281: {  	[tilespmem:s19+$0xF0] =	vst v7;
	v7 =	vunpack.i.u.bf16.f32 v14;
	v6 =	vmul.f32 v3, v6;
	v3 =	vld.idx.msk [tilespmem:v10+s15+$0x0], $0xffff;
	v10 =	vunpack.i.l.bf16.f32 v14  }
0x282: {  	[tilespmem:s19+$0x160] =	vst v9;
	v7 =	vmul.f32 v2, v7;
	v14 =	vunpack.i.l.bf16.f32 v16;
	v9 =	vmul.f32 v2, v10;
	v10 =	vld [tilespmem:s8+$0xFFFFFF80]  }
0x283: {  	v2 =	vld.idx.msk [tilespmem:v11+s15+$0x0], $0xffff;
	[tilespmem:s19+$0x170] =	vst v6;
	v6 =	vadd.s32 $0x5, v8;
	v8 =	vunpack.i.u.bf16.f32 v16;
	v11 =	vmul.f32 v1, v14  }
0x284: {  	s5 =	sadd.s32 $0x400, s19;
	v13 =	vshll.u32 v13, v0;
	v16 =	vld [tilespmem:s8+$0xFFFFFFC0];
	v12 =	vunpack.i.l.bf16.f32 v15;
	[tilespmem:s16+$0xFFFFFE60] =	vst v9;
	v8 =	vmul.f32 v1, v8  }
0x285: {  	v6 =	vbroadcast v6, $0x0;
	v9 =	vadd.s32 $0x6, v13;
	v14 =	vmov s21;
	[tilespmem:s5+$0x180] =	vst v11  }
0x286: {  	v13 =	vld [tilespmem:s8+$0x0];
	v12 =	vmul.f32 v4, v12;
	v11 =	vshrl.u32 v14, $0x3;
	v14 =	vunpack.i.u.bf16.f32 v15;
	[tilespmem:s5+$0x190] =	vst v8  }
0x287: {  	[tilespmem:s16+$0xFFFFFE70] =	vst v7;
	v8 =	vbroadcast v9, $0x0;
	v9 =	vunpack.i.l.bf16.f32 v10;
	v14 =	vmul.f32 v4, v14;
	v15 =	vld [tilespmem:s8+$0xD0]  }
0x288: {  	[tilespmem:s5+$0xFFFFFE80] =	vst v12;
	v10 =	vunpack.i.u.bf16.f32 v10;
	v7 =	vshll.u32 v11, v0;
	v9 =	vmul.f32 v3, v9  }
0x289: {  	v10 =	vmul.f32 v3, v10;
	v11 =	vbroadcast v7, $0x0;
	v7 =	vunpack.i.l.bf16.f32 v16;
	[tilespmem:s5+$0xFFFFFE90] =	vst v14  }
0x28a: {  	v12 =	vld [tilespmem:s8+$0x40];
	v14 =	vunpack.i.u.bf16.f32 v16;
	[tilespmem:s5+$0xFFFFFF00] =	vst v9;
	v7 =	vmul.f32 v2, v7  }
0x28b: {  	v6 =	vld.idx.msk [tilespmem:v6+s15+$0x0], $0xffff;
	v9 =	vunpack.i.l.bf16.f32 v13;
	[tilespmem:s5+$0xFFFFFF10] =	vst v10;
	v14 =	vmul.f32 v2, v14  }
0x28c: {  	v10 =	vld [tilespmem:s8+$0x80];
	v9 =	vmul.f32 v5, v9;
	[tilespmem:s5+$0xFFFFFF80] =	vst v7;
	v16 =	vunpack.i.l.bf16.f32 v15  }
0x28d: {  	v7 =	vld.idx.msk [tilespmem:v8+s15+$0x0], $0xffff;
	[tilespmem:s5+$0xFFFFFF90] =	vst v14;
	v8 =	vunpack.i.u.bf16.f32 v15;
	v14 =	vmul.f32 v1, v16  }
0x28e: {  	v13 =	vunpack.i.u.bf16.f32 v13;
	v15 =	vld [tilespmem:s8+$0xFFFFFF00];
	[tilespmem:s5+$0x0] =	vst v9;
	v9 =	vmul.f32 v1, v8  }
0x28f: {  	v16 =	vunpack.i.l.bf16.f32 v12;
	v12 =	vunpack.i.u.bf16.f32 v12;
	v8 =	vld.idx.msk [tilespmem:v11+s15+$0x0], $0xffff;
	v11 =	vmul.f32 v5, v13;
	[tilespmem:s5+$0x1A0] =	vst v14  }
0x290: {  	v13 =	vld [tilespmem:s8+$0xFFFFFF50];
	v12 =	vmul.f32 v6, v12;
	[tilespmem:s5+$0x1B0] =	vst v9  }
0x291: {  	v14 =	vmul.f32 v6, v16;
	v9 =	vunpack.i.l.bf16.f32 v10;
	[tilespmem:s5+$0x10] =	vst v11;
	v11 =	vld [tilespmem:s8+$0xE0]  }
0x292: {  	v10 =	vunpack.i.u.bf16.f32 v10;
	[tilespmem:s5+$0x90] =	vst v12;
	v9 =	vmul.f32 v7, v9  }
0x293: {  	[tilespmem:s5+$0x80] =	vst v14;
	v14 =	vunpack.i.l.bf16.f32 v15;
	v10 =	vmul.f32 v7, v10  }
0x294: {  	v12 =	vunpack.i.u.bf16.f32 v15;
	v15 =	vld [tilespmem:s8+$0xFFFFFF90];
	v14 =	vmul.f32 v8, v14;
	[tilespmem:s5+$0x100] =	vst v9  }
0x295: {  	v9 =	vmul.f32 v8, v12;
	v12 =	vunpack.i.l.bf16.f32 v13;
	[tilespmem:s5+$0x110] =	vst v10  }
0x296: {  	v10 =	vld [tilespmem:s8+$0xFFFFFFD0];
	v12 =	vmul.f32 v4, v12;
	[tilespmem:s5+$0xFFFFFE00] =	vst v14;
	v14 =	vunpack.i.l.bf16.f32 v11  }
0x297: {  	[tilespmem:s5+$0xFFFFFE10] =	vst v9;
	v9 =	vunpack.i.u.bf16.f32 v11;
	v11 =	vmul.f32 v1, v14  }
0x298: {  	v13 =	vunpack.i.u.bf16.f32 v13;
	v14 =	vld [tilespmem:s8+$0x10];
	[tilespmem:s5+$0xFFFFFEA0] =	vst v12;
	v9 =	vmul.f32 v1, v9  }
0x299: {  	v12 =	vmul.f32 v4, v13;
	v13 =	vunpack.i.l.bf16.f32 v15;
	[tilespmem:s5+$0x1C0] =	vst v11  }
0x29a: {  	v13 =	vmul.f32 v3, v13;
	v11 =	vunpack.i.u.bf16.f32 v15;
	v15 =	vld [tilespmem:s8+$0x50];
	[tilespmem:s5+$0x1D0] =	vst v9  }
0x29b: {  	[tilespmem:s5+$0xFFFFFEB0] =	vst v12;
	v9 =	vmul.f32 v3, v11;
	v11 =	vunpack.i.l.bf16.f32 v10;
	v12 =	vld [tilespmem:s8+$0xF0]  }
0x29c: {  	v10 =	vunpack.i.u.bf16.f32 v10;
	[tilespmem:s5+$0xFFFFFF20] =	vst v13;
	v11 =	vmul.f32 v2, v11  }
0x29d: {  	v13 =	vld [tilespmem:s8+$0x90];
	v10 =	vmul.f32 v2, v10;
	v16 =	vunpack.i.l.bf16.f32 v14;
	[tilespmem:s5+$0xFFFFFF30] =	vst v9  }
0x29e: {  	v9 =	vunpack.i.u.bf16.f32 v14;
	v14 =	vmul.f32 v5, v16;
	[tilespmem:s5+$0xFFFFFFA0] =	vst v11  }
0x29f: {  	v11 =	vld [tilespmem:s8+$0xFFFFFF10];
	v9 =	vmul.f32 v5, v9;
	[tilespmem:s5+$0xFFFFFFB0] =	vst v10;
	v16 =	vunpack.i.l.bf16.f32 v15  }
0x2a0: {  	v10 =	vmul.f32 v6, v16;
	[tilespmem:s5+$0x20] =	vst v14;
	v14 =	vunpack.i.u.bf16.f32 v12  }
0x2a1: {  	v15 =	vunpack.i.u.bf16.f32 v15;
	v16 =	vld [tilespmem:s8+$0xFFFFFF60];
	[tilespmem:s5+$0x30] =	vst v9;
	v9 =	vmul.f32 v1, v14  }
0x2a2: {  	v14 =	vmul.f32 v6, v15;
	v15 =	vunpack.i.l.bf16.f32 v13;
	[tilespmem:s5+$0xA0] =	vst v10  }
0x2a3: {  	v10 =	vunpack.i.u.bf16.f32 v13;
	v13 =	vmul.f32 v7, v15;
	v15 =	vld [tilespmem:s8+$0xFFFFFFA0];
	[tilespmem:s5+$0x1F0] =	vst v9  }
0x2a4: {  	v9 =	vmul.f32 v7, v10;
	v10 =	vunpack.i.l.bf16.f32 v11;
	[tilespmem:s5+$0xB0] =	vst v14  }
0x2a5: {  	v11 =	vunpack.i.u.bf16.f32 v11;
	v14 =	vld [tilespmem:s8+$0xFFFFFFE0];
	v10 =	vmul.f32 v8, v10;
	[tilespmem:s5+$0x120] =	vst v13  }
0x2a6: {  	v11 =	vmul.f32 v8, v11;
	v13 =	vunpack.i.l.bf16.f32 v16;
	[tilespmem:s5+$0x130] =	vst v9  }
0x2a7: {  	v9 =	vunpack.i.u.bf16.f32 v16;
	v16 =	vld [tilespmem:s8+$0x20];
	v13 =	vmul.f32 v4, v13;
	[tilespmem:s5+$0xFFFFFE20] =	vst v10  }
0x2a8: {  	v9 =	vmul.f32 v4, v9;
	[tilespmem:s5+$0xFFFFFE30] =	vst v11;
	v10 =	vunpack.i.l.bf16.f32 v15  }
0x2a9: {  	v11 =	vunpack.i.u.bf16.f32 v15;
	v15 =	vld [tilespmem:s8+$0x60];
	v10 =	vmul.f32 v3, v10;
	[tilespmem:s5+$0xFFFFFEC0] =	vst v13  }
0x2aa: {  	v11 =	vmul.f32 v3, v11;
	v13 =	vunpack.i.l.bf16.f32 v14;
	[tilespmem:s5+$0xFFFFFED0] =	vst v9  }
0x2ab: {  	v9 =	vunpack.i.u.bf16.f32 v14;
	v14 =	vld [tilespmem:s8+$0xA0];
	v13 =	vmul.f32 v2, v13;
	[tilespmem:s5+$0xFFFFFF40] =	vst v10  }
0x2ac: {  	v9 =	vmul.f32 v2, v9;
	v10 =	vunpack.i.l.bf16.f32 v16;
	[tilespmem:s5+$0xFFFFFF50] =	vst v11  }
0x2ad: {  	v11 =	vunpack.i.u.bf16.f32 v16;
	v16 =	vld [tilespmem:s8+$0xFFFFFF20];
	v10 =	vmul.f32 v5, v10;
	[tilespmem:s5+$0xFFFFFFC0] =	vst v13  }
0x2ae: {  	v11 =	vmul.f32 v5, v11;
	[tilespmem:s5+$0xFFFFFFD0] =	vst v9;
	v13 =	vunpack.i.l.bf16.f32 v15  }
0x2af: {  	v9 =	vunpack.i.u.bf16.f32 v15;
	v15 =	vld [tilespmem:s8+$0xFFFFFF70];
	v13 =	vmul.f32 v6, v13;
	[tilespmem:s5+$0x40] =	vst v10  }
0x2b0: {  	v9 =	vmul.f32 v6, v9;
	v10 =	vunpack.i.l.bf16.f32 v14;
	[tilespmem:s5+$0x50] =	vst v11  }
0x2b1: {  	v11 =	vunpack.i.u.bf16.f32 v14;
	v14 =	vld [tilespmem:s8+$0xFFFFFFB0];
	v10 =	vmul.f32 v7, v10;
	[tilespmem:s5+$0xC0] =	vst v13  }
0x2b2: {  	v11 =	vmul.f32 v7, v11;
	v13 =	vunpack.i.l.bf16.f32 v16;
	[tilespmem:s5+$0xD0] =	vst v9  }
0x2b3: {  	v9 =	vunpack.i.u.bf16.f32 v16;
	v16 =	vld [tilespmem:s8+$0xFFFFFFF0];
	v13 =	vmul.f32 v8, v13;
	[tilespmem:s5+$0x140] =	vst v10  }
0x2b4: {  	v9 =	vmul.f32 v8, v9;
	[tilespmem:s5+$0x150] =	vst v11;
	v10 =	vunpack.i.l.bf16.f32 v15  }
0x2b5: {  	v11 =	vunpack.i.u.bf16.f32 v15;
	v15 =	vld [tilespmem:s8+$0x30];
	v10 =	vmul.f32 v4, v10;
	[tilespmem:s5+$0xFFFFFE40] =	vst v13  }
0x2b6: {  	v4 =	vmul.f32 v4, v11;
	v11 =	vunpack.i.l.bf16.f32 v14;
	[tilespmem:s5+$0xFFFFFE50] =	vst v9  }
0x2b7: {  	v9 =	vunpack.i.u.bf16.f32 v14;
	v13 =	vld [tilespmem:s8+$0x70];
	v11 =	vmul.f32 v3, v11;
	[tilespmem:s5+$0xFFFFFEE0] =	vst v10  }
0x2b8: {  	v3 =	vmul.f32 v3, v9;
	v9 =	vunpack.i.l.bf16.f32 v16;
	[tilespmem:s5+$0xFFFFFEF0] =	vst v4  }
0x2b9: {  	v4 =	vunpack.i.u.bf16.f32 v16;
	v10 =	vld [tilespmem:s8+$0xB0];
	v9 =	vmul.f32 v2, v9;
	[tilespmem:s5+$0xFFFFFF60] =	vst v11  }
0x2ba: {  	v2 =	vmul.f32 v2, v4;
	[tilespmem:s5+$0xFFFFFF70] =	vst v3;
	v4 =	vunpack.i.l.bf16.f32 v15  }
0x2bb: {  	v3 =	vunpack.i.u.bf16.f32 v15;
	v4 =	vmul.f32 v5, v4;
	[tilespmem:s5+$0xFFFFFFE0] =	vst v9  }
0x2bc: {  	v9 =	vld [tilespmem:s8+$0xFFFFFF30];
	v3 =	vmul.f32 v5, v3;
	v5 =	vunpack.i.l.bf16.f32 v13;
	[tilespmem:s5+$0xFFFFFFF0] =	vst v2  }
0x2bd: {  	v2 =	vunpack.i.u.bf16.f32 v13;
	v5 =	vmul.f32 v6, v5;
	[tilespmem:s5+$0x60] =	vst v4  }
0x2be: {  	v2 =	vmul.f32 v6, v2;
	v4 =	vunpack.i.l.bf16.f32 v10;
	[tilespmem:s5+$0x70] =	vst v3  }
0x2bf: {  	v3 =	vunpack.i.u.bf16.f32 v10;
	v4 =	vmul.f32 v7, v4;
	[tilespmem:s5+$0xE0] =	vst v5  }
0x2c0: {  	v5 =	vunpack.i.l.bf16.f32 v12;
	v3 =	vmul.f32 v7, v3;
	[tilespmem:s5+$0xF0] =	vst v2  }
0x2c1: {  	v1 =	vmul.f32 v1, v5;
	v2 =	vunpack.i.l.bf16.f32 v9;
	[tilespmem:s5+$0x160] =	vst v4  }
0x2c2: {  	v4 =	vunpack.i.u.bf16.f32 v9;
	[tilespmem:s5+$0x170] =	vst v3;
	v2 =	vmul.f32 v8, v2  }
0x2c3: {  	v3 =	vmul.f32 v8, v4;
	[tilespmem:s5+$0x1E0] =	vst v1  }
0x2c4: {  	p0 =	seq.s32 s7, $0x139;
	[tilespmem:s5+$0xFFFFFE60] =	vst v2  }
0x2c5: {  	s19 =	simm.s32 $0x118;
	s8 =	sadd.s32 @!p0 s18, s13;
	[tilespmem:s5+$0xFFFFFE70] =	vst v3;
	s5 =	simm.s32 @p0 $0x2  }
0x2c6: {  	[spmem:s4] =	stream.indirect.scatter.add.f32 [tilespmem:s29], [sflag:$0x3], $0x80, s19, s22, $0xb8;
	[tilespmem:$0x1FEA0] =	vst v63  }
0x2c7: {  	s8 =	smul.u32 @!p0 $0xF, s8;
	_ =	swait.ge @p0 [sflag:s5], $0xA00  }
0x2c8: {  	[sflag:s5] =	ssyncset.done @p0 $0x0  }
0x2c9: {  	[sflag:s5] =	ssyncadd.s32 @p0 $0xFFFFF600;
	s5 =	sadd.s32 @!p0 s0, s8;
	s8 =	simm.s32 @!p0 $0x0  }
0x2ca: {  	[tilespmem:s8], [sflag:$0x4] =	stream.linear.gather @!p0 [hbm4b:s5+s8], $0x78, $0x38;
	[tilespmem:$0x1FEA0] =	vst v63  }
0x2cb: {  	s5 =	simm.s32 @!p0 $0x2  }
0x2cc: {  	s21 =	simm.s32 $0x7;
	_ =	swait.ge @!p0 [sflag:s5], $0xA00  }
0x2cd: {  	s23 =	simm.s32 $0x1;
	v1 =	vmov s21;
	[sflag:s5] =	ssyncset.done @!p0 $0x0  }
0x2ce: {  	v1 =	vshrl.u32 v1, $0x3;
	v2 =	vmov s23;
	[sflag:s5] =	ssyncadd.s32 @!p0 $0xFFFFF600;
	s5 =	simm.s32 @!p0 $0x4  }
0x2cf: {  	s21 =	simm.s32 $0x2;
	v1 =	vshll.u32 v1, v0;
	v2 =	vshrl.u32 v2, $0x3;
	_ =	swait.ge @!p0 [sflag:s5], $0x78  }
0x2d0: {  	v3 =	vmov s21;
	v1 =	vadd.s32 $0x7, v1;
	v2 =	vshll.u32 v2, v0;
	[sflag:s5] =	ssyncset.done @!p0 $0x0  }
0x2d1: {  	s16 =	simm.s32 @!p0 $0x1E0;
	v3 =	vshrl.u32 v3, $0x3;
	v1 =	vbroadcast v1, $0x0;
	v2 =	vadd.s32 $0x1, v2;
	[sflag:s5] =	ssyncadd.s32 @!p0 $0xFFFFFF88;
	s5 =	simm.s32 @!p0 $0x28  }
0x2d2: {  	v3 =	vshll.u32 v3, v0;
	v2 =	vbroadcast v2, $0x0;
	[tilespmem:s16], [sflag:$0x1] =	stream.indirect.gather @!p0 [spmem:s3], $0x40, s8, s5, $0xb8;
	[tilespmem:$0x1FEA0] =	vst v63  }
0x2d3: {  	s23 =	simm.s32 $0x3;
	s19 =	simm.s32 $0x4;
	v3 =	vadd.s32 $0x2, v3;
	_ =	swait.ge [sflag:s2], $0x1400  }
0x2d4: {  	v4 =	vmov s23;
	v5 =	vmov s19;
	v3 =	vbroadcast v3, $0x0;
	[sflag:s2] =	ssyncset.done $0x0  }
0x2d5: {  	v4 =	vshrl.u32 v4, $0x3;
	v5 =	vshrl.u32 v5, $0x3;
	s8 =	simm.s32 $0xDD0;
	[sflag:s2] =	ssyncadd.s32 $0xFFFFEC00  }
0x2d6: {  	v4 =	vshll.u32 v4, v0;
	v5 =	vshll.u32 v5, v0;
	v9 =	vld [tilespmem:s8+$0xFFFFFFD0]  }
0x2d7: {  	v4 =	vadd.s32 $0x3, v4;
	v6 =	vadd.s32 $0x4, v5;
	v5 =	vld.idx.msk [tilespmem:v1+s17+$0x0], $0xffff  }
0x2d8: {  	v4 =	vbroadcast v4, $0x0;
	v8 =	vld.idx.msk [tilespmem:v2+s17+$0x0], $0xffff  }
0x2d9: {  	s21 =	simm.s32 $0x5;
	s23 =	simm.s32 $0x6;
	v10 =	vld [tilespmem:s8+$0xFFFFFE50]  }
0x2da: {  	v2 =	vmov s21;
	v7 =	vld.idx.msk [tilespmem:v3+s17+$0x0], $0xffff;
	v3 =	vmov s23  }
0x2db: {  	v2 =	vshrl.u32 v2, $0x3;
	v3 =	vshrl.u32 v3, $0x3  }
0x2dc: {  	v1 =	vbroadcast v6, $0x0;
	v11 =	vld [tilespmem:s8+$0xFFFFFE90];
	v2 =	vshll.u32 v2, v0;
	v3 =	vshll.u32 v3, v0  }
0x2dd: {  	v13 =	vld [tilespmem:s8+$0xFFFFFED0];
	v2 =	vadd.s32 $0x5, v2;
	v3 =	vadd.s32 $0x6, v3;
	v12 =	vunpack.i.l.bf16.f32 v9  }
0x2de: {  	s16 =	simm.s32 $0x0;
	v6 =	vld.idx.msk [tilespmem:v4+s17+$0x0], $0xffff;
	v2 =	vbroadcast v2, $0x0;
	v4 =	vunpack.i.u.bf16.f32 v9;
	v9 =	vmul.f32 v5, v12  }
0x2df: {  	s19 =	simm.s32 $0x17E0;
	v14 =	vunpack.i.l.bf16.f32 v10;
	v12 =	vmov s16;
	v4 =	vmul.f32 v5, v4  }
0x2e0: {  	v10 =	vunpack.i.u.bf16.f32 v10;
	v14 =	vmul.f32 v8, v14;
	v12 =	vshrl.u32 v12, $0x3;
	[tilespmem:s19+$0x180] =	vst v9  }
0x2e1: {  	v3 =	vbroadcast v3, $0x0;
	v10 =	vmul.f32 v8, v10;
	v9 =	vld [tilespmem:s8+$0xFFFFFF10];
	[tilespmem:s19+$0x190] =	vst v4;
	v4 =	vshll.u32 v12, v0  }
0x2e2: {  	v1 =	vld.idx.msk [tilespmem:v1+s17+$0x0], $0xffff;
	v12 =	vunpack.i.l.bf16.f32 v11;
	[tilespmem:s19+$0xFFFFFE80] =	vst v14;
	v14 =	vunpack.i.l.bf16.f32 v13;
	v13 =	vunpack.i.u.bf16.f32 v13  }
0x2e3: {  	v15 =	vld [tilespmem:s8+$0xFFFFFFE0];
	v16 =	vbroadcast v4, $0x0;
	v4 =	vunpack.i.u.bf16.f32 v11;
	v11 =	vmul.f32 v7, v12  }
0x2e4: {  	v17 =	vld [tilespmem:s8+$0xFFFFFF50];
	[tilespmem:s19+$0xFFFFFE90] =	vst v10;
	v13 =	vmul.f32 v6, v13  }
0x2e5: {  	v12 =	vld [tilespmem:s8+$0xFFFFFE10];
	v10 =	vmul.f32 v7, v4;
	[tilespmem:s19+$0xFFFFFF00] =	vst v11  }
0x2e6: {  	v4 =	vld.idx.msk [tilespmem:v2+s17+$0x0], $0xffff;
	v11 =	vmul.f32 v6, v14;
	[tilespmem:s19+$0xFFFFFF90] =	vst v13;
	v2 =	vunpack.i.l.bf16.f32 v9  }
0x2e7: {  	[tilespmem:s19+$0xFFFFFF10] =	vst v10;
	v10 =	vld [tilespmem:s8+$0xFFFFFF90];
	v9 =	vunpack.i.u.bf16.f32 v9;
	v14 =	vmul.f32 v1, v2  }
0x2e8: {  	v3 =	vld.idx.msk [tilespmem:v3+s17+$0x0], $0xffff;
	[tilespmem:s19+$0xFFFFFF80] =	vst v11;
	v2 =	vunpack.i.l.bf16.f32 v15;
	v9 =	vmul.f32 v1, v9  }
0x2e9: {  	v11 =	vunpack.i.u.bf16.f32 v15;
	v15 =	vld [tilespmem:s8+$0xFFFFFE60];
	v13 =	vmul.f32 v5, v2;
	[tilespmem:s19+$0x0] =	vst v14  }
0x2ea: {  	v2 =	vld.idx.msk [tilespmem:v16+s17+$0x0], $0xffff;
	v11 =	vmul.f32 v5, v11;
	v14 =	vunpack.i.l.bf16.f32 v17;
	[tilespmem:s19+$0x10] =	vst v9  }
0x2eb: {  	[tilespmem:s19+$0x1A0] =	vst v13;
	v13 =	vunpack.i.u.bf16.f32 v17;
	v14 =	vmul.f32 v4, v14  }
0x2ec: {  	v16 =	vld [tilespmem:s8+$0xFFFFFEA0];
	[tilespmem:s19+$0x1B0] =	vst v11;
	v11 =	vunpack.i.l.bf16.f32 v10;
	v13 =	vmul.f32 v4, v13  }
0x2ed: {  	v10 =	vunpack.i.u.bf16.f32 v10;
	v9 =	vld [tilespmem:s8+$0xFFFFFFF0];
	v11 =	vmul.f32 v3, v11;
	[tilespmem:s19+$0x80] =	vst v14  }
0x2ee: {  	v17 =	vld [tilespmem:s8+$0xFFFFFEE0];
	v10 =	vmul.f32 v3, v10;
	v14 =	vunpack.i.l.bf16.f32 v12;
	v12 =	vunpack.i.u.bf16.f32 v12;
	[tilespmem:s19+$0x90] =	vst v13  }
0x2ef: {  	v13 =	vmul.f32 v2, v14;
	[tilespmem:s19+$0x100] =	vst v11;
	v11 =	vmul.f32 v2, v12;
	v12 =	vunpack.i.l.bf16.f32 v15  }
0x2f0: {  	v14 =	vunpack.i.u.bf16.f32 v15;
	v15 =	vld [tilespmem:s8+$0xFFFFFF20];
	[tilespmem:s19+$0x110] =	vst v10;
	v10 =	vmul.f32 v8, v12  }
0x2f1: {  	v14 =	vmul.f32 v8, v14;
	v12 =	vunpack.i.u.bf16.f32 v16;
	v18 =	vld [tilespmem:s8+$0xFFFFFF60];
	v16 =	vunpack.i.l.bf16.f32 v16;
	[tilespmem:s19+$0xFFFFFE00] =	vst v13  }
0x2f2: {  	v19 =	vld [tilespmem:s8+$0xFFFFFFA0];
	v13 =	vunpack.i.l.bf16.f32 v9;
	v9 =	vunpack.i.u.bf16.f32 v9;
	[tilespmem:s19+$0xFFFFFEA0] =	vst v10;
	v10 =	vmul.f32 v7, v12  }
0x2f3: {  	[tilespmem:s19+$0xFFFFFE10] =	vst v11;
	v11 =	vmul.f32 v5, v13;
	v13 =	vmul.f32 v7, v16;
	v16 =	vunpack.i.l.bf16.f32 v17  }
0x2f4: {  	v12 =	vunpack.i.u.bf16.f32 v17;
	[tilespmem:s19+$0xFFFFFEB0] =	vst v14;
	v9 =	vmul.f32 v5, v9;
	v17 =	vld [tilespmem:s8+$0xFFFFFE20];
	v16 =	vmul.f32 v6, v16  }
0x2f5: {  	v21 =	vld [tilespmem:s8+$0xFFFFFE70];
	[tilespmem:s19+$0x1C0] =	vst v11;
	v11 =	vmul.f32 v6, v12;
	v12 =	vunpack.i.u.bf16.f32 v15;
	v15 =	vunpack.i.l.bf16.f32 v15  }
0x2f6: {  	[tilespmem:s19+$0x1D0] =	vst v9;
	v9 =	vmul.f32 v1, v12;
	v12 =	vmul.f32 v1, v15;
	v15 =	vunpack.i.l.bf16.f32 v18  }
0x2f7: {  	[tilespmem:s19+$0xFFFFFF30] =	vst v10;
	v20 =	vunpack.i.l.bf16.f32 v19;
	v18 =	vunpack.i.u.bf16.f32 v18;
	v15 =	vmul.f32 v4, v15  }
0x2f8: {  	s23 =	simm.s32 $0xA;
	[tilespmem:s19+$0xFFFFFF20] =	vst v13;
	v14 =	vld [tilespmem:s8+$0x0];
	v13 =	vmul.f32 v4, v18;
	v18 =	vunpack.i.u.bf16.f32 v19;
	v19 =	vmul.f32 v3, v20  }
0x2f9: {  	[tilespmem:s19+$0xFFFFFFB0] =	vst v11;
	v11 =	vmov s23;
	v10 =	vmul.f32 v3, v18;
	v18 =	vunpack.i.u.bf16.f32 v17  }
0x2fa: {  	[tilespmem:s19+$0xFFFFFFA0] =	vst v16;
	v20 =	vld [tilespmem:s8+$0xFFFFFEB0];
	v17 =	vunpack.i.l.bf16.f32 v17;
	v23 =	vunpack.i.u.bf16.f32 v21;
	v21 =	vunpack.i.l.bf16.f32 v21  }
0x2fb: {  	s21 =	simm.s32 $0x9;
	v22 =	vld [tilespmem:s8+$0xFFFFFEF0];
	[tilespmem:s19+$0x20] =	vst v12;
	v11 =	vshrl.u32 v11, $0x3;
	v16 =	vmul.f32 v2, v17;
	v17 =	vmul.f32 v2, v18  }
0x2fc: {  	[tilespmem:s19+$0x30] =	vst v9;
	v18 =	vmov s21;
	v21 =	vmul.f32 v8, v21;
	v23 =	vmul.f32 v8, v23  }
0x2fd: {  	s16 =	simm.s32 $0xB;
	[tilespmem:s19+$0xB0] =	vst v13;
	v11 =	vshll.u32 v11, v0;
	v13 =	vshrl.u32 v18, $0x3;
	v12 =	vunpack.i.u.bf16.f32 v14  }
0x2fe: {  	v24 =	vld [tilespmem:s8+$0xFFFFFF30];
	[tilespmem:s19+$0xA0] =	vst v15;
	v14 =	vunpack.i.l.bf16.f32 v14;
	v9 =	vmul.f32 v5, v12;
	v12 =	vmov s16  }
0x2ff: {  	[tilespmem:s19+$0x120] =	vst v19;
	v15 =	vunpack.i.u.bf16.f32 v20;
	v20 =	vunpack.i.l.bf16.f32 v20;
	v5 =	vmul.f32 v5, v14  }
0x300: {  	[tilespmem:s19+$0x130] =	vst v10;
	v14 =	vmul.f32 v7, v20;
	v18 =	vunpack.i.u.bf16.f32 v22;
	v20 =	vunpack.i.l.bf16.f32 v22;
	v22 =	vld [tilespmem:s8+$0xFFFFFF70]  }
0x301: {  	s21 =	simm.s32 $0xC;
	[tilespmem:s19+$0xFFFFFE20] =	vst v16;
	v13 =	vshll.u32 v13, v0;
	v15 =	vmul.f32 v7, v15;
	v10 =	vshrl.u32 v12, $0x3  }
0x302: {  	[tilespmem:s19+$0x1F0] =	vst v9;
	v9 =	vmov s21;
	v19 =	vmul.f32 v6, v20;
	v18 =	vmul.f32 v6, v18;
	v20 =	vld [tilespmem:s8+$0xFFFFFFB0]  }
0x303: {  	[tilespmem:s19+$0xFFFFFE30] =	vst v17;
	v12 =	vunpack.i.u.bf16.f32 v24;
	v16 =	vunpack.i.l.bf16.f32 v24;
	v17 =	vshll.u32 v10, v0  }
0x304: {  	[tilespmem:s19+$0xFFFFFEC0] =	vst v21;
	v63 =	vld [tilespmem:s8+$0xFFFFFE30];
	v9 =	vshrl.u32 v9, $0x3;
	v16 =	vmul.f32 v1, v16;
	v12 =	vmul.f32 v1, v12  }
0x305: {  	[tilespmem:s19+$0xFFFFFED0] =	vst v23;
	v21 =	vshll.u32 v9, v0;
	v9 =	vunpack.i.u.bf16.f32 v22;
	v10 =	vunpack.i.l.bf16.f32 v22  }
0x306: {  	v13 =	vadd.s32 $0x1, v13;
	[tilespmem:s19+$0xFFFFFF40] =	vst v14;
	v22 =	vld [tilespmem:s8+$0xFFFFFE80];
	v23 =	vmul.f32 v4, v10;
	v25 =	vmul.f32 v4, v9  }
0x307: {  	[tilespmem:s19+$0xFFFFFF50] =	vst v15;
	v9 =	vbroadcast v13, $0x0;
	v10 =	vunpack.i.u.bf16.f32 v20;
	v13 =	vunpack.i.l.bf16.f32 v20  }
0x308: {  	v11 =	vadd.s32 $0x2, v11;
	[tilespmem:s19+$0xFFFFFFC0] =	vst v19;
	v20 =	vld [tilespmem:s8+$0xFFFFFEC0];
	v26 =	vmul.f32 v3, v13;
	v27 =	vmul.f32 v3, v10  }
0x309: {  	[tilespmem:s19+$0xFFFFFFD0] =	vst v18;
	v10 =	vbroadcast v11, $0x0;
	v11 =	vunpack.i.u.bf16.f32 v63;
	v13 =	vunpack.i.l.bf16.f32 v63  }
0x30a: {  	v14 =	vadd.s32 $0x3, v17;
	v18 =	vld [tilespmem:s8+$0xFFFFFF00];
	[tilespmem:s19+$0x40] =	vst v16;
	v17 =	vmul.f32 v2, v13;
	v13 =	vmul.f32 v2, v11  }
0x30b: {  	[tilespmem:s19+$0x50] =	vst v12;
	v11 =	vbroadcast v14, $0x0;
	v14 =	vunpack.i.u.bf16.f32 v22;
	v15 =	vunpack.i.l.bf16.f32 v22  }
0x30c: {  	v12 =	vadd.s32 $0x4, v21;
	[tilespmem:s19+$0xC0] =	vst v23;
	v15 =	vmul.f32 v8, v15;
	v14 =	vmul.f32 v8, v14;
	v8 =	vld [tilespmem:s8+$0xFFFFFF40]  }
0x30d: {  	s23 =	simm.s32 $0xF;
	v12 =	vbroadcast v12, $0x0;
	[tilespmem:s19+$0xD0] =	vst v25;
	v16 =	vunpack.i.u.bf16.f32 v20;
	v19 =	vunpack.i.l.bf16.f32 v20  }
0x30e: {  	[tilespmem:s19+$0x140] =	vst v26;
	v20 =	vmov s23;
	v19 =	vmul.f32 v7, v19;
	v16 =	vmul.f32 v7, v16;
	v7 =	vld [tilespmem:s8+$0xFFFFFF80]  }
0x30f: {  	[tilespmem:s19+$0x150] =	vst v27;
	v22 =	vunpack.i.u.bf16.f32 v18;
	v18 =	vunpack.i.l.bf16.f32 v18;
	v20 =	vshrl.u32 v20, $0x3  }
0x310: {  	s16 =	simm.s32 $0x17E0;
	s21 =	simm.s32 $0x8;
	[tilespmem:s19+$0xFFFFFE40] =	vst v17;
	s23 =	simm.s32 $0x10;
	v17 =	vmul.f32 v6, v22;
	v21 =	vshll.u32 v20, v0;
	v20 =	vmul.f32 v6, v18;
	v18 =	vld [tilespmem:s8+$0xFFFFFFC0]  }
.LBB2_9:
0x311: {  	p1 =	slt.u32 s23, $0x20;
	v6 =	vadd.s32 $0x7, v21;
	[tilespmem:s19+$0xFFFFFE50] =	vst v13;
	v13 =	vunpack.i.u.bf16.f32 v8;
	v8 =	vunpack.i.l.bf16.f32 v8  }
0x312: {  	v21 =	vbroadcast v6, $0x0;
	v22 =	vld [tilespmem:s8+$0xFFFFFE40];
	[tilespmem:s19+$0xFFFFFEE0] =	vst v15;
	v15 =	vmul.f32 v1, v8  }
0x313: {  	s5 =	sadd.s32 $0x5, s21;
	v13 =	vmul.f32 v1, v13;
	v8 =	vld.idx.msk [tilespmem:v9+s17+$0x0], $0xffff;
	[tilespmem:s19+$0xFFFFFEF0] =	vst v14;
	v1 =	vunpack.i.u.bf16.f32 v7;
	v6 =	vunpack.i.l.bf16.f32 v7  }
0x314: {  	v9 =	vmov s5;
	s5 =	sadd.s32 $0x6, s21;
	v7 =	vld.idx.msk [tilespmem:v10+s17+$0x0], $0xffff;
	[tilespmem:s19+$0xFFFFFF60] =	vst v19;
	v10 =	vmul.f32 v4, v6;
	v4 =	vmul.f32 v4, v1  }
0x315: {  	v6 =	vld.idx.msk [tilespmem:v11+s17+$0x0], $0xffff;
	v11 =	vmov s5;
	[tilespmem:s19+$0xFFFFFF70] =	vst v16;
	v14 =	vunpack.i.u.bf16.f32 v18;
	v16 =	vunpack.i.l.bf16.f32 v18  }
0x316: {  	s8 =	sadd.s32 $0x200, s8;
	v9 =	vshrl.u32 v9, $0x3;
	v1 =	vld.idx.msk [tilespmem:v12+s17+$0x0], $0xffff;
	[tilespmem:s19+$0xFFFFFFE0] =	vst v20;
	v12 =	vmul.f32 v3, v16;
	v3 =	vmul.f32 v3, v14  }
0x317: {  	v14 =	vshll.u32 v9, v0;
	v16 =	vld [tilespmem:s8+$0xFFFFFFD0];
	v18 =	vunpack.i.u.bf16.f32 v22;
	v19 =	vunpack.i.l.bf16.f32 v22;
	[tilespmem:s19+$0xFFFFFFF0] =	vst v17  }
0x318: {  	v11 =	vshrl.u32 v11, $0x3;
	v9 =	vld.idx.msk [tilespmem:v21+s17+$0x0], $0xffff;
	v17 =	vmul.f32 v2, v19;
	v2 =	vmul.f32 v2, v18;
	[tilespmem:s19+$0x60] =	vst v15  }
0x319: {  	v14 =	vadd.s32 $0x5, v14;
	v11 =	vshll.u32 v11, v0;
	v15 =	vld [tilespmem:s8+$0xFFFFFE10];
	[tilespmem:s19+$0x70] =	vst v13  }
0x31a: {  	v14 =	vbroadcast v14, $0x0;
	v11 =	vadd.s32 $0x6, v11;
	v13 =	vmov s21;
	s21 =	smov.u32 s23;
	v18 =	vld [tilespmem:s8+$0xFFFFFE50];
	[tilespmem:s19+$0xE0] =	vst v10  }
0x31b: {  	v11 =	vbroadcast v11, $0x0;
	v10 =	vshrl.u32 v13, $0x3;
	v13 =	vld [tilespmem:s8+$0xFFFFFE90];
	[tilespmem:s19+$0xF0] =	vst v4  }
0x31c: {  	v4 =	vshll.u32 v10, v0;
	v10 =	vld [tilespmem:s8+$0xFFFFFED0];
	[tilespmem:s19+$0x160] =	vst v12  }
0x31d: {  	v12 =	vbroadcast v4, $0x0;
	v4 =	vunpack.i.l.bf16.f32 v16;
	v19 =	vld [tilespmem:s8+$0xFFFFFF10];
	[tilespmem:s19+$0x170] =	vst v3  }
0x31e: {  	v3 =	vunpack.i.u.bf16.f32 v16;
	v16 =	vmul.f32 v9, v4;
	v20 =	vunpack.i.u.bf16.f32 v15;
	v21 =	vld [tilespmem:s8+$0xFFFFFF50];
	[tilespmem:s19+$0x1E0] =	vst v5  }
0x31f: {  	v5 =	vunpack.i.l.bf16.f32 v15;
	v23 =	vmul.f32 v9, v3;
	s19 =	sadd.s32 $0x400, s19;
	v15 =	vunpack.i.u.bf16.f32 v18;
	v22 =	vld [tilespmem:s8+$0xFFFFFF90];
	[tilespmem:s16+$0xFFFFFE60] =	vst v17  }
0x320: {  	v3 =	vunpack.i.l.bf16.f32 v18;
	v17 =	vunpack.i.u.bf16.f32 v13;
	v13 =	vunpack.i.l.bf16.f32 v13;
	v4 =	vld.idx.msk [tilespmem:v14+s17+$0x0], $0xffff;
	[tilespmem:s19+$0x180] =	vst v16  }
0x321: {  	v14 =	vmul.f32 v8, v3;
	v16 =	vunpack.i.u.bf16.f32 v10;
	v10 =	vunpack.i.l.bf16.f32 v10;
	v3 =	vld.idx.msk [tilespmem:v11+s17+$0x0], $0xffff;
	[tilespmem:s19+$0x190] =	vst v23  }
0x322: {  	v11 =	vmul.f32 v8, v15;
	v15 =	vunpack.i.u.bf16.f32 v19;
	v18 =	vunpack.i.l.bf16.f32 v19;
	v19 =	vld [tilespmem:s8+$0xFFFFFFE0];
	[tilespmem:s16+$0xFFFFFE70] =	vst v2;
	s16 =	smov.u32 s19  }
0x323: {  	v13 =	vmul.f32 v7, v13;
	[tilespmem:s19+$0xFFFFFE80] =	vst v14;
	v14 =	vunpack.i.u.bf16.f32 v21;
	v21 =	vunpack.i.l.bf16.f32 v21  }
0x324: {  	v2 =	vld.idx.msk [tilespmem:v12+s17+$0x0], $0xffff;
	[tilespmem:s19+$0xFFFFFE90] =	vst v11;
	v11 =	vmul.f32 v7, v17;
	v12 =	vunpack.i.u.bf16.f32 v22;
	v17 =	vunpack.i.l.bf16.f32 v22  }
0x325: {  	v10 =	vmul.f32 v6, v10;
	v22 =	vld [tilespmem:s8+$0xFFFFFE60];
	[tilespmem:s19+$0xFFFFFF00] =	vst v13;
	v13 =	vmul.f32 v6, v16  }
0x326: {  	v15 =	vmul.f32 v1, v15;
	[tilespmem:s19+$0xFFFFFF10] =	vst v11;
	v11 =	vmul.f32 v1, v18  }
0x327: {  	v14 =	vmul.f32 v4, v14;
	v16 =	vld [tilespmem:s8+$0xFFFFFEA0];
	[tilespmem:s19+$0xFFFFFF80] =	vst v10;
	v10 =	vmul.f32 v4, v21;
	v18 =	vunpack.i.l.bf16.f32 v19  }
0x328: {  	[tilespmem:s19+$0xFFFFFF90] =	vst v13;
	v13 =	vmul.f32 v3, v17;
	v17 =	vunpack.i.u.bf16.f32 v19;
	v18 =	vmul.f32 v9, v18  }
0x329: {  	v19 =	vld [tilespmem:s8+$0xFFFFFEE0];
	[tilespmem:s19+$0x0] =	vst v11;
	v11 =	vmul.f32 v3, v12;
	v12 =	vmul.f32 v9, v17  }
0x32a: {  	v5 =	vmul.f32 v2, v5;
	v17 =	vmul.f32 v2, v20;
	v20 =	vunpack.i.u.bf16.f32 v22;
	[tilespmem:s19+$0x1A0] =	vst v18  }
0x32b: {  	v18 =	vunpack.i.l.bf16.f32 v22;
	v20 =	vmul.f32 v8, v20;
	[tilespmem:s19+$0x1B0] =	vst v12  }
0x32c: {  	v12 =	vmul.f32 v8, v18;
	v18 =	vunpack.i.u.bf16.f32 v16;
	v16 =	vunpack.i.l.bf16.f32 v16;
	[tilespmem:s19+$0x10] =	vst v15;
	v15 =	vld [tilespmem:s8+$0xFFFFFFF0]  }
0x32d: {  	v16 =	vmul.f32 v7, v16;
	v18 =	vmul.f32 v7, v18;
	v21 =	vld [tilespmem:s8+$0xFFFFFF20];
	[tilespmem:s19+$0x80] =	vst v10  }
0x32e: {  	v10 =	vunpack.i.u.bf16.f32 v19;
	v19 =	vunpack.i.l.bf16.f32 v19;
	[tilespmem:s19+$0x90] =	vst v14  }
0x32f: {  	v14 =	vmul.f32 v6, v19;
	v10 =	vmul.f32 v6, v10;
	v19 =	vld [tilespmem:s8+$0xFFFFFF60];
	[tilespmem:s19+$0x100] =	vst v13  }
0x330: {  	[tilespmem:s19+$0x110] =	vst v11  }
0x331: {  	[tilespmem:s19+$0xFFFFFE00] =	vst v5;
	v5 =	vld [tilespmem:s8+$0xFFFFFFA0];
	v11 =	vunpack.i.l.bf16.f32 v15  }
0x332: {  	v15 =	vunpack.i.u.bf16.f32 v15;
	[tilespmem:s19+$0xFFFFFE10] =	vst v17;
	v13 =	vunpack.i.u.bf16.f32 v21;
	v11 =	vmul.f32 v9, v11  }
0x333: {  	v15 =	vmul.f32 v9, v15;
	v17 =	vld [tilespmem:s8+$0xFFFFFE20];
	[tilespmem:s19+$0xFFFFFEA0] =	vst v12;
	v12 =	vunpack.i.l.bf16.f32 v21;
	v13 =	vmul.f32 v1, v13  }
0x334: {  	v12 =	vmul.f32 v1, v12;
	v21 =	vunpack.i.u.bf16.f32 v19;
	v19 =	vunpack.i.l.bf16.f32 v19;
	[tilespmem:s19+$0x1C0] =	vst v11  }
0x335: {  	v11 =	vmul.f32 v4, v19;
	v19 =	vmul.f32 v4, v21;
	[tilespmem:s19+$0x1D0] =	vst v15  }
0x336: {  	[tilespmem:s19+$0xFFFFFEB0] =	vst v20;
	v15 =	vunpack.i.u.bf16.f32 v5;
	v5 =	vunpack.i.l.bf16.f32 v5;
	v20 =	vld [tilespmem:s8+$0x0]  }
0x337: {  	v21 =	vld [tilespmem:s8+$0xFFFFFE70];
	[tilespmem:s19+$0xFFFFFF20] =	vst v16;
	v16 =	vmul.f32 v3, v5;
	v15 =	vmul.f32 v3, v15  }
0x338: {  	v5 =	vunpack.i.u.bf16.f32 v17;
	v17 =	vunpack.i.l.bf16.f32 v17;
	[tilespmem:s19+$0xFFFFFF30] =	vst v18  }
0x339: {  	s5 =	sadd.s32 $0x1, s23;
	v17 =	vmul.f32 v2, v17;
	v18 =	vmul.f32 v2, v5;
	v5 =	vld [tilespmem:s8+$0xFFFFFEB0];
	[tilespmem:s19+$0xFFFFFFA0] =	vst v14  }
0x33a: {  	v14 =	vmov s5;
	s5 =	sadd.s32 $0x2, s23;
	[tilespmem:s19+$0xFFFFFFB0] =	vst v10  }
0x33b: {  	v10 =	vmov s5;
	v22 =	vld [tilespmem:s8+$0xFFFFFEF0];
	[tilespmem:s19+$0x20] =	vst v12;
	v12 =	vunpack.i.u.bf16.f32 v20;
	v20 =	vunpack.i.l.bf16.f32 v20  }
0x33c: {  	s5 =	sadd.s32 $0x3, s23;
	v23 =	vunpack.i.u.bf16.f32 v21;
	v21 =	vunpack.i.l.bf16.f32 v21;
	[tilespmem:s19+$0x30] =	vst v13;
	v12 =	vmul.f32 v9, v12  }
0x33d: {  	v13 =	vmov s5;
	v21 =	vmul.f32 v8, v21;
	v23 =	vmul.f32 v8, v23;
	v24 =	vld [tilespmem:s8+$0xFFFFFF30];
	[tilespmem:s19+$0xA0] =	vst v11  }
0x33e: {  	s5 =	sadd.s32 $0x4, s23;
	v11 =	vunpack.i.u.bf16.f32 v5;
	v25 =	vunpack.i.l.bf16.f32 v5;
	v5 =	vmul.f32 v9, v20;
	[tilespmem:s19+$0x1F0] =	vst v12  }
0x33f: {  	v9 =	vmov s5;
	v12 =	vmul.f32 v7, v25;
	v11 =	vmul.f32 v7, v11;
	[tilespmem:s19+$0xB0] =	vst v19  }
0x340: {  	v14 =	vshrl.u32 v14, $0x3;
	v19 =	vunpack.i.u.bf16.f32 v22;
	v20 =	vunpack.i.l.bf16.f32 v22;
	v22 =	vld [tilespmem:s8+$0xFFFFFF70];
	[tilespmem:s19+$0x120] =	vst v16  }
0x341: {  	v10 =	vshrl.u32 v10, $0x3;
	v16 =	vmul.f32 v6, v20;
	v19 =	vmul.f32 v6, v19;
	[tilespmem:s19+$0x130] =	vst v15  }
0x342: {  	v13 =	vshrl.u32 v13, $0x3;
	[tilespmem:s19+$0xFFFFFE20] =	vst v17;
	v15 =	vunpack.i.u.bf16.f32 v24;
	v17 =	vunpack.i.l.bf16.f32 v24;
	v20 =	vld [tilespmem:s8+$0xFFFFFFB0]  }
0x343: {  	v9 =	vshrl.u32 v9, $0x3;
	[tilespmem:s19+$0xFFFFFE30] =	vst v18;
	v17 =	vmul.f32 v1, v17;
	v15 =	vmul.f32 v1, v15  }
0x344: {  	v14 =	vshll.u32 v14, v0;
	v10 =	vshll.u32 v10, v0;
	v13 =	vshll.u32 v13, v0;
	v18 =	vld [tilespmem:s8+$0xFFFFFE30];
	[tilespmem:s19+$0xFFFFFEC0] =	vst v21  }
0x345: {  	v21 =	vshll.u32 v9, v0;
	[tilespmem:s19+$0xFFFFFED0] =	vst v23;
	v9 =	vunpack.i.u.bf16.f32 v22;
	v22 =	vunpack.i.l.bf16.f32 v22  }
0x346: {  	v14 =	vadd.s32 $0x1, v14;
	v23 =	vld [tilespmem:s8+$0xFFFFFE80];
	[tilespmem:s19+$0xFFFFFF40] =	vst v12;
	v12 =	vmul.f32 v4, v22;
	v22 =	vmul.f32 v4, v9  }
0x347: {  	v9 =	vbroadcast v14, $0x0;
	[tilespmem:s19+$0xFFFFFF50] =	vst v11;
	v11 =	vunpack.i.u.bf16.f32 v20;
	v14 =	vunpack.i.l.bf16.f32 v20  }
0x348: {  	v10 =	vadd.s32 $0x2, v10;
	v20 =	vld [tilespmem:s8+$0xFFFFFEC0];
	[tilespmem:s19+$0xFFFFFFC0] =	vst v16;
	v24 =	vmul.f32 v3, v14;
	v25 =	vmul.f32 v3, v11  }
0x349: {  	v10 =	vbroadcast v10, $0x0;
	v11 =	vunpack.i.u.bf16.f32 v18;
	v14 =	vunpack.i.l.bf16.f32 v18;
	[tilespmem:s19+$0xFFFFFFD0] =	vst v19  }
0x34a: {  	v16 =	vadd.s32 $0x3, v13;
	v18 =	vmul.f32 v2, v14;
	v13 =	vmul.f32 v2, v11;
	v26 =	vld [tilespmem:s8+$0xFFFFFF00];
	[tilespmem:s19+$0x40] =	vst v17  }
0x34b: {  	v11 =	vbroadcast v16, $0x0;
	v14 =	vunpack.i.u.bf16.f32 v23;
	v16 =	vunpack.i.l.bf16.f32 v23;
	[tilespmem:s19+$0x50] =	vst v15  }
.Ltmp5:
0x34c: {  	v17 =	vadd.s32 $0x4, v21;
	v15 =	vmul.f32 v8, v16;
	v14 =	vmul.f32 v8, v14;
	v8 =	vld [tilespmem:s8+$0xFFFFFF40];
	[tilespmem:s19+$0xC0] =	vst v12;
	(pc) =	sbr.rel @p1 .LBB2_9-.Ltmp5, $4  }
0x34d: {  	s5 =	sadd.s32 $0x7, s23;
	v12 =	vbroadcast v17, $0x0;
	v16 =	vunpack.i.u.bf16.f32 v20;
	v17 =	vunpack.i.l.bf16.f32 v20;
	[tilespmem:s19+$0xD0] =	vst v22  }
0x34e: {  	v20 =	vmov s5;
	v19 =	vmul.f32 v7, v17;
	v16 =	vmul.f32 v7, v16;
	v7 =	vld [tilespmem:s8+$0xFFFFFF80];
	[tilespmem:s19+$0x140] =	vst v24  }
0x34f: {  	v17 =	vshrl.u32 v20, $0x3;
	v22 =	vunpack.i.u.bf16.f32 v26;
	v20 =	vunpack.i.l.bf16.f32 v26;
	[tilespmem:s19+$0x150] =	vst v25  }
0x350: {  	s23 =	sadd.s32 $0x8, s23;
	v21 =	vshll.u32 v17, v0;
	[tilespmem:s19+$0xFFFFFE40] =	vst v18;
	v20 =	vmul.f32 v6, v20;
	v17 =	vmul.f32 v6, v22;
	v18 =	vld [tilespmem:s8+$0xFFFFFFC0]  }
0x351: {  	[tilespmem:s19+$0xFFFFFE50] =	vst v13  }
0x352: {  	[tilespmem:s19+$0xFFFFFEE0] =	vst v15  }
0x353: {  	[tilespmem:s19+$0xFFFFFEF0] =	vst v14  }
0x354: {  	[tilespmem:s19+$0xFFFFFF60] =	vst v19  }
0x355: {  	v6 =	vadd.s32 $0x7, v21;
	[tilespmem:s19+$0xFFFFFF70] =	vst v16  }
0x356: {  	v35 =	vunpack.i.l.bf16.f32 v8;
	v36 =	vunpack.i.u.bf16.f32 v8;
	[tilespmem:s19+$0x1E0] =	vst v5;
	v5 =	vld.idx.msk [tilespmem:v12+s17+$0x0], $0xffff;
	v6 =	vbroadcast v6, $0x0  }
0x357: {  	s5 =	sadd.s32 $0x5, s21;
	s23 =	sadd.s32 $0x6, s21;
	v56 =	vmov s21;
	v13 =	vmul.f32 v1, v35;
	[tilespmem:s19+$0xFFFFFFE0] =	vst v20;
	v37 =	vld [tilespmem:s8+$0xFFFFFE40];
	v8 =	vmul.f32 v1, v36;
	s8 =	sadd.s32 $0x200, s8  }
0x358: {  	[tilespmem:s19+$0xFFFFFFF0] =	vst v17;
	v41 =	vmov s5;
	v46 =	vmov s23;
	v1 =	vunpack.i.l.bf16.f32 v7;
	v40 =	vld [tilespmem:s8+$0xFFFFFFD0]  }
0x359: {  	v60 =	vshrl.u32 v56, $0x3;
	v38 =	vunpack.i.u.bf16.f32 v7;
	v47 =	vld [tilespmem:s8+$0xFFFFFE50];
	v39 =	vmul.f32 v4, v1;
	[tilespmem:s19+$0x60] =	vst v13  }
0x35a: {  	v44 =	vshrl.u32 v41, $0x3;
	v7 =	vmul.f32 v4, v38;
	[tilespmem:s19+$0x70] =	vst v8;
	v4 =	vld.idx.msk [tilespmem:v9+s17+$0x0], $0xffff;
	v42 =	vunpack.i.l.bf16.f32 v18  }
0x35b: {  	v61 =	vld [tilespmem:s8+$0xFFFFFF10];
	v22 =	vshll.u32 v60, v0;
	v43 =	vunpack.i.u.bf16.f32 v18;
	v45 =	vmul.f32 v3, v42;
	[tilespmem:s19+$0xE0] =	vst v39  }
0x35c: {  	v13 =	vshrl.u32 v46, $0x3;
	[tilespmem:s19+$0xF0] =	vst v7;
	v49 =	vunpack.i.l.bf16.f32 v37;
	v1 =	vld.idx.msk [tilespmem:v6+s17+$0x0], $0xffff;
	v6 =	vmul.f32 v3, v43  }
0x35d: {  	v57 =	vld [tilespmem:s8+$0xFFFFFED0];
	v13 =	vshll.u32 v13, v0;
	v48 =	vunpack.i.u.bf16.f32 v37;
	[tilespmem:s19+$0x160] =	vst v45;
	v50 =	vmul.f32 v2, v49  }
0x35e: {  	v58 =	vadd.s32 $0x6, v13;
	v7 =	vmul.f32 v2, v48;
	v2 =	vld.idx.msk [tilespmem:v11+s17+$0x0], $0xffff;
	v59 =	vunpack.i.l.bf16.f32 v47;
	[tilespmem:s19+$0x170] =	vst v6  }
0x35f: {  	v51 =	vld [tilespmem:s8+$0xFFFFFE90];
	v63 =	vbroadcast v58, $0x0;
	v62 =	vunpack.i.u.bf16.f32 v47;
	v12 =	vmul.f32 v4, v59;
	[tilespmem:s16+$0xFFFFFE60] =	vst v50  }
0x360: {  	s21 =	sadd.s32 $0x400, s19;
	v8 =	vshll.u32 v44, v0;
	v3 =	vld.idx.msk [tilespmem:v10+s17+$0x0], $0xffff;
	v13 =	vunpack.i.u.bf16.f32 v61;
	v14 =	vmul.f32 v4, v62;
	[tilespmem:s16+$0xFFFFFE70] =	vst v7  }
0x361: {  	v52 =	vunpack.i.l.bf16.f32 v40;
	v11 =	vbroadcast v22, $0x0;
	v34 =	vmul.f32 v5, v13;
	[tilespmem:s21+$0xFFFFFE80] =	vst v12  }
0x362: {  	v53 =	vadd.s32 $0x5, v8;
	v23 =	vunpack.i.l.bf16.f32 v57;
	[tilespmem:s21+$0xFFFFFE90] =	vst v14;
	v55 =	vmul.f32 v1, v52  }
0x363: {  	v54 =	vunpack.i.u.bf16.f32 v40;
	v6 =	vbroadcast v53, $0x0;
	[tilespmem:s21+$0x10] =	vst v34;
	v35 =	vld [tilespmem:s8+$0xFFFFFE60];
	v7 =	vmul.f32 v2, v23  }
0x364: {  	v27 =	vld [tilespmem:s8+$0xFFFFFF90];
	v20 =	vunpack.i.l.bf16.f32 v51;
	v8 =	vmul.f32 v1, v54;
	[tilespmem:s21+$0x180] =	vst v55  }
0x365: {  	v10 =	vunpack.i.u.bf16.f32 v51;
	v9 =	vmul.f32 v3, v20;
	[tilespmem:s21+$0xFFFFFF80] =	vst v7;
	v7 =	vld.idx.msk [tilespmem:v63+s17+$0x0], $0xffff  }
0x366: {  	v31 =	vld [tilespmem:s8+$0xFFFFFE10];
	v25 =	vunpack.i.u.bf16.f32 v57;
	v10 =	vmul.f32 v3, v10;
	[tilespmem:s21+$0x190] =	vst v8  }
0x367: {  	v26 =	vunpack.i.l.bf16.f32 v61;
	v14 =	vmul.f32 v2, v25;
	[tilespmem:s21+$0xFFFFFF00] =	vst v9;
	v8 =	vld.idx.msk [tilespmem:v11+s17+$0x0], $0xffff  }
0x368: {  	v24 =	vld [tilespmem:s8+$0xFFFFFF50];
	[tilespmem:s21+$0xFFFFFF10] =	vst v10;
	v9 =	vmul.f32 v5, v26;
	v13 =	vunpack.i.u.bf16.f32 v35  }
0x369: {  	v37 =	vunpack.i.l.bf16.f32 v27;
	[tilespmem:s21+$0xFFFFFF90] =	vst v14;
	v6 =	vld.idx.msk [tilespmem:v6+s17+$0x0], $0xffff;
	v49 =	vmul.f32 v4, v13  }
0x36a: {  	v10 =	vunpack.i.u.bf16.f32 v27;
	v21 =	vld [tilespmem:s8+$0xFFFFFFE0];
	[tilespmem:s21+$0x0] =	vst v9;
	v9 =	vmul.f32 v7, v37  }
0x36b: {  	v39 =	vunpack.i.l.bf16.f32 v31;
	v10 =	vmul.f32 v7, v10;
	[tilespmem:s21+$0xFFFFFEB0] =	vst v49  }
0x36c: {  	v40 =	vunpack.i.u.bf16.f32 v31;
	v41 =	vld [tilespmem:s8+$0xFFFFFEA0];
	v14 =	vmul.f32 v8, v39;
	[tilespmem:s21+$0x100] =	vst v9  }
0x36d: {  	v33 =	vunpack.i.l.bf16.f32 v24;
	v42 =	vmul.f32 v8, v40;
	[tilespmem:s21+$0x110] =	vst v10  }
0x36e: {  	v12 =	vunpack.i.u.bf16.f32 v24;
	v44 =	vld [tilespmem:s8+$0xFFFFFEE0];
	v36 =	vmul.f32 v6, v33;
	[tilespmem:s21+$0xFFFFFE00] =	vst v14  }
0x36f: {  	v28 =	vunpack.i.l.bf16.f32 v21;
	v12 =	vmul.f32 v6, v12;
	[tilespmem:s21+$0xFFFFFE10] =	vst v42  }
0x370: {  	v29 =	vunpack.i.u.bf16.f32 v21;
	v30 =	vmul.f32 v1, v28;
	[tilespmem:s21+$0x80] =	vst v36  }
0x371: {  	v48 =	vld [tilespmem:s8+$0xFFFFFF20];
	v50 =	vunpack.i.l.bf16.f32 v41;
	v32 =	vmul.f32 v1, v29;
	[tilespmem:s21+$0x90] =	vst v12  }
0x372: {  	v51 =	vunpack.i.u.bf16.f32 v41;
	v13 =	vmul.f32 v3, v50;
	v55 =	vld [tilespmem:s8+$0xFFFFFFA0];
	[tilespmem:s21+$0x1A0] =	vst v30  }
0x373: {  	v54 =	vunpack.i.l.bf16.f32 v44;
	v53 =	vmul.f32 v3, v51;
	[tilespmem:s21+$0x1B0] =	vst v32  }
0x374: {  	v43 =	vunpack.i.l.bf16.f32 v35;
	v11 =	vmul.f32 v2, v54;
	v59 =	vld [tilespmem:s8+$0xFFFFFE20];
	[tilespmem:s21+$0xFFFFFF20] =	vst v13  }
0x375: {  	v10 =	vunpack.i.u.bf16.f32 v44;
	v12 =	vmul.f32 v4, v43;
	[tilespmem:s21+$0xFFFFFF30] =	vst v53  }
0x376: {  	v10 =	vmul.f32 v2, v10;
	v56 =	vunpack.i.l.bf16.f32 v48;
	v52 =	vld [tilespmem:s8+$0xFFFFFF60];
	[tilespmem:s21+$0xFFFFFFA0] =	vst v11  }
0x377: {  	v58 =	vmul.f32 v5, v56;
	[tilespmem:s21+$0xFFFFFEA0] =	vst v12;
	v21 =	vunpack.i.l.bf16.f32 v55  }
0x378: {  	v38 =	vld [tilespmem:s8+$0xFFFFFFF0];
	[tilespmem:s21+$0xFFFFFFB0] =	vst v10;
	v22 =	vunpack.i.u.bf16.f32 v55;
	v23 =	vmul.f32 v7, v21  }
0x379: {  	[tilespmem:s21+$0x20] =	vst v58;
	v26 =	vunpack.i.l.bf16.f32 v59;
	v25 =	vmul.f32 v7, v22  }
0x37a: {  	v24 =	vld [tilespmem:s8+$0xFFFFFEB0];
	v11 =	vunpack.i.u.bf16.f32 v59;
	v10 =	vmul.f32 v8, v26;
	[tilespmem:s21+$0x120] =	vst v23  }
0x37b: {  	v60 =	vunpack.i.l.bf16.f32 v52;
	v11 =	vmul.f32 v8, v11;
	[tilespmem:s21+$0x130] =	vst v25  }
0x37c: {  	v15 =	vunpack.i.u.bf16.f32 v52;
	v61 =	vmul.f32 v6, v60;
	[tilespmem:s21+$0xFFFFFE20] =	vst v10  }
0x37d: {  	v63 =	vld [tilespmem:s8+$0xFFFFFE70];
	v45 =	vunpack.i.l.bf16.f32 v38;
	v20 =	vmul.f32 v6, v15;
	[tilespmem:s21+$0xFFFFFE30] =	vst v11  }
0x37e: {  	v46 =	vunpack.i.u.bf16.f32 v38;
	v47 =	vmul.f32 v1, v45;
	[tilespmem:s21+$0xA0] =	vst v61  }
0x37f: {  	v27 =	vld [tilespmem:s8+$0xFFFFFEF0];
	v31 =	vunpack.i.l.bf16.f32 v24;
	v9 =	vmul.f32 v1, v46;
	[tilespmem:s21+$0xB0] =	vst v20  }
0x380: {  	v32 =	vunpack.i.u.bf16.f32 v24;
	v10 =	vmul.f32 v3, v31;
	[tilespmem:s21+$0x1C0] =	vst v47  }
0x381: {  	v57 =	vunpack.i.u.bf16.f32 v48;
	v11 =	vmul.f32 v3, v32;
	[tilespmem:s21+$0x1D0] =	vst v9;
	v33 =	vld [tilespmem:s8+$0xFFFFFF70]  }
0x382: {  	v28 =	vunpack.i.l.bf16.f32 v63;
	v9 =	vmul.f32 v5, v57;
	[tilespmem:s21+$0xFFFFFF40] =	vst v10  }
0x383: {  	v29 =	vunpack.i.u.bf16.f32 v63;
	v13 =	vmul.f32 v4, v28;
	[tilespmem:s21+$0xFFFFFF50] =	vst v11;
	v12 =	vld [tilespmem:s8+$0x0]  }
0x384: {  	v34 =	vunpack.i.l.bf16.f32 v27;
	v39 =	vld [tilespmem:s8+$0xFFFFFE30];
	[tilespmem:s21+$0x30] =	vst v9;
	v9 =	vmul.f32 v4, v29  }
0x385: {  	v35 =	vunpack.i.u.bf16.f32 v27;
	[tilespmem:s21+$0xFFFFFEC0] =	vst v13;
	v13 =	vmul.f32 v2, v34  }
0x386: {  	[tilespmem:s21+$0xFFFFFED0] =	vst v9;
	v9 =	vmul.f32 v2, v35;
	v40 =	vunpack.i.l.bf16.f32 v33  }
0x387: {  	v30 =	vld [tilespmem:s8+$0xFFFFFF30];
	[tilespmem:s21+$0xFFFFFFC0] =	vst v13;
	v41 =	vunpack.i.u.bf16.f32 v33;
	v13 =	vmul.f32 v6, v40  }
0x388: {  	v62 =	vunpack.i.u.bf16.f32 v12;
	[tilespmem:s21+$0xFFFFFFD0] =	vst v9;
	v9 =	vmul.f32 v6, v41  }
0x389: {  	v36 =	vld [tilespmem:s8+$0xFFFFFFB0];
	v46 =	vunpack.i.l.bf16.f32 v39;
	v19 =	vmul.f32 v1, v62;
	[tilespmem:s21+$0xC0] =	vst v13  }
0x38a: {  	v47 =	vunpack.i.u.bf16.f32 v39;
	[tilespmem:s21+$0xD0] =	vst v9;
	v13 =	vmul.f32 v8, v46  }
0x38b: {  	v42 =	vld [tilespmem:s8+$0xFFFFFE80];
	v62 =	vunpack.i.l.bf16.f32 v12;
	v9 =	vmul.f32 v8, v47;
	[tilespmem:s21+$0x1F0] =	vst v19  }
0x38c: {  	v37 =	vunpack.i.l.bf16.f32 v30;
	v1 =	vmul.f32 v1, v62;
	[tilespmem:s21+$0xFFFFFE40] =	vst v13  }
0x38d: {  	v45 =	vld [tilespmem:s8+$0xFFFFFEC0];
	v38 =	vunpack.i.u.bf16.f32 v30;
	v10 =	vmul.f32 v5, v37;
	[tilespmem:s21+$0xFFFFFE50] =	vst v9  }
0x38e: {  	v43 =	vunpack.i.l.bf16.f32 v36;
	v48 =	vld [tilespmem:s8+$0xFFFFFF00];
	v11 =	vmul.f32 v5, v38;
	[tilespmem:s21+$0x1E0] =	vst v1  }
0x38f: {  	v44 =	vunpack.i.u.bf16.f32 v36;
	[tilespmem:s21+$0x40] =	vst v10;
	v10 =	vmul.f32 v7, v43  }
0x390: {  	v49 =	vunpack.i.l.bf16.f32 v42;
	[tilespmem:s21+$0x50] =	vst v11;
	v11 =	vmul.f32 v7, v44  }
0x391: {  	v54 =	vld [tilespmem:s8+$0xFFFFFF80];
	v50 =	vunpack.i.u.bf16.f32 v42;
	[tilespmem:s21+$0x140] =	vst v10;
	v10 =	vmul.f32 v4, v49  }
0x392: {  	v52 =	vunpack.i.l.bf16.f32 v45;
	v51 =	vld [tilespmem:s8+$0xFFFFFF40];
	[tilespmem:s21+$0x150] =	vst v11;
	v4 =	vmul.f32 v4, v50  }
0x393: {  	v55 =	vunpack.i.l.bf16.f32 v48;
	v56 =	vunpack.i.u.bf16.f32 v48;
	v11 =	vmul.f32 v3, v52;
	[tilespmem:s21+$0xFFFFFEE0] =	vst v10  }
0x394: {  	v53 =	vunpack.i.u.bf16.f32 v45;
	v9 =	vmul.f32 v2, v55;
	v2 =	vmul.f32 v2, v56;
	[tilespmem:s21+$0xFFFFFEF0] =	vst v4  }
0x395: {  	v59 =	vld [tilespmem:s8+$0xFFFFFE40];
	v3 =	vmul.f32 v3, v53;
	[tilespmem:s21+$0xFFFFFF60] =	vst v11  }
0x396: {  	v57 =	vld [tilespmem:s8+$0xFFFFFFC0];
	[tilespmem:s21+$0xFFFFFFF0] =	vst v2;
	v2 =	vunpack.i.u.bf16.f32 v54  }
0x397: {  	[tilespmem:s21+$0xFFFFFF70] =	vst v3;
	v2 =	vmul.f32 v6, v2;
	v58 =	vunpack.i.l.bf16.f32 v51  }
0x398: {  	[tilespmem:s21+$0xFFFFFFE0] =	vst v9;
	v3 =	vunpack.i.u.bf16.f32 v51;
	v4 =	vmul.f32 v5, v58  }
0x399: {  	v60 =	vunpack.i.l.bf16.f32 v54;
	v3 =	vmul.f32 v5, v3;
	[tilespmem:s21+$0xF0] =	vst v2  }
0x39a: {  	v5 =	vmul.f32 v6, v60;
	v2 =	vunpack.i.l.bf16.f32 v59;
	[tilespmem:s21+$0x60] =	vst v4  }
0x39b: {  	v2 =	vmul.f32 v8, v2;
	[tilespmem:s21+$0x70] =	vst v3;
	v3 =	vunpack.i.u.bf16.f32 v57  }
0x39c: {  	v61 =	vunpack.i.l.bf16.f32 v57;
	[tilespmem:s21+$0xE0] =	vst v5;
	v3 =	vmul.f32 v7, v3  }
.Ltmp6:
0x39d: {  	v63 =	vunpack.i.u.bf16.f32 v59;
	v4 =	vmul.f32 v7, v61;
	[tilespmem:s21+$0xFFFFFE60] =	vst v2;
	(pc) =	sbr.rel @p0 .LBB2_12-.Ltmp6, $4  }
0x39e: {  	[tilespmem:s21+$0x170] =	vst v3;
	v3 =	vmul.f32 v8, v63  }
0x39f: {  	[tilespmem:s21+$0x160] =	vst v4  }
0x3a0: {  	s23 =	simm.s32 $0x190;
	[tilespmem:s21+$0xFFFFFE70] =	vst v3  }
0x3a1: {  	[spmem:s4] =	stream.indirect.scatter.add.f32 [tilespmem:s29], [sflag:$0x3], $0x80, s23, s22, $0xb8;
	[tilespmem:$0x1FEA0] =	vst v63  }
.Ltmp7:
0x3a2: {  	s5 =	sadd.s32 s18, s14;
	(pc) =	sbr.rel .LBB2_2-.Ltmp7, $3  }
0x3a3: {  	s5 =	smul.u32 $0xF, s5;
	_ =	sdelay $0x1  }
0x3a4: {  	s8 =	simm.s32 $0x0;
	s7 =	sadd.s32 $0x1, s7;
	s5 =	sadd.s32 s0, s5  }
0x3a5: {  	[tilespmem:s20], [sflag:$0x5] =	stream.linear.gather [hbm4b:s5+s8], $0x78, $0x38;
	[tilespmem:$0x1FEA0] =	vst v63  }
.LBB2_13:
0x3a6: {  	_ =	sfence.sel $0x180000  }
0x3a7: {  	[bflag:$0x0] =	sbarrier.arrive $0xFFFF  }
0x3a8: {  	_ =	strace $0x90000047  }
0x3a9: {  	s0 =	stileid.u32;
	[bflag:$0x2] =	sbarrier.arrive $0xFFFF  }
0x3aa: {  	p0 =	sne.s32 s0, $0x0;
	s0 =	rddreg [dreg:$0x4]  }
0x3ab: {  	s0 =	sadd.s32 @!p0 $0x100000, s0  }
0x3ac: {  	[sflag:s0] =	ssyncadd.tile.s32 @!p0 $0x1;
	_ =	shalt  }
.Lfunc_end2:
_tile_overlayer_lowered:
.L_overlay_start_2:
0x3ad: {  	(tag) =	ssettag $0x2  }
0x3ae: {  	s0 =	rddreg [dreg:$0x0];
	s2 =	stileid.u32  }
0x3af: {  	s1 =	rddreg [dreg:$0x1];
	p0 =	sne.s32 s2, $0x0  }
0x3b0: {  	s3 =	rddreg [dreg:$0x2];
	[bflag:$0x3] =	sbarrier.arrive $0xFFFF;
	s2 =	simm.s32 @!p0 $0x1C08  }
0x3b1: {  	[timem:s3], [sflag:s2] =	dma.local @!p0 [hbm:s0], s1  }
0x3b2: {  	s0 =	simm.s32 @!p0 $0x8  }
0x3b3: {  	_ =	swait.ge @!p0 [sflag:s0], s1  }
0x3b4: {  	s1 =	ssub.s32 @!p0 $0x0, s1;
	[sflag:s0] =	ssyncset.done @!p0 $0x0  }
0x3b5: {  	[sflag:s0] =	ssyncadd.s32 @!p0 s1  }
0x3b6: {  	[bflag:$0x3] =	sbarrier.arrive $0xFFFF  }
0x3b7: {  	_ =	shalt  }

</sc_bundles>
